<compile_context>
chip_gen: v7x
topology: tpu7x:2x2x1
jax: 0.10.2.dev20260603
libtpu: 0.0.44.dev20260713+nightly
codegen_flags: <defaults>
</compile_context>

<pallas_src>
import functools

import jax
import jax.numpy as jnp
from jax import lax
from jax.experimental import pallas as pl
from jax.experimental.pallas import tpu as pltpu
from jax.experimental.pallas import tpu_sc as plsc

N = 10000
D = 128
H = 128
C = 40

NC = 2
NS = 16
NW = NC * NS
NP = 10240
RPT = NP // NS

W1P = 128
W2P = 48
CW = 8

EB = 128
ECH = 8
NB0 = 144
NB1 = 16

BM = 2000


def _tc_layer1(x, W1_l, W1_r, b1):

    def body(x_ref, wl_ref, wr_ref, b_ref, y1_ref, xr_ref):
        xb = x_ref[...]
        y1_ref[...] = jnp.dot(xb, wl_ref[...], preferred_element_type=jnp.float32)
        xr_ref[...] = jnp.dot(xb, wr_ref[...], preferred_element_type=jnp.float32) + b_ref[...]

    return pl.pallas_call(
        body,
        grid=(N // BM,),
        in_specs=[
            pl.BlockSpec((BM, D), lambda i: (i, 0)),
            pl.BlockSpec((D, H), lambda i: (0, 0)),
            pl.BlockSpec((D, H), lambda i: (0, 0)),
            pl.BlockSpec((1, H), lambda i: (0, 0)),
        ],
        out_specs=[
            pl.BlockSpec((BM, W1P), lambda i: (i, 0)),
            pl.BlockSpec((BM, H), lambda i: (i, 0)),
        ],
        out_shape=[
            jax.ShapeDtypeStruct((N, W1P), jnp.float32),
            jax.ShapeDtypeStruct((N, H), jnp.float32),
        ],
    )(x, W1_l, W1_r, b1.reshape(1, H))


def _tc_layer2(part1, cntp, xr1, W2_l, W2_r, b2):

    def body(p_ref, c_ref, xr_ref, wl_ref, wr_ref, b_ref, y2_ref, hr_ref, inv_ref):
        p = p_ref[0] + p_ref[1]
        cnt = (c_ref[0] + c_ref[1])[:, :1]
        inv = 1.0 / jnp.maximum(cnt, 1.0)
        h = jnp.maximum(p * inv + xr_ref[...], 0.0)
        y2_ref[:, :C] = jnp.dot(h, wl_ref[...], preferred_element_type=jnp.float32)
        y2_ref[:, C:] = jnp.zeros((BM, W2P - C), jnp.float32)
        hr_ref[...] = jnp.dot(h, wr_ref[...], preferred_element_type=jnp.float32) + b_ref[...]
        inv_ref[...] = jnp.broadcast_to(inv, (BM, 8))

    return pl.pallas_call(
        body,
        grid=(N // BM,),
        in_specs=[
            pl.BlockSpec((NC, BM, W1P), lambda i: (0, i, 0)),
            pl.BlockSpec((NC, BM, CW), lambda i: (0, i, 0)),
            pl.BlockSpec((BM, H), lambda i: (i, 0)),
            pl.BlockSpec((H, C), lambda i: (0, 0)),
            pl.BlockSpec((H, C), lambda i: (0, 0)),
            pl.BlockSpec((1, C), lambda i: (0, 0)),
        ],
        out_specs=[
            pl.BlockSpec((BM, W2P), lambda i: (i, 0)),
            pl.BlockSpec((BM, C), lambda i: (i, 0)),
            pl.BlockSpec((BM, 8), lambda i: (i, 0)),
        ],
        out_shape=[
            jax.ShapeDtypeStruct((N, W2P), jnp.float32),
            jax.ShapeDtypeStruct((N, C), jnp.float32),
            jax.ShapeDtypeStruct((N, 8), jnp.float32),
        ],
    )(part1, cntp, xr1, W2_l, W2_r, b2.reshape(1, C))


def _tc_out(part2, inv, hr2):

    def body(p_ref, inv_ref, hr_ref, o_ref):
        p = p_ref[0] + p_ref[1]
        o_ref[...] = p[:, :C] * inv_ref[:, :1] + hr_ref[...]

    return pl.pallas_call(
        body,
        grid=(N // BM,),
        in_specs=[
            pl.BlockSpec((NC, BM, W2P), lambda i: (0, i, 0)),
            pl.BlockSpec((BM, 8), lambda i: (i, 0)),
            pl.BlockSpec((BM, C), lambda i: (i, 0)),
        ],
        out_specs=pl.BlockSpec((BM, C), lambda i: (i, 0)),
        out_shape=jax.ShapeDtypeStruct((N, C), jnp.float32),
    )(part2, inv, hr2)


def _seg_sum(table, src2, dst2, zeros, zcnt, ones, width, with_counts, tiled=False):
    mesh = plsc.VectorSubcoreMesh(
        core_axis_name="c", subcore_axis_name="s", num_cores=NC, num_subcores=NS)

    out_type = [jax.ShapeDtypeStruct((NC, N, width), jnp.float32)]
    scratch = [
        pltpu.VMEM_SHARED((NP, width), jnp.float32),
        pltpu.VMEM((ECH, EB), jnp.int32),
        pltpu.VMEM((ECH, EB), jnp.int32),
        pltpu.VMEM((EB, width), jnp.float32),
        pltpu.VMEM((EB, width), jnp.float32),
        pltpu.SemaphoreType.DMA,
        pltpu.SemaphoreType.DMA,
    ]
    if with_counts:
        out_type.append(jax.ShapeDtypeStruct((NC, N, CW), jnp.float32))
        scratch += [
            pltpu.VMEM_SHARED((NP, CW), jnp.float32),
            pltpu.VMEM((EB, CW), jnp.float32),
        ]

    @functools.partial(
        pl.kernel,
        out_type=out_type,
        mesh=mesh,
        scratch_types=scratch,
        compiler_params=pltpu.CompilerParams(use_tc_tiling_on_sc=tiled),
    )
    def body(table_hbm, src_hbm, dst_hbm, zeros_hbm, zcnt_hbm, ones_hbm, *rest):
        if with_counts:
            (out_hbm, cnt_hbm, acc, src_v, dst_v, rows0, rows1, sem0, sem1,
             cacc, ones_v) = rest
        else:
            out_hbm, acc, src_v, dst_v, rows0, rows1, sem0, sem1 = rest
        c = lax.axis_index("c")
        s = lax.axis_index("s")
        base = jnp.where(c == 0, s * NB0, NS * NB0 + s * NB1)
        my_chunks = jnp.where(c == 0, NB0 // ECH, NB1 // ECH)
        pltpu.sync_copy(zeros_hbm, acc.at[pl.ds(s * RPT, RPT)])
        if with_counts:
            pltpu.sync_copy(zcnt_hbm, cacc.at[pl.ds(s * RPT, RPT)])
            pltpu.sync_copy(ones_hbm, ones_v)
        plsc.subcore_barrier()

        def chunk(ci, carry):
            pltpu.sync_copy(src_hbm.at[pl.ds(base + ci * ECH, ECH)], src_v)
            pltpu.sync_copy(dst_hbm.at[pl.ds(base + ci * ECH, ECH)], dst_v)
            pltpu.async_copy(table_hbm.at[src_v.at[0]], rows0, sem0)
            for jj in range(ECH // 2):
                j0 = 2 * jj
                j1 = j0 + 1
                pltpu.async_copy(table_hbm.at[src_v.at[j1]], rows1, sem1)
                pltpu.make_async_copy(table_hbm.at[src_v.at[j0]], rows0, sem0).wait()
                pltpu.sync_copy(rows0, acc.at[dst_v.at[j0]], add=True)
                if with_counts:
                    pltpu.sync_copy(ones_v, cacc.at[dst_v.at[j0]], add=True)
                if jj < ECH // 2 - 1:
                    pltpu.async_copy(table_hbm.at[src_v.at[j0 + 2]], rows0, sem0)
                pltpu.make_async_copy(table_hbm.at[src_v.at[j1]], rows1, sem1).wait()
                pltpu.sync_copy(rows1, acc.at[dst_v.at[j1]], add=True)
                if with_counts:
                    pltpu.sync_copy(ones_v, cacc.at[dst_v.at[j1]], add=True)
            return carry

        lax.fori_loop(0, my_chunks, chunk, 0)
        plsc.subcore_barrier()

        last = (N // RPT) * RPT
        rem = N - last

        @pl.when(s * RPT < last)
        def _():
            pltpu.sync_copy(acc.at[pl.ds(s * RPT, RPT)],
                            out_hbm.at[c, pl.ds(s * RPT, RPT)])
            if with_counts:
                pltpu.sync_copy(cacc.at[pl.ds(s * RPT, RPT)],
                                cnt_hbm.at[c, pl.ds(s * RPT, RPT)])

        @pl.when(s * RPT >= last)
        def _():
            pltpu.sync_copy(acc.at[pl.ds(last, rem)],
                            out_hbm.at[c, pl.ds(last, rem)])
            if with_counts:
                pltpu.sync_copy(cacc.at[pl.ds(last, rem)],
                                cnt_hbm.at[c, pl.ds(last, rem)])

    return body(table, src2, dst2, zeros, zcnt, ones)


def kernel(x, edge_index, W1_l, W1_r, b1, W2_l, W2_r, b2):
    E = edge_index.shape[1]
    totb = NS * (NB0 + NB1)
    EP = totb * EB
    assert EP >= E
    pad = EP - E
    src2 = jnp.concatenate(
        [edge_index[0], jnp.zeros((pad,), jnp.int32)]).reshape(totb, EB)
    dst2 = jnp.concatenate(
        [edge_index[1], N + jnp.arange(pad, dtype=jnp.int32) % (NP - N)]
    ).reshape(totb, EB)
    zeros1 = jnp.zeros((RPT, W1P), jnp.float32)
    zeros2 = jnp.zeros((RPT, W2P), jnp.float32)
    zcnt = jnp.zeros((RPT, CW), jnp.float32)
    ones = jnp.ones((EB, CW), jnp.float32)

    y1, xr1 = _tc_layer1(x, W1_l, W1_r, b1)
    part1, cntp = _seg_sum(y1, src2, dst2, zeros1, zcnt, ones, W1P, True)
    y2p, hr2, inv = _tc_layer2(part1, cntp, xr1, W2_l, W2_r, b2)
    (part2,) = _seg_sum(y2p, src2, dst2, zeros2, zcnt, ones, W2P, False)
    out = _tc_out(part2, inv, hr2)
    return (out, edge_index)

# --- scband reference (transcript-rebuilt; emitter-appended) ---
"""Pipeline reference for scband-sageconvolution-81140522156079 (READ-ONLY COPY).

The authoritative reference and input builder live on the scoring server;
editing this copy changes nothing except your own understanding.
"""

import jax, jax.numpy as jnp
import numpy as np

N = 10000
E = 320000
D = 128
H = 128
C = 40


def setup_inputs(seed: int = 0) -> dict:
    key = jax.random.key(seed)
    ks = jax.random.split(key, 9)
    x = jax.random.normal(ks[0], (N, D), dtype=jnp.float32)
    edge_index = jax.random.randint(ks[1], (2, E), 0, N, dtype=jnp.int32)
    s = 1.0 / np.sqrt(D)
    sh = 1.0 / np.sqrt(H)
    W1_l = jax.random.normal(ks[2], (D, H), dtype=jnp.float32) * s
    W1_r = jax.random.normal(ks[3], (D, H), dtype=jnp.float32) * s
    b1 = jnp.zeros((H,), dtype=jnp.float32)
    W2_l = jax.random.normal(ks[4], (H, C), dtype=jnp.float32) * sh
    W2_r = jax.random.normal(ks[5], (H, C), dtype=jnp.float32) * sh
    b2 = jnp.zeros((C,), dtype=jnp.float32)
    return {"x": x, "edge_index": edge_index, "W1_l": W1_l, "W1_r": W1_r, "b1": b1, "W2_l": W2_l, "W2_r": W2_r, "b2": b2}


def _sage_conv(x, edge_index, W_l, W_r, b, num_nodes):
    # PyG SAGEConv with default mean aggregation:
    # out = lin_l(mean_{j in N(i)} x_j) + lin_r(x_i) + bias
    src = edge_index[0]
    dst = edge_index[1]
    msgs = x[src]  # gather source node features
    agg = jax.ops.segment_sum(msgs, dst, num_segments=num_nodes)
    cnt = jax.ops.segment_sum(jnp.ones((msgs.shape[0], 1), dtype=x.dtype), dst, num_segments=num_nodes)
    mean = agg / jnp.clip(cnt, 1.0, None)
    return mean @ W_l + x @ W_r + b


def reference(x, edge_index, W1_l, W1_r, b1, W2_l, W2_r, b2):
    h = _sage_conv(x, edge_index, W1_l, W1_r, b1, N)
    h = jax.nn.relu(h)
    # F.dropout(x, training=self.training): identity in eval mode
    out = _sage_conv(h, edge_index, W2_l, W2_r, b2, N)
    return (out, edge_index)

if __name__ == "__main__":
    import jax
    _d = setup_inputs()
    print(jax.jit(kernel)(*tuple(_d.values())))

</pallas_src>

<mosaic_0001>
#map = affine_map<(d0, d1) -> (0, 0)>
#map1 = affine_map<(d0, d1) -> (0, 0, 0)>
module attributes {stable_mosaic.version = 14 : i64} {
  func.func @body(%arg0: i32, %arg1: i32, %arg2: memref<10000x128xf32, #tpu.memory_space<hbm>>, %arg3: memref<2560x128xi32, #tpu.memory_space<hbm>>, %arg4: memref<2560x128xi32, #tpu.memory_space<hbm>>, %arg5: memref<640x128xf32, #tpu.memory_space<hbm>>, %arg6: memref<640x8xf32, #tpu.memory_space<hbm>>, %arg7: memref<128x8xf32, #tpu.memory_space<hbm>>, %arg8: memref<2x10000x128xf32, #tpu.memory_space<hbm>>, %arg9: memref<2x10000x8xf32, #tpu.memory_space<hbm>>, %arg10: memref<10240x128xf32, #tpu.memory_space<vmem_shared>>, %arg11: memref<8x128xi32, #tpu.memory_space<vmem>>, %arg12: memref<8x128xi32, #tpu.memory_space<vmem>>, %arg13: memref<128x128xf32, #tpu.memory_space<vmem>>, %arg14: memref<128x128xf32, #tpu.memory_space<vmem>>, %arg15: memref<!tpu.dma_semaphore, #tpu.memory_space<semaphore_mem>>, %arg16: memref<!tpu.dma_semaphore, #tpu.memory_space<semaphore_mem>>, %arg17: memref<10240x8xf32, #tpu.memory_space<vmem_shared>>, %arg18: memref<128x8xf32, #tpu.memory_space<vmem>>) attributes {dimension_semantics = [#tpu.dimension_semantics<core_parallel>, #tpu.dimension_semantics<subcore_parallel>], iteration_bounds = array<i64: 2, 16>, scalar_prefetch = 0 : i64, scratch_operands = 9 : i64, tpu.core_type = #tpu.core_type<sc_vector_subcore>, window_params = [{transform_indices = #map}, {transform_indices = #map}, {transform_indices = #map}, {transform_indices = #map}, {transform_indices = #map}, {transform_indices = #map}, {transform_indices = #map1}, {transform_indices = #map1}]} {
    %eq3A = arith.constant 0 : i32
    %eq3A_0 = arith.cmpi eq, %arg0, %eq3A : i32
    %mul3A = arith.constant 144 : i32
    %mul3A_1 = arith.muli %arg1, %mul3A : i32
    %mul3A_2 = arith.constant 16 : i32
    %mul3A_3 = arith.muli %arg1, %mul3A_2 : i32
    %add3A = arith.constant 2304 : i32
    %add3A_4 = arith.addi %add3A, %mul3A_3 : i32
    %select_n3A = arith.select %eq3A_0, %mul3A_1, %add3A_4 : i32
    %eq3A_5 = arith.constant 0 : i32
    %eq3A_6 = arith.cmpi eq, %arg0, %eq3A_5 : i32
    %jit3A = arith.constant 18 : i32
    %jit3A_7 = arith.constant 2 : i32
    %select_n3A_8 = arith.select %eq3A_6, %jit3A, %jit3A_7 : i32
    %mul3A_9 = arith.constant 640 : i32
    %mul3A_10 = arith.muli %arg1, %mul3A_9 : i32
    "tpu.region"() ({
      %run_scoped3A = tpu.sem_alloc : memref<!tpu.dma_semaphore, #tpu.memory_space<semaphore_mem>>
      %dma_start3A = arith.constant 0 : i32
      %dma_start3A_33 = tpu.memref_slice %arg10[%mul3A_10, %dma_start3A] : memref<10240x128xf32, #tpu.memory_space<vmem_shared>> -> memref<640x128xf32, #tpu.memory_space<vmem_shared>>
      tpu.enqueue_dma source(%arg5 : memref<640x128xf32, #tpu.memory_space<hbm>>) target(%dma_start3A_33 : memref<640x128xf32, #tpu.memory_space<vmem_shared>>) target_semaphore(%run_scoped3A : memref<!tpu.dma_semaphore, #tpu.memory_space<semaphore_mem>>)
      %dma_wait3A = arith.constant 0 : i32
      %dma_wait3A_34 = tpu.memref_slice %arg10[%mul3A_10, %dma_wait3A] : memref<10240x128xf32, #tpu.memory_space<vmem_shared>> -> memref<640x128xf32, #tpu.memory_space<vmem_shared>>
      tpu.wait_dma2 semaphore(%run_scoped3A : memref<!tpu.dma_semaphore, #tpu.memory_space<semaphore_mem>>) src(%arg5 : memref<640x128xf32, #tpu.memory_space<hbm>>) dst(%dma_wait3A_34 : memref<640x128xf32, #tpu.memory_space<vmem_shared>>)
      tpu.yield
    }) : () -> ()
    %mul3A_11 = arith.constant 640 : i32
    %mul3A_12 = arith.muli %arg1, %mul3A_11 : i32
    "tpu.region"() ({
      %run_scoped3A = tpu.sem_alloc : memref<!tpu.dma_semaphore, #tpu.memory_space<semaphore_mem>>
      %dma_start3A = arith.constant 0 : i32
      %dma_start3A_33 = tpu.memref_slice %arg17[%mul3A_12, %dma_start3A] : memref<10240x8xf32, #tpu.memory_space<vmem_shared>> -> memref<640x8xf32, #tpu.memory_space<vmem_shared>>
      tpu.enqueue_dma source(%arg6 : memref<640x8xf32, #tpu.memory_space<hbm>>) target(%dma_start3A_33 : memref<640x8xf32, #tpu.memory_space<vmem_shared>>) target_semaphore(%run_scoped3A : memref<!tpu.dma_semaphore, #tpu.memory_space<semaphore_mem>>)
      %dma_wait3A = arith.constant 0 : i32
      %dma_wait3A_34 = tpu.memref_slice %arg17[%mul3A_12, %dma_wait3A] : memref<10240x8xf32, #tpu.memory_space<vmem_shared>> -> memref<640x8xf32, #tpu.memory_space<vmem_shared>>
      tpu.wait_dma2 semaphore(%run_scoped3A : memref<!tpu.dma_semaphore, #tpu.memory_space<semaphore_mem>>) src(%arg6 : memref<640x8xf32, #tpu.memory_space<hbm>>) dst(%dma_wait3A_34 : memref<640x8xf32, #tpu.memory_space<vmem_shared>>)
      tpu.yield
    }) : () -> ()
    "tpu.region"() ({
      %run_scoped3A = tpu.sem_alloc : memref<!tpu.dma_semaphore, #tpu.memory_space<semaphore_mem>>
      tpu.enqueue_dma source(%arg7 : memref<128x8xf32, #tpu.memory_space<hbm>>) target(%arg18 : memref<128x8xf32, #tpu.memory_space<vmem>>) target_semaphore(%run_scoped3A : memref<!tpu.dma_semaphore, #tpu.memory_space<semaphore_mem>>)
      tpu.wait_dma2 semaphore(%run_scoped3A : memref<!tpu.dma_semaphore, #tpu.memory_space<semaphore_mem>>) src(%arg7 : memref<128x8xf32, #tpu.memory_space<hbm>>) dst(%arg18 : memref<128x8xf32, #tpu.memory_space<vmem>>)
      tpu.yield
    }) : () -> ()
    %barrier3A = arith.constant 0 : index
    tpu.barrier barrier_id(%barrier3A)
    %while3A = arith.constant 0 : i32
    %while3A_13 = arith.constant 0 : i32
    %while3A_14 = arith.subi %select_n3A_8, %while3A_13 : i32
    %while3A_15 = arith.addi %while3A_13, %while3A_14 : i32
    %while3A_16 = arith.constant 1 : i32
    %while3A_17 = arith.divsi %while3A_14, %while3A_16 : i32
    %while3A_18 = arith.muli %while3A_17, %while3A_16 : i32
    %while3A_19 = arith.addi %while3A_13, %while3A_18 : i32
    %while3A_20 = arith.constant 1 : i32
    scf.for %while3A_33 = %while3A_13 to %while3A_19 step %while3A_20  : i32 {
      %mul3A_34 = arith.constant 8 : i32
      %mul3A_35 = arith.muli %while3A_33, %mul3A_34 : i32
      %add3A_36 = arith.addi %select_n3A, %mul3A_35 : i32
      "tpu.region"() ({
        %run_scoped3A_165 = tpu.sem_alloc : memref<!tpu.dma_semaphore, #tpu.memory_space<semaphore_mem>>
        %dma_start3A_166 = arith.constant 0 : i32
        %dma_start3A_167 = tpu.memref_slice %arg3[%add3A_36, %dma_start3A_166] : memref<2560x128xi32, #tpu.memory_space<hbm>> -> memref<8x128xi32, #tpu.memory_space<hbm>>
        %dma_start3A_168 = arith.constant 0 : i32
        %dma_start3A_169 = tpu.memref_slice %arg3[%add3A_36, %dma_start3A_168] : memref<2560x128xi32, #tpu.memory_space<hbm>> -> memref<8x128xi32, #tpu.memory_space<hbm>>
        tpu.enqueue_dma source(%dma_start3A_169 : memref<8x128xi32, #tpu.memory_space<hbm>>) target(%arg11 : memref<8x128xi32, #tpu.memory_space<vmem>>) target_semaphore(%run_scoped3A_165 : memref<!tpu.dma_semaphore, #tpu.memory_space<semaphore_mem>>)
        %dma_wait3A_170 = arith.constant 0 : i32
        %dma_wait3A_171 = tpu.memref_slice %arg3[%add3A_36, %dma_wait3A_170] : memref<2560x128xi32, #tpu.memory_space<hbm>> -> memref<8x128xi32, #tpu.memory_space<hbm>>
        %dma_wait3A_172 = arith.constant 0 : i32
        %dma_wait3A_173 = tpu.memref_slice %arg3[%add3A_36, %dma_wait3A_172] : memref<2560x128xi32, #tpu.memory_space<hbm>> -> memref<8x128xi32, #tpu.memory_space<hbm>>
        tpu.wait_dma2 semaphore(%run_scoped3A_165 : memref<!tpu.dma_semaphore, #tpu.memory_space<semaphore_mem>>) src(%dma_wait3A_173 : memref<8x128xi32, #tpu.memory_space<hbm>>) dst(%arg11 : memref<8x128xi32, #tpu.memory_space<vmem>>)
        tpu.yield
      }) : () -> ()
      %mul3A_37 = arith.constant 8 : i32
      %mul3A_38 = arith.muli %while3A_33, %mul3A_37 : i32
      %add3A_39 = arith.addi %select_n3A, %mul3A_38 : i32
      "tpu.region"() ({
        %run_scoped3A_165 = tpu.sem_alloc : memref<!tpu.dma_semaphore, #tpu.memory_space<semaphore_mem>>
        %dma_start3A_166 = arith.constant 0 : i32
        %dma_start3A_167 = tpu.memref_slice %arg4[%add3A_39, %dma_start3A_166] : memref<2560x128xi32, #tpu.memory_space<hbm>> -> memref<8x128xi32, #tpu.memory_space<hbm>>
        %dma_start3A_168 = arith.constant 0 : i32
        %dma_start3A_169 = tpu.memref_slice %arg4[%add3A_39, %dma_start3A_168] : memref<2560x128xi32, #tpu.memory_space<hbm>> -> memref<8x128xi32, #tpu.memory_space<hbm>>
        tpu.enqueue_dma source(%dma_start3A_169 : memref<8x128xi32, #tpu.memory_space<hbm>>) target(%arg12 : memref<8x128xi32, #tpu.memory_space<vmem>>) target_semaphore(%run_scoped3A_165 : memref<!tpu.dma_semaphore, #tpu.memory_space<semaphore_mem>>)
        %dma_wait3A_170 = arith.constant 0 : i32
        %dma_wait3A_171 = tpu.memref_slice %arg4[%add3A_39, %dma_wait3A_170] : memref<2560x128xi32, #tpu.memory_space<hbm>> -> memref<8x128xi32, #tpu.memory_space<hbm>>
        %dma_wait3A_172 = arith.constant 0 : i32
        %dma_wait3A_173 = tpu.memref_slice %arg4[%add3A_39, %dma_wait3A_172] : memref<2560x128xi32, #tpu.memory_space<hbm>> -> memref<8x128xi32, #tpu.memory_space<hbm>>
        tpu.wait_dma2 semaphore(%run_scoped3A_165 : memref<!tpu.dma_semaphore, #tpu.memory_space<semaphore_mem>>) src(%dma_wait3A_173 : memref<8x128xi32, #tpu.memory_space<hbm>>) dst(%arg12 : memref<8x128xi32, #tpu.memory_space<vmem>>)
        tpu.yield
      }) : () -> ()
      %dma_start3A = arith.constant 0 : i32
      %dma_start3A_40 = arith.constant 0 : i32
      %dma_start3A_41 = tpu.memref_slice %arg11[%dma_start3A, %dma_start3A_40] : memref<8x128xi32, #tpu.memory_space<vmem>> -> memref<1x128xi32, #tpu.memory_space<vmem>>
      %dma_start3A_42 = tpu.memref_squeeze %dma_start3A_41 : memref<1x128xi32, #tpu.memory_space<vmem>> -> memref<128xi32, #tpu.memory_space<vmem>>
      %dma_start3A_43 = arith.constant 0 : i32
      %dma_start3A_44 = arith.constant 0 : i32
      %dma_start3A_45 = tpu.memref_slice %arg2[%dma_start3A_43, %dma_start3A_44] : memref<10000x128xf32, #tpu.memory_space<hbm>> -> memref<10000x128xf32, #tpu.memory_space<hbm>>
      tpu.enqueue_indirect_dma source(%dma_start3A_45 : memref<10000x128xf32, #tpu.memory_space<hbm>>) target(%arg13 : memref<128x128xf32, #tpu.memory_space<vmem>>) offsets(%dma_start3A_42 : memref<128xi32, #tpu.memory_space<vmem>>) semaphore(%arg15 : memref<!tpu.dma_semaphore, #tpu.memory_space<semaphore_mem>>)
      %dma_start3A_46 = arith.constant 1 : i32
      %dma_start3A_47 = arith.constant 0 : i32
      %dma_start3A_48 = tpu.memref_slice %arg11[%dma_start3A_46, %dma_start3A_47] : memref<8x128xi32, #tpu.memory_space<vmem>> -> memref<1x128xi32, #tpu.memory_space<vmem>>
      %dma_start3A_49 = tpu.memref_squeeze %dma_start3A_48 : memref<1x128xi32, #tpu.memory_space<vmem>> -> memref<128xi32, #tpu.memory_space<vmem>>
      %dma_start3A_50 = arith.constant 0 : i32
      %dma_start3A_51 = arith.constant 0 : i32
      %dma_start3A_52 = tpu.memref_slice %arg2[%dma_start3A_50, %dma_start3A_51] : memref<10000x128xf32, #tpu.memory_space<hbm>> -> memref<10000x128xf32, #tpu.memory_space<hbm>>
      tpu.enqueue_indirect_dma source(%dma_start3A_52 : memref<10000x128xf32, #tpu.memory_space<hbm>>) target(%arg14 : memref<128x128xf32, #tpu.memory_space<vmem>>) offsets(%dma_start3A_49 : memref<128xi32, #tpu.memory_space<vmem>>) semaphore(%arg16 : memref<!tpu.dma_semaphore, #tpu.memory_space<semaphore_mem>>)
      %dma_wait3A = arith.constant 0 : i32
      %dma_wait3A_53 = arith.constant 0 : i32
      %dma_wait3A_54 = tpu.memref_slice %arg11[%dma_wait3A, %dma_wait3A_53] : memref<8x128xi32, #tpu.memory_space<vmem>> -> memref<1x128xi32, #tpu.memory_space<vmem>>
      %dma_wait3A_55 = tpu.memref_squeeze %dma_wait3A_54 : memref<1x128xi32, #tpu.memory_space<vmem>> -> memref<128xi32, #tpu.memory_space<vmem>>
      %dma_wait3A_56 = arith.constant 0 : i32
      %dma_wait3A_57 = arith.constant 0 : i32
      %dma_wait3A_58 = tpu.memref_slice %arg2[%dma_wait3A_56, %dma_wait3A_57] : memref<10000x128xf32, #tpu.memory_space<hbm>> -> memref<10000x128xf32, #tpu.memory_space<hbm>>
      tpu.wait_indirect_dma semaphore(%arg15 : memref<!tpu.dma_semaphore, #tpu.memory_space<semaphore_mem>>) src(%dma_wait3A_58 : memref<10000x128xf32, #tpu.memory_space<hbm>>) dst(%arg13 : memref<128x128xf32, #tpu.memory_space<vmem>>)
      %run_scoped3A = arith.constant 0 : i32
      "tpu.region"() ({
        %run_scoped3A_165 = tpu.sem_alloc : memref<!tpu.dma_semaphore, #tpu.memory_space<semaphore_mem>>
        %dma_start3A_166 = arith.constant 0 : i32
        %dma_start3A_167 = tpu.memref_slice %arg12[%run_scoped3A, %dma_start3A_166] : memref<8x128xi32, #tpu.memory_space<vmem>> -> memref<1x128xi32, #tpu.memory_space<vmem>>
        %dma_start3A_168 = tpu.memref_squeeze %dma_start3A_167 : memref<1x128xi32, #tpu.memory_space<vmem>> -> memref<128xi32, #tpu.memory_space<vmem>>
        %dma_start3A_169 = arith.constant 0 : i32
        %dma_start3A_170 = arith.constant 0 : i32
        %dma_start3A_171 = tpu.memref_slice %arg10[%dma_start3A_169, %dma_start3A_170] : memref<10240x128xf32, #tpu.memory_space<vmem_shared>> -> memref<10240x128xf32, #tpu.memory_space<vmem_shared>>
        tpu.enqueue_indirect_dma source(%arg13 : memref<128x128xf32, #tpu.memory_space<vmem>>) target(%dma_start3A_171 : memref<10240x128xf32, #tpu.memory_space<vmem_shared>>) offsets(%dma_start3A_168 : memref<128xi32, #tpu.memory_space<vmem>>) semaphore(%run_scoped3A_165 : memref<!tpu.dma_semaphore, #tpu.memory_space<semaphore_mem>>) {add = true}
        %dma_wait3A_172 = arith.constant 0 : i32
        %dma_wait3A_173 = tpu.memref_slice %arg12[%run_scoped3A, %dma_wait3A_172] : memref<8x128xi32, #tpu.memory_space<vmem>> -> memref<1x128xi32, #tpu.memory_space<vmem>>
        %dma_wait3A_174 = tpu.memref_squeeze %dma_wait3A_173 : memref<1x128xi32, #tpu.memory_space<vmem>> -> memref<128xi32, #tpu.memory_space<vmem>>
        %dma_wait3A_175 = arith.constant 0 : i32
        %dma_wait3A_176 = arith.constant 0 : i32
        %dma_wait3A_177 = tpu.memref_slice %arg10[%dma_wait3A_175, %dma_wait3A_176] : memref<10240x128xf32, #tpu.memory_space<vmem_shared>> -> memref<10240x128xf32, #tpu.memory_space<vmem_shared>>
        tpu.wait_indirect_dma semaphore(%run_scoped3A_165 : memref<!tpu.dma_semaphore, #tpu.memory_space<semaphore_mem>>) src(%arg13 : memref<128x128xf32, #tpu.memory_space<vmem>>) dst(%dma_wait3A_177 : memref<10240x128xf32, #tpu.memory_space<vmem_shared>>)
        tpu.yield
      }) : () -> ()
      %run_scoped3A_59 = arith.constant 0 : i32
      "tpu.region"() ({
        %run_scoped3A_165 = tpu.sem_alloc : memref<!tpu.dma_semaphore, #tpu.memory_space<semaphore_mem>>
        %dma_start3A_166 = arith.constant 0 : i32
        %dma_start3A_167 = tpu.memref_slice %arg12[%run_scoped3A_59, %dma_start3A_166] : memref<8x128xi32, #tpu.memory_space<vmem>> -> memref<1x128xi32, #tpu.memory_space<vmem>>
        %dma_start3A_168 = tpu.memref_squeeze %dma_start3A_167 : memref<1x128xi32, #tpu.memory_space<vmem>> -> memref<128xi32, #tpu.memory_space<vmem>>
        %dma_start3A_169 = arith.constant 0 : i32
        %dma_start3A_170 = arith.constant 0 : i32
        %dma_start3A_171 = tpu.memref_slice %arg17[%dma_start3A_169, %dma_start3A_170] : memref<10240x8xf32, #tpu.memory_space<vmem_shared>> -> memref<10240x8xf32, #tpu.memory_space<vmem_shared>>
        tpu.enqueue_indirect_dma source(%arg18 : memref<128x8xf32, #tpu.memory_space<vmem>>) target(%dma_start3A_171 : memref<10240x8xf32, #tpu.memory_space<vmem_shared>>) offsets(%dma_start3A_168 : memref<128xi32, #tpu.memory_space<vmem>>) semaphore(%run_scoped3A_165 : memref<!tpu.dma_semaphore, #tpu.memory_space<semaphore_mem>>) {add = true}
        %dma_wait3A_172 = arith.constant 0 : i32
        %dma_wait3A_173 = tpu.memref_slice %arg12[%run_scoped3A_59, %dma_wait3A_172] : memref<8x128xi32, #tpu.memory_space<vmem>> -> memref<1x128xi32, #tpu.memory_space<vmem>>
        %dma_wait3A_174 = tpu.memref_squeeze %dma_wait3A_173 : memref<1x128xi32, #tpu.memory_space<vmem>> -> memref<128xi32, #tpu.memory_space<vmem>>
        %dma_wait3A_175 = arith.constant 0 : i32
        %dma_wait3A_176 = arith.constant 0 : i32
        %dma_wait3A_177 = tpu.memref_slice %arg17[%dma_wait3A_175, %dma_wait3A_176] : memref<10240x8xf32, #tpu.memory_space<vmem_shared>> -> memref<10240x8xf32, #tpu.memory_space<vmem_shared>>
        tpu.wait_indirect_dma semaphore(%run_scoped3A_165 : memref<!tpu.dma_semaphore, #tpu.memory_space<semaphore_mem>>) src(%arg18 : memref<128x8xf32, #tpu.memory_space<vmem>>) dst(%dma_wait3A_177 : memref<10240x8xf32, #tpu.memory_space<vmem_shared>>)
        tpu.yield
      }) : () -> ()
      %dma_start3A_60 = arith.constant 2 : i32
      %dma_start3A_61 = arith.constant 0 : i32
      %dma_start3A_62 = tpu.memref_slice %arg11[%dma_start3A_60, %dma_start3A_61] : memref<8x128xi32, #tpu.memory_space<vmem>> -> memref<1x128xi32, #tpu.memory_space<vmem>>
      %dma_start3A_63 = tpu.memref_squeeze %dma_start3A_62 : memref<1x128xi32, #tpu.memory_space<vmem>> -> memref<128xi32, #tpu.memory_space<vmem>>
      %dma_start3A_64 = arith.constant 0 : i32
      %dma_start3A_65 = arith.constant 0 : i32
      %dma_start3A_66 = tpu.memref_slice %arg2[%dma_start3A_64, %dma_start3A_65] : memref<10000x128xf32, #tpu.memory_space<hbm>> -> memref<10000x128xf32, #tpu.memory_space<hbm>>
      tpu.enqueue_indirect_dma source(%dma_start3A_66 : memref<10000x128xf32, #tpu.memory_space<hbm>>) target(%arg13 : memref<128x128xf32, #tpu.memory_space<vmem>>) offsets(%dma_start3A_63 : memref<128xi32, #tpu.memory_space<vmem>>) semaphore(%arg15 : memref<!tpu.dma_semaphore, #tpu.memory_space<semaphore_mem>>)
      %dma_wait3A_67 = arith.constant 1 : i32
      %dma_wait3A_68 = arith.constant 0 : i32
      %dma_wait3A_69 = tpu.memref_slice %arg11[%dma_wait3A_67, %dma_wait3A_68] : memref<8x128xi32, #tpu.memory_space<vmem>> -> memref<1x128xi32, #tpu.memory_space<vmem>>
      %dma_wait3A_70 = tpu.memref_squeeze %dma_wait3A_69 : memref<1x128xi32, #tpu.memory_space<vmem>> -> memref<128xi32, #tpu.memory_space<vmem>>
      %dma_wait3A_71 = arith.constant 0 : i32
      %dma_wait3A_72 = arith.constant 0 : i32
      %dma_wait3A_73 = tpu.memref_slice %arg2[%dma_wait3A_71, %dma_wait3A_72] : memref<10000x128xf32, #tpu.memory_space<hbm>> -> memref<10000x128xf32, #tpu.memory_space<hbm>>
      tpu.wait_indirect_dma semaphore(%arg16 : memref<!tpu.dma_semaphore, #tpu.memory_space<semaphore_mem>>) src(%dma_wait3A_73 : memref<10000x128xf32, #tpu.memory_space<hbm>>) dst(%arg14 : memref<128x128xf32, #tpu.memory_space<vmem>>)
      %run_scoped3A_74 = arith.constant 1 : i32
      "tpu.region"() ({
        %run_scoped3A_165 = tpu.sem_alloc : memref<!tpu.dma_semaphore, #tpu.memory_space<semaphore_mem>>
        %dma_start3A_166 = arith.constant 0 : i32
        %dma_start3A_167 = tpu.memref_slice %arg12[%run_scoped3A_74, %dma_start3A_166] : memref<8x128xi32, #tpu.memory_space<vmem>> -> memref<1x128xi32, #tpu.memory_space<vmem>>
        %dma_start3A_168 = tpu.memref_squeeze %dma_start3A_167 : memref<1x128xi32, #tpu.memory_space<vmem>> -> memref<128xi32, #tpu.memory_space<vmem>>
        %dma_start3A_169 = arith.constant 0 : i32
        %dma_start3A_170 = arith.constant 0 : i32
        %dma_start3A_171 = tpu.memref_slice %arg10[%dma_start3A_169, %dma_start3A_170] : memref<10240x128xf32, #tpu.memory_space<vmem_shared>> -> memref<10240x128xf32, #tpu.memory_space<vmem_shared>>
        tpu.enqueue_indirect_dma source(%arg14 : memref<128x128xf32, #tpu.memory_space<vmem>>) target(%dma_start3A_171 : memref<10240x128xf32, #tpu.memory_space<vmem_shared>>) offsets(%dma_start3A_168 : memref<128xi32, #tpu.memory_space<vmem>>) semaphore(%run_scoped3A_165 : memref<!tpu.dma_semaphore, #tpu.memory_space<semaphore_mem>>) {add = true}
        %dma_wait3A_172 = arith.constant 0 : i32
        %dma_wait3A_173 = tpu.memref_slice %arg12[%run_scoped3A_74, %dma_wait3A_172] : memref<8x128xi32, #tpu.memory_space<vmem>> -> memref<1x128xi32, #tpu.memory_space<vmem>>
        %dma_wait3A_174 = tpu.memref_squeeze %dma_wait3A_173 : memref<1x128xi32, #tpu.memory_space<vmem>> -> memref<128xi32, #tpu.memory_space<vmem>>
        %dma_wait3A_175 = arith.constant 0 : i32
        %dma_wait3A_176 = arith.constant 0 : i32
        %dma_wait3A_177 = tpu.memref_slice %arg10[%dma_wait3A_175, %dma_wait3A_176] : memref<10240x128xf32, #tpu.memory_space<vmem_shared>> -> memref<10240x128xf32, #tpu.memory_space<vmem_shared>>
        tpu.wait_indirect_dma semaphore(%run_scoped3A_165 : memref<!tpu.dma_semaphore, #tpu.memory_space<semaphore_mem>>) src(%arg14 : memref<128x128xf32, #tpu.memory_space<vmem>>) dst(%dma_wait3A_177 : memref<10240x128xf32, #tpu.memory_space<vmem_shared>>)
        tpu.yield
      }) : () -> ()
      %run_scoped3A_75 = arith.constant 1 : i32
      "tpu.region"() ({
        %run_scoped3A_165 = tpu.sem_alloc : memref<!tpu.dma_semaphore, #tpu.memory_space<semaphore_mem>>
        %dma_start3A_166 = arith.constant 0 : i32
        %dma_start3A_167 = tpu.memref_slice %arg12[%run_scoped3A_75, %dma_start3A_166] : memref<8x128xi32, #tpu.memory_space<vmem>> -> memref<1x128xi32, #tpu.memory_space<vmem>>
        %dma_start3A_168 = tpu.memref_squeeze %dma_start3A_167 : memref<1x128xi32, #tpu.memory_space<vmem>> -> memref<128xi32, #tpu.memory_space<vmem>>
        %dma_start3A_169 = arith.constant 0 : i32
        %dma_start3A_170 = arith.constant 0 : i32
        %dma_start3A_171 = tpu.memref_slice %arg17[%dma_start3A_169, %dma_start3A_170] : memref<10240x8xf32, #tpu.memory_space<vmem_shared>> -> memref<10240x8xf32, #tpu.memory_space<vmem_shared>>
        tpu.enqueue_indirect_dma source(%arg18 : memref<128x8xf32, #tpu.memory_space<vmem>>) target(%dma_start3A_171 : memref<10240x8xf32, #tpu.memory_space<vmem_shared>>) offsets(%dma_start3A_168 : memref<128xi32, #tpu.memory_space<vmem>>) semaphore(%run_scoped3A_165 : memref<!tpu.dma_semaphore, #tpu.memory_space<semaphore_mem>>) {add = true}
        %dma_wait3A_172 = arith.constant 0 : i32
        %dma_wait3A_173 = tpu.memref_slice %arg12[%run_scoped3A_75, %dma_wait3A_172] : memref<8x128xi32, #tpu.memory_space<vmem>> -> memref<1x128xi32, #tpu.memory_space<vmem>>
        %dma_wait3A_174 = tpu.memref_squeeze %dma_wait3A_173 : memref<1x128xi32, #tpu.memory_space<vmem>> -> memref<128xi32, #tpu.memory_space<vmem>>
        %dma_wait3A_175 = arith.constant 0 : i32
        %dma_wait3A_176 = arith.constant 0 : i32
        %dma_wait3A_177 = tpu.memref_slice %arg17[%dma_wait3A_175, %dma_wait3A_176] : memref<10240x8xf32, #tpu.memory_space<vmem_shared>> -> memref<10240x8xf32, #tpu.memory_space<vmem_shared>>
        tpu.wait_indirect_dma semaphore(%run_scoped3A_165 : memref<!tpu.dma_semaphore, #tpu.memory_space<semaphore_mem>>) src(%arg18 : memref<128x8xf32, #tpu.memory_space<vmem>>) dst(%dma_wait3A_177 : memref<10240x8xf32, #tpu.memory_space<vmem_shared>>)
        tpu.yield
      }) : () -> ()
      %dma_start3A_76 = arith.constant 3 : i32
      %dma_start3A_77 = arith.constant 0 : i32
      %dma_start3A_78 = tpu.memref_slice %arg11[%dma_start3A_76, %dma_start3A_77] : memref<8x128xi32, #tpu.memory_space<vmem>> -> memref<1x128xi32, #tpu.memory_space<vmem>>
      %dma_start3A_79 = tpu.memref_squeeze %dma_start3A_78 : memref<1x128xi32, #tpu.memory_space<vmem>> -> memref<128xi32, #tpu.memory_space<vmem>>
      %dma_start3A_80 = arith.constant 0 : i32
      %dma_start3A_81 = arith.constant 0 : i32
      %dma_start3A_82 = tpu.memref_slice %arg2[%dma_start3A_80, %dma_start3A_81] : memref<10000x128xf32, #tpu.memory_space<hbm>> -> memref<10000x128xf32, #tpu.memory_space<hbm>>
      tpu.enqueue_indirect_dma source(%dma_start3A_82 : memref<10000x128xf32, #tpu.memory_space<hbm>>) target(%arg14 : memref<128x128xf32, #tpu.memory_space<vmem>>) offsets(%dma_start3A_79 : memref<128xi32, #tpu.memory_space<vmem>>) semaphore(%arg16 : memref<!tpu.dma_semaphore, #tpu.memory_space<semaphore_mem>>)
      %dma_wait3A_83 = arith.constant 2 : i32
      %dma_wait3A_84 = arith.constant 0 : i32
      %dma_wait3A_85 = tpu.memref_slice %arg11[%dma_wait3A_83, %dma_wait3A_84] : memref<8x128xi32, #tpu.memory_space<vmem>> -> memref<1x128xi32, #tpu.memory_space<vmem>>
      %dma_wait3A_86 = tpu.memref_squeeze %dma_wait3A_85 : memref<1x128xi32, #tpu.memory_space<vmem>> -> memref<128xi32, #tpu.memory_space<vmem>>
      %dma_wait3A_87 = arith.constant 0 : i32
      %dma_wait3A_88 = arith.constant 0 : i32
      %dma_wait3A_89 = tpu.memref_slice %arg2[%dma_wait3A_87, %dma_wait3A_88] : memref<10000x128xf32, #tpu.memory_space<hbm>> -> memref<10000x128xf32, #tpu.memory_space<hbm>>
      tpu.wait_indirect_dma semaphore(%arg15 : memref<!tpu.dma_semaphore, #tpu.memory_space<semaphore_mem>>) src(%dma_wait3A_89 : memref<10000x128xf32, #tpu.memory_space<hbm>>) dst(%arg13 : memref<128x128xf32, #tpu.memory_space<vmem>>)
      %run_scoped3A_90 = arith.constant 2 : i32
      "tpu.region"() ({
        %run_scoped3A_165 = tpu.sem_alloc : memref<!tpu.dma_semaphore, #tpu.memory_space<semaphore_mem>>
        %dma_start3A_166 = arith.constant 0 : i32
        %dma_start3A_167 = tpu.memref_slice %arg12[%run_scoped3A_90, %dma_start3A_166] : memref<8x128xi32, #tpu.memory_space<vmem>> -> memref<1x128xi32, #tpu.memory_space<vmem>>
        %dma_start3A_168 = tpu.memref_squeeze %dma_start3A_167 : memref<1x128xi32, #tpu.memory_space<vmem>> -> memref<128xi32, #tpu.memory_space<vmem>>
        %dma_start3A_169 = arith.constant 0 : i32
        %dma_start3A_170 = arith.constant 0 : i32
        %dma_start3A_171 = tpu.memref_slice %arg10[%dma_start3A_169, %dma_start3A_170] : memref<10240x128xf32, #tpu.memory_space<vmem_shared>> -> memref<10240x128xf32, #tpu.memory_space<vmem_shared>>
        tpu.enqueue_indirect_dma source(%arg13 : memref<128x128xf32, #tpu.memory_space<vmem>>) target(%dma_start3A_171 : memref<10240x128xf32, #tpu.memory_space<vmem_shared>>) offsets(%dma_start3A_168 : memref<128xi32, #tpu.memory_space<vmem>>) semaphore(%run_scoped3A_165 : memref<!tpu.dma_semaphore, #tpu.memory_space<semaphore_mem>>) {add = true}
        %dma_wait3A_172 = arith.constant 0 : i32
        %dma_wait3A_173 = tpu.memref_slice %arg12[%run_scoped3A_90, %dma_wait3A_172] : memref<8x128xi32, #tpu.memory_space<vmem>> -> memref<1x128xi32, #tpu.memory_space<vmem>>
        %dma_wait3A_174 = tpu.memref_squeeze %dma_wait3A_173 : memref<1x128xi32, #tpu.memory_space<vmem>> -> memref<128xi32, #tpu.memory_space<vmem>>
        %dma_wait3A_175 = arith.constant 0 : i32
        %dma_wait3A_176 = arith.constant 0 : i32
        %dma_wait3A_177 = tpu.memref_slice %arg10[%dma_wait3A_175, %dma_wait3A_176] : memref<10240x128xf32, #tpu.memory_space<vmem_shared>> -> memref<10240x128xf32, #tpu.memory_space<vmem_shared>>
        tpu.wait_indirect_dma semaphore(%run_scoped3A_165 : memref<!tpu.dma_semaphore, #tpu.memory_space<semaphore_mem>>) src(%arg13 : memref<128x128xf32, #tpu.memory_space<vmem>>) dst(%dma_wait3A_177 : memref<10240x128xf32, #tpu.memory_space<vmem_shared>>)
        tpu.yield
      }) : () -> ()
      %run_scoped3A_91 = arith.constant 2 : i32
      "tpu.region"() ({
        %run_scoped3A_165 = tpu.sem_alloc : memref<!tpu.dma_semaphore, #tpu.memory_space<semaphore_mem>>
        %dma_start3A_166 = arith.constant 0 : i32
        %dma_start3A_167 = tpu.memref_slice %arg12[%run_scoped3A_91, %dma_start3A_166] : memref<8x128xi32, #tpu.memory_space<vmem>> -> memref<1x128xi32, #tpu.memory_space<vmem>>
        %dma_start3A_168 = tpu.memref_squeeze %dma_start3A_167 : memref<1x128xi32, #tpu.memory_space<vmem>> -> memref<128xi32, #tpu.memory_space<vmem>>
        %dma_start3A_169 = arith.constant 0 : i32
        %dma_start3A_170 = arith.constant 0 : i32
        %dma_start3A_171 = tpu.memref_slice %arg17[%dma_start3A_169, %dma_start3A_170] : memref<10240x8xf32, #tpu.memory_space<vmem_shared>> -> memref<10240x8xf32, #tpu.memory_space<vmem_shared>>
        tpu.enqueue_indirect_dma source(%arg18 : memref<128x8xf32, #tpu.memory_space<vmem>>) target(%dma_start3A_171 : memref<10240x8xf32, #tpu.memory_space<vmem_shared>>) offsets(%dma_start3A_168 : memref<128xi32, #tpu.memory_space<vmem>>) semaphore(%run_scoped3A_165 : memref<!tpu.dma_semaphore, #tpu.memory_space<semaphore_mem>>) {add = true}
        %dma_wait3A_172 = arith.constant 0 : i32
        %dma_wait3A_173 = tpu.memref_slice %arg12[%run_scoped3A_91, %dma_wait3A_172] : memref<8x128xi32, #tpu.memory_space<vmem>> -> memref<1x128xi32, #tpu.memory_space<vmem>>
        %dma_wait3A_174 = tpu.memref_squeeze %dma_wait3A_173 : memref<1x128xi32, #tpu.memory_space<vmem>> -> memref<128xi32, #tpu.memory_space<vmem>>
        %dma_wait3A_175 = arith.constant 0 : i32
        %dma_wait3A_176 = arith.constant 0 : i32
        %dma_wait3A_177 = tpu.memref_slice %arg17[%dma_wait3A_175, %dma_wait3A_176] : memref<10240x8xf32, #tpu.memory_space<vmem_shared>> -> memref<10240x8xf32, #tpu.memory_space<vmem_shared>>
        tpu.wait_indirect_dma semaphore(%run_scoped3A_165 : memref<!tpu.dma_semaphore, #tpu.memory_space<semaphore_mem>>) src(%arg18 : memref<128x8xf32, #tpu.memory_space<vmem>>) dst(%dma_wait3A_177 : memref<10240x8xf32, #tpu.memory_space<vmem_shared>>)
        tpu.yield
      }) : () -> ()
      %dma_start3A_92 = arith.constant 4 : i32
      %dma_start3A_93 = arith.constant 0 : i32
      %dma_start3A_94 = tpu.memref_slice %arg11[%dma_start3A_92, %dma_start3A_93] : memref<8x128xi32, #tpu.memory_space<vmem>> -> memref<1x128xi32, #tpu.memory_space<vmem>>
      %dma_start3A_95 = tpu.memref_squeeze %dma_start3A_94 : memref<1x128xi32, #tpu.memory_space<vmem>> -> memref<128xi32, #tpu.memory_space<vmem>>
      %dma_start3A_96 = arith.constant 0 : i32
      %dma_start3A_97 = arith.constant 0 : i32
      %dma_start3A_98 = tpu.memref_slice %arg2[%dma_start3A_96, %dma_start3A_97] : memref<10000x128xf32, #tpu.memory_space<hbm>> -> memref<10000x128xf32, #tpu.memory_space<hbm>>
      tpu.enqueue_indirect_dma source(%dma_start3A_98 : memref<10000x128xf32, #tpu.memory_space<hbm>>) target(%arg13 : memref<128x128xf32, #tpu.memory_space<vmem>>) offsets(%dma_start3A_95 : memref<128xi32, #tpu.memory_space<vmem>>) semaphore(%arg15 : memref<!tpu.dma_semaphore, #tpu.memory_space<semaphore_mem>>)
      %dma_wait3A_99 = arith.constant 3 : i32
      %dma_wait3A_100 = arith.constant 0 : i32
      %dma_wait3A_101 = tpu.memref_slice %arg11[%dma_wait3A_99, %dma_wait3A_100] : memref<8x128xi32, #tpu.memory_space<vmem>> -> memref<1x128xi32, #tpu.memory_space<vmem>>
      %dma_wait3A_102 = tpu.memref_squeeze %dma_wait3A_101 : memref<1x128xi32, #tpu.memory_space<vmem>> -> memref<128xi32, #tpu.memory_space<vmem>>
      %dma_wait3A_103 = arith.constant 0 : i32
      %dma_wait3A_104 = arith.constant 0 : i32
      %dma_wait3A_105 = tpu.memref_slice %arg2[%dma_wait3A_103, %dma_wait3A_104] : memref<10000x128xf32, #tpu.memory_space<hbm>> -> memref<10000x128xf32, #tpu.memory_space<hbm>>
      tpu.wait_indirect_dma semaphore(%arg16 : memref<!tpu.dma_semaphore, #tpu.memory_space<semaphore_mem>>) src(%dma_wait3A_105 : memref<10000x128xf32, #tpu.memory_space<hbm>>) dst(%arg14 : memref<128x128xf32, #tpu.memory_space<vmem>>)
      %run_scoped3A_106 = arith.constant 3 : i32
      "tpu.region"() ({
        %run_scoped3A_165 = tpu.sem_alloc : memref<!tpu.dma_semaphore, #tpu.memory_space<semaphore_mem>>
        %dma_start3A_166 = arith.constant 0 : i32
        %dma_start3A_167 = tpu.memref_slice %arg12[%run_scoped3A_106, %dma_start3A_166] : memref<8x128xi32, #tpu.memory_space<vmem>> -> memref<1x128xi32, #tpu.memory_space<vmem>>
        %dma_start3A_168 = tpu.memref_squeeze %dma_start3A_167 : memref<1x128xi32, #tpu.memory_space<vmem>> -> memref<128xi32, #tpu.memory_space<vmem>>
        %dma_start3A_169 = arith.constant 0 : i32
        %dma_start3A_170 = arith.constant 0 : i32
        %dma_start3A_171 = tpu.memref_slice %arg10[%dma_start3A_169, %dma_start3A_170] : memref<10240x128xf32, #tpu.memory_space<vmem_shared>> -> memref<10240x128xf32, #tpu.memory_space<vmem_shared>>
        tpu.enqueue_indirect_dma source(%arg14 : memref<128x128xf32, #tpu.memory_space<vmem>>) target(%dma_start3A_171 : memref<10240x128xf32, #tpu.memory_space<vmem_shared>>) offsets(%dma_start3A_168 : memref<128xi32, #tpu.memory_space<vmem>>) semaphore(%run_scoped3A_165 : memref<!tpu.dma_semaphore, #tpu.memory_space<semaphore_mem>>) {add = true}
        %dma_wait3A_172 = arith.constant 0 : i32
        %dma_wait3A_173 = tpu.memref_slice %arg12[%run_scoped3A_106, %dma_wait3A_172] : memref<8x128xi32, #tpu.memory_space<vmem>> -> memref<1x128xi32, #tpu.memory_space<vmem>>
        %dma_wait3A_174 = tpu.memref_squeeze %dma_wait3A_173 : memref<1x128xi32, #tpu.memory_space<vmem>> -> memref<128xi32, #tpu.memory_space<vmem>>
        %dma_wait3A_175 = arith.constant 0 : i32
        %dma_wait3A_176 = arith.constant 0 : i32
        %dma_wait3A_177 = tpu.memref_slice %arg10[%dma_wait3A_175, %dma_wait3A_176] : memref<10240x128xf32, #tpu.memory_space<vmem_shared>> -> memref<10240x128xf32, #tpu.memory_space<vmem_shared>>
        tpu.wait_indirect_dma semaphore(%run_scoped3A_165 : memref<!tpu.dma_semaphore, #tpu.memory_space<semaphore_mem>>) src(%arg14 : memref<128x128xf32, #tpu.memory_space<vmem>>) dst(%dma_wait3A_177 : memref<10240x128xf32, #tpu.memory_space<vmem_shared>>)
        tpu.yield
      }) : () -> ()
      %run_scoped3A_107 = arith.constant 3 : i32
      "tpu.region"() ({
        %run_scoped3A_165 = tpu.sem_alloc : memref<!tpu.dma_semaphore, #tpu.memory_space<semaphore_mem>>
        %dma_start3A_166 = arith.constant 0 : i32
        %dma_start3A_167 = tpu.memref_slice %arg12[%run_scoped3A_107, %dma_start3A_166] : memref<8x128xi32, #tpu.memory_space<vmem>> -> memref<1x128xi32, #tpu.memory_space<vmem>>
        %dma_start3A_168 = tpu.memref_squeeze %dma_start3A_167 : memref<1x128xi32, #tpu.memory_space<vmem>> -> memref<128xi32, #tpu.memory_space<vmem>>
        %dma_start3A_169 = arith.constant 0 : i32
        %dma_start3A_170 = arith.constant 0 : i32
        %dma_start3A_171 = tpu.memref_slice %arg17[%dma_start3A_169, %dma_start3A_170] : memref<10240x8xf32, #tpu.memory_space<vmem_shared>> -> memref<10240x8xf32, #tpu.memory_space<vmem_shared>>
        tpu.enqueue_indirect_dma source(%arg18 : memref<128x8xf32, #tpu.memory_space<vmem>>) target(%dma_start3A_171 : memref<10240x8xf32, #tpu.memory_space<vmem_shared>>) offsets(%dma_start3A_168 : memref<128xi32, #tpu.memory_space<vmem>>) semaphore(%run_scoped3A_165 : memref<!tpu.dma_semaphore, #tpu.memory_space<semaphore_mem>>) {add = true}
        %dma_wait3A_172 = arith.constant 0 : i32
        %dma_wait3A_173 = tpu.memref_slice %arg12[%run_scoped3A_107, %dma_wait3A_172] : memref<8x128xi32, #tpu.memory_space<vmem>> -> memref<1x128xi32, #tpu.memory_space<vmem>>
        %dma_wait3A_174 = tpu.memref_squeeze %dma_wait3A_173 : memref<1x128xi32, #tpu.memory_space<vmem>> -> memref<128xi32, #tpu.memory_space<vmem>>
        %dma_wait3A_175 = arith.constant 0 : i32
        %dma_wait3A_176 = arith.constant 0 : i32
        %dma_wait3A_177 = tpu.memref_slice %arg17[%dma_wait3A_175, %dma_wait3A_176] : memref<10240x8xf32, #tpu.memory_space<vmem_shared>> -> memref<10240x8xf32, #tpu.memory_space<vmem_shared>>
        tpu.wait_indirect_dma semaphore(%run_scoped3A_165 : memref<!tpu.dma_semaphore, #tpu.memory_space<semaphore_mem>>) src(%arg18 : memref<128x8xf32, #tpu.memory_space<vmem>>) dst(%dma_wait3A_177 : memref<10240x8xf32, #tpu.memory_space<vmem_shared>>)
        tpu.yield
      }) : () -> ()
      %dma_start3A_108 = arith.constant 5 : i32
      %dma_start3A_109 = arith.constant 0 : i32
      %dma_start3A_110 = tpu.memref_slice %arg11[%dma_start3A_108, %dma_start3A_109] : memref<8x128xi32, #tpu.memory_space<vmem>> -> memref<1x128xi32, #tpu.memory_space<vmem>>
      %dma_start3A_111 = tpu.memref_squeeze %dma_start3A_110 : memref<1x128xi32, #tpu.memory_space<vmem>> -> memref<128xi32, #tpu.memory_space<vmem>>
      %dma_start3A_112 = arith.constant 0 : i32
      %dma_start3A_113 = arith.constant 0 : i32
      %dma_start3A_114 = tpu.memref_slice %arg2[%dma_start3A_112, %dma_start3A_113] : memref<10000x128xf32, #tpu.memory_space<hbm>> -> memref<10000x128xf32, #tpu.memory_space<hbm>>
      tpu.enqueue_indirect_dma source(%dma_start3A_114 : memref<10000x128xf32, #tpu.memory_space<hbm>>) target(%arg14 : memref<128x128xf32, #tpu.memory_space<vmem>>) offsets(%dma_start3A_111 : memref<128xi32, #tpu.memory_space<vmem>>) semaphore(%arg16 : memref<!tpu.dma_semaphore, #tpu.memory_space<semaphore_mem>>)
      %dma_wait3A_115 = arith.constant 4 : i32
      %dma_wait3A_116 = arith.constant 0 : i32
      %dma_wait3A_117 = tpu.memref_slice %arg11[%dma_wait3A_115, %dma_wait3A_116] : memref<8x128xi32, #tpu.memory_space<vmem>> -> memref<1x128xi32, #tpu.memory_space<vmem>>
      %dma_wait3A_118 = tpu.memref_squeeze %dma_wait3A_117 : memref<1x128xi32, #tpu.memory_space<vmem>> -> memref<128xi32, #tpu.memory_space<vmem>>
      %dma_wait3A_119 = arith.constant 0 : i32
      %dma_wait3A_120 = arith.constant 0 : i32
      %dma_wait3A_121 = tpu.memref_slice %arg2[%dma_wait3A_119, %dma_wait3A_120] : memref<10000x128xf32, #tpu.memory_space<hbm>> -> memref<10000x128xf32, #tpu.memory_space<hbm>>
      tpu.wait_indirect_dma semaphore(%arg15 : memref<!tpu.dma_semaphore, #tpu.memory_space<semaphore_mem>>) src(%dma_wait3A_121 : memref<10000x128xf32, #tpu.memory_space<hbm>>) dst(%arg13 : memref<128x128xf32, #tpu.memory_space<vmem>>)
      %run_scoped3A_122 = arith.constant 4 : i32
      "tpu.region"() ({
        %run_scoped3A_165 = tpu.sem_alloc : memref<!tpu.dma_semaphore, #tpu.memory_space<semaphore_mem>>
        %dma_start3A_166 = arith.constant 0 : i32
        %dma_start3A_167 = tpu.memref_slice %arg12[%run_scoped3A_122, %dma_start3A_166] : memref<8x128xi32, #tpu.memory_space<vmem>> -> memref<1x128xi32, #tpu.memory_space<vmem>>
        %dma_start3A_168 = tpu.memref_squeeze %dma_start3A_167 : memref<1x128xi32, #tpu.memory_space<vmem>> -> memref<128xi32, #tpu.memory_space<vmem>>
        %dma_start3A_169 = arith.constant 0 : i32
        %dma_start3A_170 = arith.constant 0 : i32
        %dma_start3A_171 = tpu.memref_slice %arg10[%dma_start3A_169, %dma_start3A_170] : memref<10240x128xf32, #tpu.memory_space<vmem_shared>> -> memref<10240x128xf32, #tpu.memory_space<vmem_shared>>
        tpu.enqueue_indirect_dma source(%arg13 : memref<128x128xf32, #tpu.memory_space<vmem>>) target(%dma_start3A_171 : memref<10240x128xf32, #tpu.memory_space<vmem_shared>>) offsets(%dma_start3A_168 : memref<128xi32, #tpu.memory_space<vmem>>) semaphore(%run_scoped3A_165 : memref<!tpu.dma_semaphore, #tpu.memory_space<semaphore_mem>>) {add = true}
        %dma_wait3A_172 = arith.constant 0 : i32
        %dma_wait3A_173 = tpu.memref_slice %arg12[%run_scoped3A_122, %dma_wait3A_172] : memref<8x128xi32, #tpu.memory_space<vmem>> -> memref<1x128xi32, #tpu.memory_space<vmem>>
        %dma_wait3A_174 = tpu.memref_squeeze %dma_wait3A_173 : memref<1x128xi32, #tpu.memory_space<vmem>> -> memref<128xi32, #tpu.memory_space<vmem>>
        %dma_wait3A_175 = arith.constant 0 : i32
        %dma_wait3A_176 = arith.constant 0 : i32
        %dma_wait3A_177 = tpu.memref_slice %arg10[%dma_wait3A_175, %dma_wait3A_176] : memref<10240x128xf32, #tpu.memory_space<vmem_shared>> -> memref<10240x128xf32, #tpu.memory_space<vmem_shared>>
        tpu.wait_indirect_dma semaphore(%run_scoped3A_165 : memref<!tpu.dma_semaphore, #tpu.memory_space<semaphore_mem>>) src(%arg13 : memref<128x128xf32, #tpu.memory_space<vmem>>) dst(%dma_wait3A_177 : memref<10240x128xf32, #tpu.memory_space<vmem_shared>>)
        tpu.yield
      }) : () -> ()
      %run_scoped3A_123 = arith.constant 4 : i32
      "tpu.region"() ({
        %run_scoped3A_165 = tpu.sem_alloc : memref<!tpu.dma_semaphore, #tpu.memory_space<semaphore_mem>>
        %dma_start3A_166 = arith.constant 0 : i32
        %dma_start3A_167 = tpu.memref_slice %arg12[%run_scoped3A_123, %dma_start3A_166] : memref<8x128xi32, #tpu.memory_space<vmem>> -> memref<1x128xi32, #tpu.memory_space<vmem>>
        %dma_start3A_168 = tpu.memref_squeeze %dma_start3A_167 : memref<1x128xi32, #tpu.memory_space<vmem>> -> memref<128xi32, #tpu.memory_space<vmem>>
        %dma_start3A_169 = arith.constant 0 : i32
        %dma_start3A_170 = arith.constant 0 : i32
        %dma_start3A_171 = tpu.memref_slice %arg17[%dma_start3A_169, %dma_start3A_170] : memref<10240x8xf32, #tpu.memory_space<vmem_shared>> -> memref<10240x8xf32, #tpu.memory_space<vmem_shared>>
        tpu.enqueue_indirect_dma source(%arg18 : memref<128x8xf32, #tpu.memory_space<vmem>>) target(%dma_start3A_171 : memref<10240x8xf32, #tpu.memory_space<vmem_shared>>) offsets(%dma_start3A_168 : memref<128xi32, #tpu.memory_space<vmem>>) semaphore(%run_scoped3A_165 : memref<!tpu.dma_semaphore, #tpu.memory_space<semaphore_mem>>) {add = true}
        %dma_wait3A_172 = arith.constant 0 : i32
        %dma_wait3A_173 = tpu.memref_slice %arg12[%run_scoped3A_123, %dma_wait3A_172] : memref<8x128xi32, #tpu.memory_space<vmem>> -> memref<1x128xi32, #tpu.memory_space<vmem>>
        %dma_wait3A_174 = tpu.memref_squeeze %dma_wait3A_173 : memref<1x128xi32, #tpu.memory_space<vmem>> -> memref<128xi32, #tpu.memory_space<vmem>>
        %dma_wait3A_175 = arith.constant 0 : i32
        %dma_wait3A_176 = arith.constant 0 : i32
        %dma_wait3A_177 = tpu.memref_slice %arg17[%dma_wait3A_175, %dma_wait3A_176] : memref<10240x8xf32, #tpu.memory_space<vmem_shared>> -> memref<10240x8xf32, #tpu.memory_space<vmem_shared>>
        tpu.wait_indirect_dma semaphore(%run_scoped3A_165 : memref<!tpu.dma_semaphore, #tpu.memory_space<semaphore_mem>>) src(%arg18 : memref<128x8xf32, #tpu.memory_space<vmem>>) dst(%dma_wait3A_177 : memref<10240x8xf32, #tpu.memory_space<vmem_shared>>)
        tpu.yield
      }) : () -> ()
      %dma_start3A_124 = arith.constant 6 : i32
      %dma_start3A_125 = arith.constant 0 : i32
      %dma_start3A_126 = tpu.memref_slice %arg11[%dma_start3A_124, %dma_start3A_125] : memref<8x128xi32, #tpu.memory_space<vmem>> -> memref<1x128xi32, #tpu.memory_space<vmem>>
      %dma_start3A_127 = tpu.memref_squeeze %dma_start3A_126 : memref<1x128xi32, #tpu.memory_space<vmem>> -> memref<128xi32, #tpu.memory_space<vmem>>
      %dma_start3A_128 = arith.constant 0 : i32
      %dma_start3A_129 = arith.constant 0 : i32
      %dma_start3A_130 = tpu.memref_slice %arg2[%dma_start3A_128, %dma_start3A_129] : memref<10000x128xf32, #tpu.memory_space<hbm>> -> memref<10000x128xf32, #tpu.memory_space<hbm>>
      tpu.enqueue_indirect_dma source(%dma_start3A_130 : memref<10000x128xf32, #tpu.memory_space<hbm>>) target(%arg13 : memref<128x128xf32, #tpu.memory_space<vmem>>) offsets(%dma_start3A_127 : memref<128xi32, #tpu.memory_space<vmem>>) semaphore(%arg15 : memref<!tpu.dma_semaphore, #tpu.memory_space<semaphore_mem>>)
      %dma_wait3A_131 = arith.constant 5 : i32
      %dma_wait3A_132 = arith.constant 0 : i32
      %dma_wait3A_133 = tpu.memref_slice %arg11[%dma_wait3A_131, %dma_wait3A_132] : memref<8x128xi32, #tpu.memory_space<vmem>> -> memref<1x128xi32, #tpu.memory_space<vmem>>
      %dma_wait3A_134 = tpu.memref_squeeze %dma_wait3A_133 : memref<1x128xi32, #tpu.memory_space<vmem>> -> memref<128xi32, #tpu.memory_space<vmem>>
      %dma_wait3A_135 = arith.constant 0 : i32
      %dma_wait3A_136 = arith.constant 0 : i32
      %dma_wait3A_137 = tpu.memref_slice %arg2[%dma_wait3A_135, %dma_wait3A_136] : memref<10000x128xf32, #tpu.memory_space<hbm>> -> memref<10000x128xf32, #tpu.memory_space<hbm>>
      tpu.wait_indirect_dma semaphore(%arg16 : memref<!tpu.dma_semaphore, #tpu.memory_space<semaphore_mem>>) src(%dma_wait3A_137 : memref<10000x128xf32, #tpu.memory_space<hbm>>) dst(%arg14 : memref<128x128xf32, #tpu.memory_space<vmem>>)
      %run_scoped3A_138 = arith.constant 5 : i32
      "tpu.region"() ({
        %run_scoped3A_165 = tpu.sem_alloc : memref<!tpu.dma_semaphore, #tpu.memory_space<semaphore_mem>>
        %dma_start3A_166 = arith.constant 0 : i32
        %dma_start3A_167 = tpu.memref_slice %arg12[%run_scoped3A_138, %dma_start3A_166] : memref<8x128xi32, #tpu.memory_space<vmem>> -> memref<1x128xi32, #tpu.memory_space<vmem>>
        %dma_start3A_168 = tpu.memref_squeeze %dma_start3A_167 : memref<1x128xi32, #tpu.memory_space<vmem>> -> memref<128xi32, #tpu.memory_space<vmem>>
        %dma_start3A_169 = arith.constant 0 : i32
        %dma_start3A_170 = arith.constant 0 : i32
        %dma_start3A_171 = tpu.memref_slice %arg10[%dma_start3A_169, %dma_start3A_170] : memref<10240x128xf32, #tpu.memory_space<vmem_shared>> -> memref<10240x128xf32, #tpu.memory_space<vmem_shared>>
        tpu.enqueue_indirect_dma source(%arg14 : memref<128x128xf32, #tpu.memory_space<vmem>>) target(%dma_start3A_171 : memref<10240x128xf32, #tpu.memory_space<vmem_shared>>) offsets(%dma_start3A_168 : memref<128xi32, #tpu.memory_space<vmem>>) semaphore(%run_scoped3A_165 : memref<!tpu.dma_semaphore, #tpu.memory_space<semaphore_mem>>) {add = true}
        %dma_wait3A_172 = arith.constant 0 : i32
        %dma_wait3A_173 = tpu.memref_slice %arg12[%run_scoped3A_138, %dma_wait3A_172] : memref<8x128xi32, #tpu.memory_space<vmem>> -> memref<1x128xi32, #tpu.memory_space<vmem>>
        %dma_wait3A_174 = tpu.memref_squeeze %dma_wait3A_173 : memref<1x128xi32, #tpu.memory_space<vmem>> -> memref<128xi32, #tpu.memory_space<vmem>>
        %dma_wait3A_175 = arith.constant 0 : i32
        %dma_wait3A_176 = arith.constant 0 : i32
        %dma_wait3A_177 = tpu.memref_slice %arg10[%dma_wait3A_175, %dma_wait3A_176] : memref<10240x128xf32, #tpu.memory_space<vmem_shared>> -> memref<10240x128xf32, #tpu.memory_space<vmem_shared>>
        tpu.wait_indirect_dma semaphore(%run_scoped3A_165 : memref<!tpu.dma_semaphore, #tpu.memory_space<semaphore_mem>>) src(%arg14 : memref<128x128xf32, #tpu.memory_space<vmem>>) dst(%dma_wait3A_177 : memref<10240x128xf32, #tpu.memory_space<vmem_shared>>)
        tpu.yield
      }) : () -> ()
      %run_scoped3A_139 = arith.constant 5 : i32
      "tpu.region"() ({
        %run_scoped3A_165 = tpu.sem_alloc : memref<!tpu.dma_semaphore, #tpu.memory_space<semaphore_mem>>
        %dma_start3A_166 = arith.constant 0 : i32
        %dma_start3A_167 = tpu.memref_slice %arg12[%run_scoped3A_139, %dma_start3A_166] : memref<8x128xi32, #tpu.memory_space<vmem>> -> memref<1x128xi32, #tpu.memory_space<vmem>>
        %dma_start3A_168 = tpu.memref_squeeze %dma_start3A_167 : memref<1x128xi32, #tpu.memory_space<vmem>> -> memref<128xi32, #tpu.memory_space<vmem>>
        %dma_start3A_169 = arith.constant 0 : i32
        %dma_start3A_170 = arith.constant 0 : i32
        %dma_start3A_171 = tpu.memref_slice %arg17[%dma_start3A_169, %dma_start3A_170] : memref<10240x8xf32, #tpu.memory_space<vmem_shared>> -> memref<10240x8xf32, #tpu.memory_space<vmem_shared>>
        tpu.enqueue_indirect_dma source(%arg18 : memref<128x8xf32, #tpu.memory_space<vmem>>) target(%dma_start3A_171 : memref<10240x8xf32, #tpu.memory_space<vmem_shared>>) offsets(%dma_start3A_168 : memref<128xi32, #tpu.memory_space<vmem>>) semaphore(%run_scoped3A_165 : memref<!tpu.dma_semaphore, #tpu.memory_space<semaphore_mem>>) {add = true}
        %dma_wait3A_172 = arith.constant 0 : i32
        %dma_wait3A_173 = tpu.memref_slice %arg12[%run_scoped3A_139, %dma_wait3A_172] : memref<8x128xi32, #tpu.memory_space<vmem>> -> memref<1x128xi32, #tpu.memory_space<vmem>>
        %dma_wait3A_174 = tpu.memref_squeeze %dma_wait3A_173 : memref<1x128xi32, #tpu.memory_space<vmem>> -> memref<128xi32, #tpu.memory_space<vmem>>
        %dma_wait3A_175 = arith.constant 0 : i32
        %dma_wait3A_176 = arith.constant 0 : i32
        %dma_wait3A_177 = tpu.memref_slice %arg17[%dma_wait3A_175, %dma_wait3A_176] : memref<10240x8xf32, #tpu.memory_space<vmem_shared>> -> memref<10240x8xf32, #tpu.memory_space<vmem_shared>>
        tpu.wait_indirect_dma semaphore(%run_scoped3A_165 : memref<!tpu.dma_semaphore, #tpu.memory_space<semaphore_mem>>) src(%arg18 : memref<128x8xf32, #tpu.memory_space<vmem>>) dst(%dma_wait3A_177 : memref<10240x8xf32, #tpu.memory_space<vmem_shared>>)
        tpu.yield
      }) : () -> ()
      %dma_start3A_140 = arith.constant 7 : i32
      %dma_start3A_141 = arith.constant 0 : i32
      %dma_start3A_142 = tpu.memref_slice %arg11[%dma_start3A_140, %dma_start3A_141] : memref<8x128xi32, #tpu.memory_space<vmem>> -> memref<1x128xi32, #tpu.memory_space<vmem>>
      %dma_start3A_143 = tpu.memref_squeeze %dma_start3A_142 : memref<1x128xi32, #tpu.memory_space<vmem>> -> memref<128xi32, #tpu.memory_space<vmem>>
      %dma_start3A_144 = arith.constant 0 : i32
      %dma_start3A_145 = arith.constant 0 : i32
      %dma_start3A_146 = tpu.memref_slice %arg2[%dma_start3A_144, %dma_start3A_145] : memref<10000x128xf32, #tpu.memory_space<hbm>> -> memref<10000x128xf32, #tpu.memory_space<hbm>>
      tpu.enqueue_indirect_dma source(%dma_start3A_146 : memref<10000x128xf32, #tpu.memory_space<hbm>>) target(%arg14 : memref<128x128xf32, #tpu.memory_space<vmem>>) offsets(%dma_start3A_143 : memref<128xi32, #tpu.memory_space<vmem>>) semaphore(%arg16 : memref<!tpu.dma_semaphore, #tpu.memory_space<semaphore_mem>>)
      %dma_wait3A_147 = arith.constant 6 : i32
      %dma_wait3A_148 = arith.constant 0 : i32
      %dma_wait3A_149 = tpu.memref_slice %arg11[%dma_wait3A_147, %dma_wait3A_148] : memref<8x128xi32, #tpu.memory_space<vmem>> -> memref<1x128xi32, #tpu.memory_space<vmem>>
      %dma_wait3A_150 = tpu.memref_squeeze %dma_wait3A_149 : memref<1x128xi32, #tpu.memory_space<vmem>> -> memref<128xi32, #tpu.memory_space<vmem>>
      %dma_wait3A_151 = arith.constant 0 : i32
      %dma_wait3A_152 = arith.constant 0 : i32
      %dma_wait3A_153 = tpu.memref_slice %arg2[%dma_wait3A_151, %dma_wait3A_152] : memref<10000x128xf32, #tpu.memory_space<hbm>> -> memref<10000x128xf32, #tpu.memory_space<hbm>>
      tpu.wait_indirect_dma semaphore(%arg15 : memref<!tpu.dma_semaphore, #tpu.memory_space<semaphore_mem>>) src(%dma_wait3A_153 : memref<10000x128xf32, #tpu.memory_space<hbm>>) dst(%arg13 : memref<128x128xf32, #tpu.memory_space<vmem>>)
      %run_scoped3A_154 = arith.constant 6 : i32
      "tpu.region"() ({
        %run_scoped3A_165 = tpu.sem_alloc : memref<!tpu.dma_semaphore, #tpu.memory_space<semaphore_mem>>
        %dma_start3A_166 = arith.constant 0 : i32
        %dma_start3A_167 = tpu.memref_slice %arg12[%run_scoped3A_154, %dma_start3A_166] : memref<8x128xi32, #tpu.memory_space<vmem>> -> memref<1x128xi32, #tpu.memory_space<vmem>>
        %dma_start3A_168 = tpu.memref_squeeze %dma_start3A_167 : memref<1x128xi32, #tpu.memory_space<vmem>> -> memref<128xi32, #tpu.memory_space<vmem>>
        %dma_start3A_169 = arith.constant 0 : i32
        %dma_start3A_170 = arith.constant 0 : i32
        %dma_start3A_171 = tpu.memref_slice %arg10[%dma_start3A_169, %dma_start3A_170] : memref<10240x128xf32, #tpu.memory_space<vmem_shared>> -> memref<10240x128xf32, #tpu.memory_space<vmem_shared>>
        tpu.enqueue_indirect_dma source(%arg13 : memref<128x128xf32, #tpu.memory_space<vmem>>) target(%dma_start3A_171 : memref<10240x128xf32, #tpu.memory_space<vmem_shared>>) offsets(%dma_start3A_168 : memref<128xi32, #tpu.memory_space<vmem>>) semaphore(%run_scoped3A_165 : memref<!tpu.dma_semaphore, #tpu.memory_space<semaphore_mem>>) {add = true}
        %dma_wait3A_172 = arith.constant 0 : i32
        %dma_wait3A_173 = tpu.memref_slice %arg12[%run_scoped3A_154, %dma_wait3A_172] : memref<8x128xi32, #tpu.memory_space<vmem>> -> memref<1x128xi32, #tpu.memory_space<vmem>>
        %dma_wait3A_174 = tpu.memref_squeeze %dma_wait3A_173 : memref<1x128xi32, #tpu.memory_space<vmem>> -> memref<128xi32, #tpu.memory_space<vmem>>
        %dma_wait3A_175 = arith.constant 0 : i32
        %dma_wait3A_176 = arith.constant 0 : i32
        %dma_wait3A_177 = tpu.memref_slice %arg10[%dma_wait3A_175, %dma_wait3A_176] : memref<10240x128xf32, #tpu.memory_space<vmem_shared>> -> memref<10240x128xf32, #tpu.memory_space<vmem_shared>>
        tpu.wait_indirect_dma semaphore(%run_scoped3A_165 : memref<!tpu.dma_semaphore, #tpu.memory_space<semaphore_mem>>) src(%arg13 : memref<128x128xf32, #tpu.memory_space<vmem>>) dst(%dma_wait3A_177 : memref<10240x128xf32, #tpu.memory_space<vmem_shared>>)
        tpu.yield
      }) : () -> ()
      %run_scoped3A_155 = arith.constant 6 : i32
      "tpu.region"() ({
        %run_scoped3A_165 = tpu.sem_alloc : memref<!tpu.dma_semaphore, #tpu.memory_space<semaphore_mem>>
        %dma_start3A_166 = arith.constant 0 : i32
        %dma_start3A_167 = tpu.memref_slice %arg12[%run_scoped3A_155, %dma_start3A_166] : memref<8x128xi32, #tpu.memory_space<vmem>> -> memref<1x128xi32, #tpu.memory_space<vmem>>
        %dma_start3A_168 = tpu.memref_squeeze %dma_start3A_167 : memref<1x128xi32, #tpu.memory_space<vmem>> -> memref<128xi32, #tpu.memory_space<vmem>>
        %dma_start3A_169 = arith.constant 0 : i32
        %dma_start3A_170 = arith.constant 0 : i32
        %dma_start3A_171 = tpu.memref_slice %arg17[%dma_start3A_169, %dma_start3A_170] : memref<10240x8xf32, #tpu.memory_space<vmem_shared>> -> memref<10240x8xf32, #tpu.memory_space<vmem_shared>>
        tpu.enqueue_indirect_dma source(%arg18 : memref<128x8xf32, #tpu.memory_space<vmem>>) target(%dma_start3A_171 : memref<10240x8xf32, #tpu.memory_space<vmem_shared>>) offsets(%dma_start3A_168 : memref<128xi32, #tpu.memory_space<vmem>>) semaphore(%run_scoped3A_165 : memref<!tpu.dma_semaphore, #tpu.memory_space<semaphore_mem>>) {add = true}
        %dma_wait3A_172 = arith.constant 0 : i32
        %dma_wait3A_173 = tpu.memref_slice %arg12[%run_scoped3A_155, %dma_wait3A_172] : memref<8x128xi32, #tpu.memory_space<vmem>> -> memref<1x128xi32, #tpu.memory_space<vmem>>
        %dma_wait3A_174 = tpu.memref_squeeze %dma_wait3A_173 : memref<1x128xi32, #tpu.memory_space<vmem>> -> memref<128xi32, #tpu.memory_space<vmem>>
        %dma_wait3A_175 = arith.constant 0 : i32
        %dma_wait3A_176 = arith.constant 0 : i32
        %dma_wait3A_177 = tpu.memref_slice %arg17[%dma_wait3A_175, %dma_wait3A_176] : memref<10240x8xf32, #tpu.memory_space<vmem_shared>> -> memref<10240x8xf32, #tpu.memory_space<vmem_shared>>
        tpu.wait_indirect_dma semaphore(%run_scoped3A_165 : memref<!tpu.dma_semaphore, #tpu.memory_space<semaphore_mem>>) src(%arg18 : memref<128x8xf32, #tpu.memory_space<vmem>>) dst(%dma_wait3A_177 : memref<10240x8xf32, #tpu.memory_space<vmem_shared>>)
        tpu.yield
      }) : () -> ()
      %dma_wait3A_156 = arith.constant 7 : i32
      %dma_wait3A_157 = arith.constant 0 : i32
      %dma_wait3A_158 = tpu.memref_slice %arg11[%dma_wait3A_156, %dma_wait3A_157] : memref<8x128xi32, #tpu.memory_space<vmem>> -> memref<1x128xi32, #tpu.memory_space<vmem>>
      %dma_wait3A_159 = tpu.memref_squeeze %dma_wait3A_158 : memref<1x128xi32, #tpu.memory_space<vmem>> -> memref<128xi32, #tpu.memory_space<vmem>>
      %dma_wait3A_160 = arith.constant 0 : i32
      %dma_wait3A_161 = arith.constant 0 : i32
      %dma_wait3A_162 = tpu.memref_slice %arg2[%dma_wait3A_160, %dma_wait3A_161] : memref<10000x128xf32, #tpu.memory_space<hbm>> -> memref<10000x128xf32, #tpu.memory_space<hbm>>
      tpu.wait_indirect_dma semaphore(%arg16 : memref<!tpu.dma_semaphore, #tpu.memory_space<semaphore_mem>>) src(%dma_wait3A_162 : memref<10000x128xf32, #tpu.memory_space<hbm>>) dst(%arg14 : memref<128x128xf32, #tpu.memory_space<vmem>>)
      %run_scoped3A_163 = arith.constant 7 : i32
      "tpu.region"() ({
        %run_scoped3A_165 = tpu.sem_alloc : memref<!tpu.dma_semaphore, #tpu.memory_space<semaphore_mem>>
        %dma_start3A_166 = arith.constant 0 : i32
        %dma_start3A_167 = tpu.memref_slice %arg12[%run_scoped3A_163, %dma_start3A_166] : memref<8x128xi32, #tpu.memory_space<vmem>> -> memref<1x128xi32, #tpu.memory_space<vmem>>
        %dma_start3A_168 = tpu.memref_squeeze %dma_start3A_167 : memref<1x128xi32, #tpu.memory_space<vmem>> -> memref<128xi32, #tpu.memory_space<vmem>>
        %dma_start3A_169 = arith.constant 0 : i32
        %dma_start3A_170 = arith.constant 0 : i32
        %dma_start3A_171 = tpu.memref_slice %arg10[%dma_start3A_169, %dma_start3A_170] : memref<10240x128xf32, #tpu.memory_space<vmem_shared>> -> memref<10240x128xf32, #tpu.memory_space<vmem_shared>>
        tpu.enqueue_indirect_dma source(%arg14 : memref<128x128xf32, #tpu.memory_space<vmem>>) target(%dma_start3A_171 : memref<10240x128xf32, #tpu.memory_space<vmem_shared>>) offsets(%dma_start3A_168 : memref<128xi32, #tpu.memory_space<vmem>>) semaphore(%run_scoped3A_165 : memref<!tpu.dma_semaphore, #tpu.memory_space<semaphore_mem>>) {add = true}
        %dma_wait3A_172 = arith.constant 0 : i32
        %dma_wait3A_173 = tpu.memref_slice %arg12[%run_scoped3A_163, %dma_wait3A_172] : memref<8x128xi32, #tpu.memory_space<vmem>> -> memref<1x128xi32, #tpu.memory_space<vmem>>
        %dma_wait3A_174 = tpu.memref_squeeze %dma_wait3A_173 : memref<1x128xi32, #tpu.memory_space<vmem>> -> memref<128xi32, #tpu.memory_space<vmem>>
        %dma_wait3A_175 = arith.constant 0 : i32
        %dma_wait3A_176 = arith.constant 0 : i32
        %dma_wait3A_177 = tpu.memref_slice %arg10[%dma_wait3A_175, %dma_wait3A_176] : memref<10240x128xf32, #tpu.memory_space<vmem_shared>> -> memref<10240x128xf32, #tpu.memory_space<vmem_shared>>
        tpu.wait_indirect_dma semaphore(%run_scoped3A_165 : memref<!tpu.dma_semaphore, #tpu.memory_space<semaphore_mem>>) src(%arg14 : memref<128x128xf32, #tpu.memory_space<vmem>>) dst(%dma_wait3A_177 : memref<10240x128xf32, #tpu.memory_space<vmem_shared>>)
        tpu.yield
      }) : () -> ()
      %run_scoped3A_164 = arith.constant 7 : i32
      "tpu.region"() ({
        %run_scoped3A_165 = tpu.sem_alloc : memref<!tpu.dma_semaphore, #tpu.memory_space<semaphore_mem>>
        %dma_start3A_166 = arith.constant 0 : i32
        %dma_start3A_167 = tpu.memref_slice %arg12[%run_scoped3A_164, %dma_start3A_166] : memref<8x128xi32, #tpu.memory_space<vmem>> -> memref<1x128xi32, #tpu.memory_space<vmem>>
        %dma_start3A_168 = tpu.memref_squeeze %dma_start3A_167 : memref<1x128xi32, #tpu.memory_space<vmem>> -> memref<128xi32, #tpu.memory_space<vmem>>
        %dma_start3A_169 = arith.constant 0 : i32
        %dma_start3A_170 = arith.constant 0 : i32
        %dma_start3A_171 = tpu.memref_slice %arg17[%dma_start3A_169, %dma_start3A_170] : memref<10240x8xf32, #tpu.memory_space<vmem_shared>> -> memref<10240x8xf32, #tpu.memory_space<vmem_shared>>
        tpu.enqueue_indirect_dma source(%arg18 : memref<128x8xf32, #tpu.memory_space<vmem>>) target(%dma_start3A_171 : memref<10240x8xf32, #tpu.memory_space<vmem_shared>>) offsets(%dma_start3A_168 : memref<128xi32, #tpu.memory_space<vmem>>) semaphore(%run_scoped3A_165 : memref<!tpu.dma_semaphore, #tpu.memory_space<semaphore_mem>>) {add = true}
        %dma_wait3A_172 = arith.constant 0 : i32
        %dma_wait3A_173 = tpu.memref_slice %arg12[%run_scoped3A_164, %dma_wait3A_172] : memref<8x128xi32, #tpu.memory_space<vmem>> -> memref<1x128xi32, #tpu.memory_space<vmem>>
        %dma_wait3A_174 = tpu.memref_squeeze %dma_wait3A_173 : memref<1x128xi32, #tpu.memory_space<vmem>> -> memref<128xi32, #tpu.memory_space<vmem>>
        %dma_wait3A_175 = arith.constant 0 : i32
        %dma_wait3A_176 = arith.constant 0 : i32
        %dma_wait3A_177 = tpu.memref_slice %arg17[%dma_wait3A_175, %dma_wait3A_176] : memref<10240x8xf32, #tpu.memory_space<vmem_shared>> -> memref<10240x8xf32, #tpu.memory_space<vmem_shared>>
        tpu.wait_indirect_dma semaphore(%run_scoped3A_165 : memref<!tpu.dma_semaphore, #tpu.memory_space<semaphore_mem>>) src(%arg18 : memref<128x8xf32, #tpu.memory_space<vmem>>) dst(%dma_wait3A_177 : memref<10240x8xf32, #tpu.memory_space<vmem_shared>>)
        tpu.yield
      }) : () -> ()
    }
    %while3A_21 = arith.constant 1 : i32
    scf.for %while3A_33 = %while3A_19 to %while3A_15 step %while3A_21  : i32 {
      %mul3A_34 = arith.constant 8 : i32
      %mul3A_35 = arith.muli %while3A_33, %mul3A_34 : i32
      %add3A_36 = arith.addi %select_n3A, %mul3A_35 : i32
      "tpu.region"() ({
        %run_scoped3A_165 = tpu.sem_alloc : memref<!tpu.dma_semaphore, #tpu.memory_space<semaphore_mem>>
        %dma_start3A_166 = arith.constant 0 : i32
        %dma_start3A_167 = tpu.memref_slice %arg3[%add3A_36, %dma_start3A_166] : memref<2560x128xi32, #tpu.memory_space<hbm>> -> memref<8x128xi32, #tpu.memory_space<hbm>>
        %dma_start3A_168 = arith.constant 0 : i32
        %dma_start3A_169 = tpu.memref_slice %arg3[%add3A_36, %dma_start3A_168] : memref<2560x128xi32, #tpu.memory_space<hbm>> -> memref<8x128xi32, #tpu.memory_space<hbm>>
        tpu.enqueue_dma source(%dma_start3A_169 : memref<8x128xi32, #tpu.memory_space<hbm>>) target(%arg11 : memref<8x128xi32, #tpu.memory_space<vmem>>) target_semaphore(%run_scoped3A_165 : memref<!tpu.dma_semaphore, #tpu.memory_space<semaphore_mem>>)
        %dma_wait3A_170 = arith.constant 0 : i32
        %dma_wait3A_171 = tpu.memref_slice %arg3[%add3A_36, %dma_wait3A_170] : memref<2560x128xi32, #tpu.memory_space<hbm>> -> memref<8x128xi32, #tpu.memory_space<hbm>>
        %dma_wait3A_172 = arith.constant 0 : i32
        %dma_wait3A_173 = tpu.memref_slice %arg3[%add3A_36, %dma_wait3A_172] : memref<2560x128xi32, #tpu.memory_space<hbm>> -> memref<8x128xi32, #tpu.memory_space<hbm>>
        tpu.wait_dma2 semaphore(%run_scoped3A_165 : memref<!tpu.dma_semaphore, #tpu.memory_space<semaphore_mem>>) src(%dma_wait3A_173 : memref<8x128xi32, #tpu.memory_space<hbm>>) dst(%arg11 : memref<8x128xi32, #tpu.memory_space<vmem>>)
        tpu.yield
      }) : () -> ()
      %mul3A_37 = arith.constant 8 : i32
      %mul3A_38 = arith.muli %while3A_33, %mul3A_37 : i32
      %add3A_39 = arith.addi %select_n3A, %mul3A_38 : i32
      "tpu.region"() ({
        %run_scoped3A_165 = tpu.sem_alloc : memref<!tpu.dma_semaphore, #tpu.memory_space<semaphore_mem>>
        %dma_start3A_166 = arith.constant 0 : i32
        %dma_start3A_167 = tpu.memref_slice %arg4[%add3A_39, %dma_start3A_166] : memref<2560x128xi32, #tpu.memory_space<hbm>> -> memref<8x128xi32, #tpu.memory_space<hbm>>
        %dma_start3A_168 = arith.constant 0 : i32
        %dma_start3A_169 = tpu.memref_slice %arg4[%add3A_39, %dma_start3A_168] : memref<2560x128xi32, #tpu.memory_space<hbm>> -> memref<8x128xi32, #tpu.memory_space<hbm>>
        tpu.enqueue_dma source(%dma_start3A_169 : memref<8x128xi32, #tpu.memory_space<hbm>>) target(%arg12 : memref<8x128xi32, #tpu.memory_space<vmem>>) target_semaphore(%run_scoped3A_165 : memref<!tpu.dma_semaphore, #tpu.memory_space<semaphore_mem>>)
        %dma_wait3A_170 = arith.constant 0 : i32
        %dma_wait3A_171 = tpu.memref_slice %arg4[%add3A_39, %dma_wait3A_170] : memref<2560x128xi32, #tpu.memory_space<hbm>> -> memref<8x128xi32, #tpu.memory_space<hbm>>
        %dma_wait3A_172 = arith.constant 0 : i32
        %dma_wait3A_173 = tpu.memref_slice %arg4[%add3A_39, %dma_wait3A_172] : memref<2560x128xi32, #tpu.memory_space<hbm>> -> memref<8x128xi32, #tpu.memory_space<hbm>>
        tpu.wait_dma2 semaphore(%run_scoped3A_165 : memref<!tpu.dma_semaphore, #tpu.memory_space<semaphore_mem>>) src(%dma_wait3A_173 : memref<8x128xi32, #tpu.memory_space<hbm>>) dst(%arg12 : memref<8x128xi32, #tpu.memory_space<vmem>>)
        tpu.yield
      }) : () -> ()
      %dma_start3A = arith.constant 0 : i32
      %dma_start3A_40 = arith.constant 0 : i32
      %dma_start3A_41 = tpu.memref_slice %arg11[%dma_start3A, %dma_start3A_40] : memref<8x128xi32, #tpu.memory_space<vmem>> -> memref<1x128xi32, #tpu.memory_space<vmem>>
      %dma_start3A_42 = tpu.memref_squeeze %dma_start3A_41 : memref<1x128xi32, #tpu.memory_space<vmem>> -> memref<128xi32, #tpu.memory_space<vmem>>
      %dma_start3A_43 = arith.constant 0 : i32
      %dma_start3A_44 = arith.constant 0 : i32
      %dma_start3A_45 = tpu.memref_slice %arg2[%dma_start3A_43, %dma_start3A_44] : memref<10000x128xf32, #tpu.memory_space<hbm>> -> memref<10000x128xf32, #tpu.memory_space<hbm>>
      tpu.enqueue_indirect_dma source(%dma_start3A_45 : memref<10000x128xf32, #tpu.memory_space<hbm>>) target(%arg13 : memref<128x128xf32, #tpu.memory_space<vmem>>) offsets(%dma_start3A_42 : memref<128xi32, #tpu.memory_space<vmem>>) semaphore(%arg15 : memref<!tpu.dma_semaphore, #tpu.memory_space<semaphore_mem>>)
      %dma_start3A_46 = arith.constant 1 : i32
      %dma_start3A_47 = arith.constant 0 : i32
      %dma_start3A_48 = tpu.memref_slice %arg11[%dma_start3A_46, %dma_start3A_47] : memref<8x128xi32, #tpu.memory_space<vmem>> -> memref<1x128xi32, #tpu.memory_space<vmem>>
      %dma_start3A_49 = tpu.memref_squeeze %dma_start3A_48 : memref<1x128xi32, #tpu.memory_space<vmem>> -> memref<128xi32, #tpu.memory_space<vmem>>
      %dma_start3A_50 = arith.constant 0 : i32
      %dma_start3A_51 = arith.constant 0 : i32
      %dma_start3A_52 = tpu.memref_slice %arg2[%dma_start3A_50, %dma_start3A_51] : memref<10000x128xf32, #tpu.memory_space<hbm>> -> memref<10000x128xf32, #tpu.memory_space<hbm>>
      tpu.enqueue_indirect_dma source(%dma_start3A_52 : memref<10000x128xf32, #tpu.memory_space<hbm>>) target(%arg14 : memref<128x128xf32, #tpu.memory_space<vmem>>) offsets(%dma_start3A_49 : memref<128xi32, #tpu.memory_space<vmem>>) semaphore(%arg16 : memref<!tpu.dma_semaphore, #tpu.memory_space<semaphore_mem>>)
      %dma_wait3A = arith.constant 0 : i32
      %dma_wait3A_53 = arith.constant 0 : i32
      %dma_wait3A_54 = tpu.memref_slice %arg11[%dma_wait3A, %dma_wait3A_53] : memref<8x128xi32, #tpu.memory_space<vmem>> -> memref<1x128xi32, #tpu.memory_space<vmem>>
      %dma_wait3A_55 = tpu.memref_squeeze %dma_wait3A_54 : memref<1x128xi32, #tpu.memory_space<vmem>> -> memref<128xi32, #tpu.memory_space<vmem>>
      %dma_wait3A_56 = arith.constant 0 : i32
      %dma_wait3A_57 = arith.constant 0 : i32
      %dma_wait3A_58 = tpu.memref_slice %arg2[%dma_wait3A_56, %dma_wait3A_57] : memref<10000x128xf32, #tpu.memory_space<hbm>> -> memref<10000x128xf32, #tpu.memory_space<hbm>>
      tpu.wait_indirect_dma semaphore(%arg15 : memref<!tpu.dma_semaphore, #tpu.memory_space<semaphore_mem>>) src(%dma_wait3A_58 : memref<10000x128xf32, #tpu.memory_space<hbm>>) dst(%arg13 : memref<128x128xf32, #tpu.memory_space<vmem>>)
      %run_scoped3A = arith.constant 0 : i32
      "tpu.region"() ({
        %run_scoped3A_165 = tpu.sem_alloc : memref<!tpu.dma_semaphore, #tpu.memory_space<semaphore_mem>>
        %dma_start3A_166 = arith.constant 0 : i32
        %dma_start3A_167 = tpu.memref_slice %arg12[%run_scoped3A, %dma_start3A_166] : memref<8x128xi32, #tpu.memory_space<vmem>> -> memref<1x128xi32, #tpu.memory_space<vmem>>
        %dma_start3A_168 = tpu.memref_squeeze %dma_start3A_167 : memref<1x128xi32, #tpu.memory_space<vmem>> -> memref<128xi32, #tpu.memory_space<vmem>>
        %dma_start3A_169 = arith.constant 0 : i32
        %dma_start3A_170 = arith.constant 0 : i32
        %dma_start3A_171 = tpu.memref_slice %arg10[%dma_start3A_169, %dma_start3A_170] : memref<10240x128xf32, #tpu.memory_space<vmem_shared>> -> memref<10240x128xf32, #tpu.memory_space<vmem_shared>>
        tpu.enqueue_indirect_dma source(%arg13 : memref<128x128xf32, #tpu.memory_space<vmem>>) target(%dma_start3A_171 : memref<10240x128xf32, #tpu.memory_space<vmem_shared>>) offsets(%dma_start3A_168 : memref<128xi32, #tpu.memory_space<vmem>>) semaphore(%run_scoped3A_165 : memref<!tpu.dma_semaphore, #tpu.memory_space<semaphore_mem>>) {add = true}
        %dma_wait3A_172 = arith.constant 0 : i32
        %dma_wait3A_173 = tpu.memref_slice %arg12[%run_scoped3A, %dma_wait3A_172] : memref<8x128xi32, #tpu.memory_space<vmem>> -> memref<1x128xi32, #tpu.memory_space<vmem>>
        %dma_wait3A_174 = tpu.memref_squeeze %dma_wait3A_173 : memref<1x128xi32, #tpu.memory_space<vmem>> -> memref<128xi32, #tpu.memory_space<vmem>>
        %dma_wait3A_175 = arith.constant 0 : i32
        %dma_wait3A_176 = arith.constant 0 : i32
        %dma_wait3A_177 = tpu.memref_slice %arg10[%dma_wait3A_175, %dma_wait3A_176] : memref<10240x128xf32, #tpu.memory_space<vmem_shared>> -> memref<10240x128xf32, #tpu.memory_space<vmem_shared>>
        tpu.wait_indirect_dma semaphore(%run_scoped3A_165 : memref<!tpu.dma_semaphore, #tpu.memory_space<semaphore_mem>>) src(%arg13 : memref<128x128xf32, #tpu.memory_space<vmem>>) dst(%dma_wait3A_177 : memref<10240x128xf32, #tpu.memory_space<vmem_shared>>)
        tpu.yield
      }) : () -> ()
      %run_scoped3A_59 = arith.constant 0 : i32
      "tpu.region"() ({
        %run_scoped3A_165 = tpu.sem_alloc : memref<!tpu.dma_semaphore, #tpu.memory_space<semaphore_mem>>
        %dma_start3A_166 = arith.constant 0 : i32
        %dma_start3A_167 = tpu.memref_slice %arg12[%run_scoped3A_59, %dma_start3A_166] : memref<8x128xi32, #tpu.memory_space<vmem>> -> memref<1x128xi32, #tpu.memory_space<vmem>>
        %dma_start3A_168 = tpu.memref_squeeze %dma_start3A_167 : memref<1x128xi32, #tpu.memory_space<vmem>> -> memref<128xi32, #tpu.memory_space<vmem>>
        %dma_start3A_169 = arith.constant 0 : i32
        %dma_start3A_170 = arith.constant 0 : i32
        %dma_start3A_171 = tpu.memref_slice %arg17[%dma_start3A_169, %dma_start3A_170] : memref<10240x8xf32, #tpu.memory_space<vmem_shared>> -> memref<10240x8xf32, #tpu.memory_space<vmem_shared>>
        tpu.enqueue_indirect_dma source(%arg18 : memref<128x8xf32, #tpu.memory_space<vmem>>) target(%dma_start3A_171 : memref<10240x8xf32, #tpu.memory_space<vmem_shared>>) offsets(%dma_start3A_168 : memref<128xi32, #tpu.memory_space<vmem>>) semaphore(%run_scoped3A_165 : memref<!tpu.dma_semaphore, #tpu.memory_space<semaphore_mem>>) {add = true}
        %dma_wait3A_172 = arith.constant 0 : i32
        %dma_wait3A_173 = tpu.memref_slice %arg12[%run_scoped3A_59, %dma_wait3A_172] : memref<8x128xi32, #tpu.memory_space<vmem>> -> memref<1x128xi32, #tpu.memory_space<vmem>>
        %dma_wait3A_174 = tpu.memref_squeeze %dma_wait3A_173 : memref<1x128xi32, #tpu.memory_space<vmem>> -> memref<128xi32, #tpu.memory_space<vmem>>
        %dma_wait3A_175 = arith.constant 0 : i32
        %dma_wait3A_176 = arith.constant 0 : i32
        %dma_wait3A_177 = tpu.memref_slice %arg17[%dma_wait3A_175, %dma_wait3A_176] : memref<10240x8xf32, #tpu.memory_space<vmem_shared>> -> memref<10240x8xf32, #tpu.memory_space<vmem_shared>>
        tpu.wait_indirect_dma semaphore(%run_scoped3A_165 : memref<!tpu.dma_semaphore, #tpu.memory_space<semaphore_mem>>) src(%arg18 : memref<128x8xf32, #tpu.memory_space<vmem>>) dst(%dma_wait3A_177 : memref<10240x8xf32, #tpu.memory_space<vmem_shared>>)
        tpu.yield
      }) : () -> ()
      %dma_start3A_60 = arith.constant 2 : i32
      %dma_start3A_61 = arith.constant 0 : i32
      %dma_start3A_62 = tpu.memref_slice %arg11[%dma_start3A_60, %dma_start3A_61] : memref<8x128xi32, #tpu.memory_space<vmem>> -> memref<1x128xi32, #tpu.memory_space<vmem>>
      %dma_start3A_63 = tpu.memref_squeeze %dma_start3A_62 : memref<1x128xi32, #tpu.memory_space<vmem>> -> memref<128xi32, #tpu.memory_space<vmem>>
      %dma_start3A_64 = arith.constant 0 : i32
      %dma_start3A_65 = arith.constant 0 : i32
      %dma_start3A_66 = tpu.memref_slice %arg2[%dma_start3A_64, %dma_start3A_65] : memref<10000x128xf32, #tpu.memory_space<hbm>> -> memref<10000x128xf32, #tpu.memory_space<hbm>>
      tpu.enqueue_indirect_dma source(%dma_start3A_66 : memref<10000x128xf32, #tpu.memory_space<hbm>>) target(%arg13 : memref<128x128xf32, #tpu.memory_space<vmem>>) offsets(%dma_start3A_63 : memref<128xi32, #tpu.memory_space<vmem>>) semaphore(%arg15 : memref<!tpu.dma_semaphore, #tpu.memory_space<semaphore_mem>>)
      %dma_wait3A_67 = arith.constant 1 : i32
      %dma_wait3A_68 = arith.constant 0 : i32
      %dma_wait3A_69 = tpu.memref_slice %arg11[%dma_wait3A_67, %dma_wait3A_68] : memref<8x128xi32, #tpu.memory_space<vmem>> -> memref<1x128xi32, #tpu.memory_space<vmem>>
      %dma_wait3A_70 = tpu.memref_squeeze %dma_wait3A_69 : memref<1x128xi32, #tpu.memory_space<vmem>> -> memref<128xi32, #tpu.memory_space<vmem>>
      %dma_wait3A_71 = arith.constant 0 : i32
      %dma_wait3A_72 = arith.constant 0 : i32
      %dma_wait3A_73 = tpu.memref_slice %arg2[%dma_wait3A_71, %dma_wait3A_72] : memref<10000x128xf32, #tpu.memory_space<hbm>> -> memref<10000x128xf32, #tpu.memory_space<hbm>>
      tpu.wait_indirect_dma semaphore(%arg16 : memref<!tpu.dma_semaphore, #tpu.memory_space<semaphore_mem>>) src(%dma_wait3A_73 : memref<10000x128xf32, #tpu.memory_space<hbm>>) dst(%arg14 : memref<128x128xf32, #tpu.memory_space<vmem>>)
      %run_scoped3A_74 = arith.constant 1 : i32
      "tpu.region"() ({
        %run_scoped3A_165 = tpu.sem_alloc : memref<!tpu.dma_semaphore, #tpu.memory_space<semaphore_mem>>
        %dma_start3A_166 = arith.constant 0 : i32
        %dma_start3A_167 = tpu.memref_slice %arg12[%run_scoped3A_74, %dma_start3A_166] : memref<8x128xi32, #tpu.memory_space<vmem>> -> memref<1x128xi32, #tpu.memory_space<vmem>>
        %dma_start3A_168 = tpu.memref_squeeze %dma_start3A_167 : memref<1x128xi32, #tpu.memory_space<vmem>> -> memref<128xi32, #tpu.memory_space<vmem>>
        %dma_start3A_169 = arith.constant 0 : i32
        %dma_start3A_170 = arith.constant 0 : i32
        %dma_start3A_171 = tpu.memref_slice %arg10[%dma_start3A_169, %dma_start3A_170] : memref<10240x128xf32, #tpu.memory_space<vmem_shared>> -> memref<10240x128xf32, #tpu.memory_space<vmem_shared>>
        tpu.enqueue_indirect_dma source(%arg14 : memref<128x128xf32, #tpu.memory_space<vmem>>) target(%dma_start3A_171 : memref<10240x128xf32, #tpu.memory_space<vmem_shared>>) offsets(%dma_start3A_168 : memref<128xi32, #tpu.memory_space<vmem>>) semaphore(%run_scoped3A_165 : memref<!tpu.dma_semaphore, #tpu.memory_space<semaphore_mem>>) {add = true}
        %dma_wait3A_172 = arith.constant 0 : i32
        %dma_wait3A_173 = tpu.memref_slice %arg12[%run_scoped3A_74, %dma_wait3A_172] : memref<8x128xi32, #tpu.memory_space<vmem>> -> memref<1x128xi32, #tpu.memory_space<vmem>>
        %dma_wait3A_174 = tpu.memref_squeeze %dma_wait3A_173 : memref<1x128xi32, #tpu.memory_space<vmem>> -> memref<128xi32, #tpu.memory_space<vmem>>
        %dma_wait3A_175 = arith.constant 0 : i32
        %dma_wait3A_176 = arith.constant 0 : i32
        %dma_wait3A_177 = tpu.memref_slice %arg10[%dma_wait3A_175, %dma_wait3A_176] : memref<10240x128xf32, #tpu.memory_space<vmem_shared>> -> memref<10240x128xf32, #tpu.memory_space<vmem_shared>>
        tpu.wait_indirect_dma semaphore(%run_scoped3A_165 : memref<!tpu.dma_semaphore, #tpu.memory_space<semaphore_mem>>) src(%arg14 : memref<128x128xf32, #tpu.memory_space<vmem>>) dst(%dma_wait3A_177 : memref<10240x128xf32, #tpu.memory_space<vmem_shared>>)
        tpu.yield
      }) : () -> ()
      %run_scoped3A_75 = arith.constant 1 : i32
      "tpu.region"() ({
        %run_scoped3A_165 = tpu.sem_alloc : memref<!tpu.dma_semaphore, #tpu.memory_space<semaphore_mem>>
        %dma_start3A_166 = arith.constant 0 : i32
        %dma_start3A_167 = tpu.memref_slice %arg12[%run_scoped3A_75, %dma_start3A_166] : memref<8x128xi32, #tpu.memory_space<vmem>> -> memref<1x128xi32, #tpu.memory_space<vmem>>
        %dma_start3A_168 = tpu.memref_squeeze %dma_start3A_167 : memref<1x128xi32, #tpu.memory_space<vmem>> -> memref<128xi32, #tpu.memory_space<vmem>>
        %dma_start3A_169 = arith.constant 0 : i32
        %dma_start3A_170 = arith.constant 0 : i32
        %dma_start3A_171 = tpu.memref_slice %arg17[%dma_start3A_169, %dma_start3A_170] : memref<10240x8xf32, #tpu.memory_space<vmem_shared>> -> memref<10240x8xf32, #tpu.memory_space<vmem_shared>>
        tpu.enqueue_indirect_dma source(%arg18 : memref<128x8xf32, #tpu.memory_space<vmem>>) target(%dma_start3A_171 : memref<10240x8xf32, #tpu.memory_space<vmem_shared>>) offsets(%dma_start3A_168 : memref<128xi32, #tpu.memory_space<vmem>>) semaphore(%run_scoped3A_165 : memref<!tpu.dma_semaphore, #tpu.memory_space<semaphore_mem>>) {add = true}
        %dma_wait3A_172 = arith.constant 0 : i32
        %dma_wait3A_173 = tpu.memref_slice %arg12[%run_scoped3A_75, %dma_wait3A_172] : memref<8x128xi32, #tpu.memory_space<vmem>> -> memref<1x128xi32, #tpu.memory_space<vmem>>
        %dma_wait3A_174 = tpu.memref_squeeze %dma_wait3A_173 : memref<1x128xi32, #tpu.memory_space<vmem>> -> memref<128xi32, #tpu.memory_space<vmem>>
        %dma_wait3A_175 = arith.constant 0 : i32
        %dma_wait3A_176 = arith.constant 0 : i32
        %dma_wait3A_177 = tpu.memref_slice %arg17[%dma_wait3A_175, %dma_wait3A_176] : memref<10240x8xf32, #tpu.memory_space<vmem_shared>> -> memref<10240x8xf32, #tpu.memory_space<vmem_shared>>
        tpu.wait_indirect_dma semaphore(%run_scoped3A_165 : memref<!tpu.dma_semaphore, #tpu.memory_space<semaphore_mem>>) src(%arg18 : memref<128x8xf32, #tpu.memory_space<vmem>>) dst(%dma_wait3A_177 : memref<10240x8xf32, #tpu.memory_space<vmem_shared>>)
        tpu.yield
      }) : () -> ()
      %dma_start3A_76 = arith.constant 3 : i32
      %dma_start3A_77 = arith.constant 0 : i32
      %dma_start3A_78 = tpu.memref_slice %arg11[%dma_start3A_76, %dma_start3A_77] : memref<8x128xi32, #tpu.memory_space<vmem>> -> memref<1x128xi32, #tpu.memory_space<vmem>>
      %dma_start3A_79 = tpu.memref_squeeze %dma_start3A_78 : memref<1x128xi32, #tpu.memory_space<vmem>> -> memref<128xi32, #tpu.memory_space<vmem>>
      %dma_start3A_80 = arith.constant 0 : i32
      %dma_start3A_81 = arith.constant 0 : i32
      %dma_start3A_82 = tpu.memref_slice %arg2[%dma_start3A_80, %dma_start3A_81] : memref<10000x128xf32, #tpu.memory_space<hbm>> -> memref<10000x128xf32, #tpu.memory_space<hbm>>
      tpu.enqueue_indirect_dma source(%dma_start3A_82 : memref<10000x128xf32, #tpu.memory_space<hbm>>) target(%arg14 : memref<128x128xf32, #tpu.memory_space<vmem>>) offsets(%dma_start3A_79 : memref<128xi32, #tpu.memory_space<vmem>>) semaphore(%arg16 : memref<!tpu.dma_semaphore, #tpu.memory_space<semaphore_mem>>)
      %dma_wait3A_83 = arith.constant 2 : i32
      %dma_wait3A_84 = arith.constant 0 : i32
      %dma_wait3A_85 = tpu.memref_slice %arg11[%dma_wait3A_83, %dma_wait3A_84] : memref<8x128xi32, #tpu.memory_space<vmem>> -> memref<1x128xi32, #tpu.memory_space<vmem>>
      %dma_wait3A_86 = tpu.memref_squeeze %dma_wait3A_85 : memref<1x128xi32, #tpu.memory_space<vmem>> -> memref<128xi32, #tpu.memory_space<vmem>>
      %dma_wait3A_87 = arith.constant 0 : i32
      %dma_wait3A_88 = arith.constant 0 : i32
      %dma_wait3A_89 = tpu.memref_slice %arg2[%dma_wait3A_87, %dma_wait3A_88] : memref<10000x128xf32, #tpu.memory_space<hbm>> -> memref<10000x128xf32, #tpu.memory_space<hbm>>
      tpu.wait_indirect_dma semaphore(%arg15 : memref<!tpu.dma_semaphore, #tpu.memory_space<semaphore_mem>>) src(%dma_wait3A_89 : memref<10000x128xf32, #tpu.memory_space<hbm>>) dst(%arg13 : memref<128x128xf32, #tpu.memory_space<vmem>>)
      %run_scoped3A_90 = arith.constant 2 : i32
      "tpu.region"() ({
        %run_scoped3A_165 = tpu.sem_alloc : memref<!tpu.dma_semaphore, #tpu.memory_space<semaphore_mem>>
        %dma_start3A_166 = arith.constant 0 : i32
        %dma_start3A_167 = tpu.memref_slice %arg12[%run_scoped3A_90, %dma_start3A_166] : memref<8x128xi32, #tpu.memory_space<vmem>> -> memref<1x128xi32, #tpu.memory_space<vmem>>
        %dma_start3A_168 = tpu.memref_squeeze %dma_start3A_167 : memref<1x128xi32, #tpu.memory_space<vmem>> -> memref<128xi32, #tpu.memory_space<vmem>>
        %dma_start3A_169 = arith.constant 0 : i32
        %dma_start3A_170 = arith.constant 0 : i32
        %dma_start3A_171 = tpu.memref_slice %arg10[%dma_start3A_169, %dma_start3A_170] : memref<10240x128xf32, #tpu.memory_space<vmem_shared>> -> memref<10240x128xf32, #tpu.memory_space<vmem_shared>>
        tpu.enqueue_indirect_dma source(%arg13 : memref<128x128xf32, #tpu.memory_space<vmem>>) target(%dma_start3A_171 : memref<10240x128xf32, #tpu.memory_space<vmem_shared>>) offsets(%dma_start3A_168 : memref<128xi32, #tpu.memory_space<vmem>>) semaphore(%run_scoped3A_165 : memref<!tpu.dma_semaphore, #tpu.memory_space<semaphore_mem>>) {add = true}
        %dma_wait3A_172 = arith.constant 0 : i32
        %dma_wait3A_173 = tpu.memref_slice %arg12[%run_scoped3A_90, %dma_wait3A_172] : memref<8x128xi32, #tpu.memory_space<vmem>> -> memref<1x128xi32, #tpu.memory_space<vmem>>
        %dma_wait3A_174 = tpu.memref_squeeze %dma_wait3A_173 : memref<1x128xi32, #tpu.memory_space<vmem>> -> memref<128xi32, #tpu.memory_space<vmem>>
        %dma_wait3A_175 = arith.constant 0 : i32
        %dma_wait3A_176 = arith.constant 0 : i32
        %dma_wait3A_177 = tpu.memref_slice %arg10[%dma_wait3A_175, %dma_wait3A_176] : memref<10240x128xf32, #tpu.memory_space<vmem_shared>> -> memref<10240x128xf32, #tpu.memory_space<vmem_shared>>
        tpu.wait_indirect_dma semaphore(%run_scoped3A_165 : memref<!tpu.dma_semaphore, #tpu.memory_space<semaphore_mem>>) src(%arg13 : memref<128x128xf32, #tpu.memory_space<vmem>>) dst(%dma_wait3A_177 : memref<10240x128xf32, #tpu.memory_space<vmem_shared>>)
        tpu.yield
      }) : () -> ()
      %run_scoped3A_91 = arith.constant 2 : i32
      "tpu.region"() ({
        %run_scoped3A_165 = tpu.sem_alloc : memref<!tpu.dma_semaphore, #tpu.memory_space<semaphore_mem>>
        %dma_start3A_166 = arith.constant 0 : i32
        %dma_start3A_167 = tpu.memref_slice %arg12[%run_scoped3A_91, %dma_start3A_166] : memref<8x128xi32, #tpu.memory_space<vmem>> -> memref<1x128xi32, #tpu.memory_space<vmem>>
        %dma_start3A_168 = tpu.memref_squeeze %dma_start3A_167 : memref<1x128xi32, #tpu.memory_space<vmem>> -> memref<128xi32, #tpu.memory_space<vmem>>
        %dma_start3A_169 = arith.constant 0 : i32
        %dma_start3A_170 = arith.constant 0 : i32
        %dma_start3A_171 = tpu.memref_slice %arg17[%dma_start3A_169, %dma_start3A_170] : memref<10240x8xf32, #tpu.memory_space<vmem_shared>> -> memref<10240x8xf32, #tpu.memory_space<vmem_shared>>
        tpu.enqueue_indirect_dma source(%arg18 : memref<128x8xf32, #tpu.memory_space<vmem>>) target(%dma_start3A_171 : memref<10240x8xf32, #tpu.memory_space<vmem_shared>>) offsets(%dma_start3A_168 : memref<128xi32, #tpu.memory_space<vmem>>) semaphore(%run_scoped3A_165 : memref<!tpu.dma_semaphore, #tpu.memory_space<semaphore_mem>>) {add = true}
        %dma_wait3A_172 = arith.constant 0 : i32
        %dma_wait3A_173 = tpu.memref_slice %arg12[%run_scoped3A_91, %dma_wait3A_172] : memref<8x128xi32, #tpu.memory_space<vmem>> -> memref<1x128xi32, #tpu.memory_space<vmem>>
        %dma_wait3A_174 = tpu.memref_squeeze %dma_wait3A_173 : memref<1x128xi32, #tpu.memory_space<vmem>> -> memref<128xi32, #tpu.memory_space<vmem>>
        %dma_wait3A_175 = arith.constant 0 : i32
        %dma_wait3A_176 = arith.constant 0 : i32
        %dma_wait3A_177 = tpu.memref_slice %arg17[%dma_wait3A_175, %dma_wait3A_176] : memref<10240x8xf32, #tpu.memory_space<vmem_shared>> -> memref<10240x8xf32, #tpu.memory_space<vmem_shared>>
        tpu.wait_indirect_dma semaphore(%run_scoped3A_165 : memref<!tpu.dma_semaphore, #tpu.memory_space<semaphore_mem>>) src(%arg18 : memref<128x8xf32, #tpu.memory_space<vmem>>) dst(%dma_wait3A_177 : memref<10240x8xf32, #tpu.memory_space<vmem_shared>>)
        tpu.yield
      }) : () -> ()
      %dma_start3A_92 = arith.constant 4 : i32
      %dma_start3A_93 = arith.constant 0 : i32
      %dma_start3A_94 = tpu.memref_slice %arg11[%dma_start3A_92, %dma_start3A_93] : memref<8x128xi32, #tpu.memory_space<vmem>> -> memref<1x128xi32, #tpu.memory_space<vmem>>
      %dma_start3A_95 = tpu.memref_squeeze %dma_start3A_94 : memref<1x128xi32, #tpu.memory_space<vmem>> -> memref<128xi32, #tpu.memory_space<vmem>>
      %dma_start3A_96 = arith.constant 0 : i32
      %dma_start3A_97 = arith.constant 0 : i32
      %dma_start3A_98 = tpu.memref_slice %arg2[%dma_start3A_96, %dma_start3A_97] : memref<10000x128xf32, #tpu.memory_space<hbm>> -> memref<10000x128xf32, #tpu.memory_space<hbm>>
      tpu.enqueue_indirect_dma source(%dma_start3A_98 : memref<10000x128xf32, #tpu.memory_space<hbm>>) target(%arg13 : memref<128x128xf32, #tpu.memory_space<vmem>>) offsets(%dma_start3A_95 : memref<128xi32, #tpu.memory_space<vmem>>) semaphore(%arg15 : memref<!tpu.dma_semaphore, #tpu.memory_space<semaphore_mem>>)
      %dma_wait3A_99 = arith.constant 3 : i32
      %dma_wait3A_100 = arith.constant 0 : i32
      %dma_wait3A_101 = tpu.memref_slice %arg11[%dma_wait3A_99, %dma_wait3A_100] : memref<8x128xi32, #tpu.memory_space<vmem>> -> memref<1x128xi32, #tpu.memory_space<vmem>>
      %dma_wait3A_102 = tpu.memref_squeeze %dma_wait3A_101 : memref<1x128xi32, #tpu.memory_space<vmem>> -> memref<128xi32, #tpu.memory_space<vmem>>
      %dma_wait3A_103 = arith.constant 0 : i32
      %dma_wait3A_104 = arith.constant 0 : i32
      %dma_wait3A_105 = tpu.memref_slice %arg2[%dma_wait3A_103, %dma_wait3A_104] : memref<10000x128xf32, #tpu.memory_space<hbm>> -> memref<10000x128xf32, #tpu.memory_space<hbm>>
      tpu.wait_indirect_dma semaphore(%arg16 : memref<!tpu.dma_semaphore, #tpu.memory_space<semaphore_mem>>) src(%dma_wait3A_105 : memref<10000x128xf32, #tpu.memory_space<hbm>>) dst(%arg14 : memref<128x128xf32, #tpu.memory_space<vmem>>)
      %run_scoped3A_106 = arith.constant 3 : i32
      "tpu.region"() ({
        %run_scoped3A_165 = tpu.sem_alloc : memref<!tpu.dma_semaphore, #tpu.memory_space<semaphore_mem>>
        %dma_start3A_166 = arith.constant 0 : i32
        %dma_start3A_167 = tpu.memref_slice %arg12[%run_scoped3A_106, %dma_start3A_166] : memref<8x128xi32, #tpu.memory_space<vmem>> -> memref<1x128xi32, #tpu.memory_space<vmem>>
        %dma_start3A_168 = tpu.memref_squeeze %dma_start3A_167 : memref<1x128xi32, #tpu.memory_space<vmem>> -> memref<128xi32, #tpu.memory_space<vmem>>
        %dma_start3A_169 = arith.constant 0 : i32
        %dma_start3A_170 = arith.constant 0 : i32
        %dma_start3A_171 = tpu.memref_slice %arg10[%dma_start3A_169, %dma_start3A_170] : memref<10240x128xf32, #tpu.memory_space<vmem_shared>> -> memref<10240x128xf32, #tpu.memory_space<vmem_shared>>
        tpu.enqueue_indirect_dma source(%arg14 : memref<128x128xf32, #tpu.memory_space<vmem>>) target(%dma_start3A_171 : memref<10240x128xf32, #tpu.memory_space<vmem_shared>>) offsets(%dma_start3A_168 : memref<128xi32, #tpu.memory_space<vmem>>) semaphore(%run_scoped3A_165 : memref<!tpu.dma_semaphore, #tpu.memory_space<semaphore_mem>>) {add = true}
        %dma_wait3A_172 = arith.constant 0 : i32
        %dma_wait3A_173 = tpu.memref_slice %arg12[%run_scoped3A_106, %dma_wait3A_172] : memref<8x128xi32, #tpu.memory_space<vmem>> -> memref<1x128xi32, #tpu.memory_space<vmem>>
        %dma_wait3A_174 = tpu.memref_squeeze %dma_wait3A_173 : memref<1x128xi32, #tpu.memory_space<vmem>> -> memref<128xi32, #tpu.memory_space<vmem>>
        %dma_wait3A_175 = arith.constant 0 : i32
        %dma_wait3A_176 = arith.constant 0 : i32
        %dma_wait3A_177 = tpu.memref_slice %arg10[%dma_wait3A_175, %dma_wait3A_176] : memref<10240x128xf32, #tpu.memory_space<vmem_shared>> -> memref<10240x128xf32, #tpu.memory_space<vmem_shared>>
        tpu.wait_indirect_dma semaphore(%run_scoped3A_165 : memref<!tpu.dma_semaphore, #tpu.memory_space<semaphore_mem>>) src(%arg14 : memref<128x128xf32, #tpu.memory_space<vmem>>) dst(%dma_wait3A_177 : memref<10240x128xf32, #tpu.memory_space<vmem_shared>>)
        tpu.yield
      }) : () -> ()
      %run_scoped3A_107 = arith.constant 3 : i32
      "tpu.region"() ({
        %run_scoped3A_165 = tpu.sem_alloc : memref<!tpu.dma_semaphore, #tpu.memory_space<semaphore_mem>>
        %dma_start3A_166 = arith.constant 0 : i32
        %dma_start3A_167 = tpu.memref_slice %arg12[%run_scoped3A_107, %dma_start3A_166] : memref<8x128xi32, #tpu.memory_space<vmem>> -> memref<1x128xi32, #tpu.memory_space<vmem>>
        %dma_start3A_168 = tpu.memref_squeeze %dma_start3A_167 : memref<1x128xi32, #tpu.memory_space<vmem>> -> memref<128xi32, #tpu.memory_space<vmem>>
        %dma_start3A_169 = arith.constant 0 : i32
        %dma_start3A_170 = arith.constant 0 : i32
        %dma_start3A_171 = tpu.memref_slice %arg17[%dma_start3A_169, %dma_start3A_170] : memref<10240x8xf32, #tpu.memory_space<vmem_shared>> -> memref<10240x8xf32, #tpu.memory_space<vmem_shared>>
        tpu.enqueue_indirect_dma source(%arg18 : memref<128x8xf32, #tpu.memory_space<vmem>>) target(%dma_start3A_171 : memref<10240x8xf32, #tpu.memory_space<vmem_shared>>) offsets(%dma_start3A_168 : memref<128xi32, #tpu.memory_space<vmem>>) semaphore(%run_scoped3A_165 : memref<!tpu.dma_semaphore, #tpu.memory_space<semaphore_mem>>) {add = true}
        %dma_wait3A_172 = arith.constant 0 : i32
        %dma_wait3A_173 = tpu.memref_slice %arg12[%run_scoped3A_107, %dma_wait3A_172] : memref<8x128xi32, #tpu.memory_space<vmem>> -> memref<1x128xi32, #tpu.memory_space<vmem>>
        %dma_wait3A_174 = tpu.memref_squeeze %dma_wait3A_173 : memref<1x128xi32, #tpu.memory_space<vmem>> -> memref<128xi32, #tpu.memory_space<vmem>>
        %dma_wait3A_175 = arith.constant 0 : i32
        %dma_wait3A_176 = arith.constant 0 : i32
        %dma_wait3A_177 = tpu.memref_slice %arg17[%dma_wait3A_175, %dma_wait3A_176] : memref<10240x8xf32, #tpu.memory_space<vmem_shared>> -> memref<10240x8xf32, #tpu.memory_space<vmem_shared>>
        tpu.wait_indirect_dma semaphore(%run_scoped3A_165 : memref<!tpu.dma_semaphore, #tpu.memory_space<semaphore_mem>>) src(%arg18 : memref<128x8xf32, #tpu.memory_space<vmem>>) dst(%dma_wait3A_177 : memref<10240x8xf32, #tpu.memory_space<vmem_shared>>)
        tpu.yield
      }) : () -> ()
      %dma_start3A_108 = arith.constant 5 : i32
      %dma_start3A_109 = arith.constant 0 : i32
      %dma_start3A_110 = tpu.memref_slice %arg11[%dma_start3A_108, %dma_start3A_109] : memref<8x128xi32, #tpu.memory_space<vmem>> -> memref<1x128xi32, #tpu.memory_space<vmem>>
      %dma_start3A_111 = tpu.memref_squeeze %dma_start3A_110 : memref<1x128xi32, #tpu.memory_space<vmem>> -> memref<128xi32, #tpu.memory_space<vmem>>
      %dma_start3A_112 = arith.constant 0 : i32
      %dma_start3A_113 = arith.constant 0 : i32
      %dma_start3A_114 = tpu.memref_slice %arg2[%dma_start3A_112, %dma_start3A_113] : memref<10000x128xf32, #tpu.memory_space<hbm>> -> memref<10000x128xf32, #tpu.memory_space<hbm>>
      tpu.enqueue_indirect_dma source(%dma_start3A_114 : memref<10000x128xf32, #tpu.memory_space<hbm>>) target(%arg14 : memref<128x128xf32, #tpu.memory_space<vmem>>) offsets(%dma_start3A_111 : memref<128xi32, #tpu.memory_space<vmem>>) semaphore(%arg16 : memref<!tpu.dma_semaphore, #tpu.memory_space<semaphore_mem>>)
      %dma_wait3A_115 = arith.constant 4 : i32
      %dma_wait3A_116 = arith.constant 0 : i32
      %dma_wait3A_117 = tpu.memref_slice %arg11[%dma_wait3A_115, %dma_wait3A_116] : memref<8x128xi32, #tpu.memory_space<vmem>> -> memref<1x128xi32, #tpu.memory_space<vmem>>
      %dma_wait3A_118 = tpu.memref_squeeze %dma_wait3A_117 : memref<1x128xi32, #tpu.memory_space<vmem>> -> memref<128xi32, #tpu.memory_space<vmem>>
      %dma_wait3A_119 = arith.constant 0 : i32
      %dma_wait3A_120 = arith.constant 0 : i32
      %dma_wait3A_121 = tpu.memref_slice %arg2[%dma_wait3A_119, %dma_wait3A_120] : memref<10000x128xf32, #tpu.memory_space<hbm>> -> memref<10000x128xf32, #tpu.memory_space<hbm>>
      tpu.wait_indirect_dma semaphore(%arg15 : memref<!tpu.dma_semaphore, #tpu.memory_space<semaphore_mem>>) src(%dma_wait3A_121 : memref<10000x128xf32, #tpu.memory_space<hbm>>) dst(%arg13 : memref<128x128xf32, #tpu.memory_space<vmem>>)
      %run_scoped3A_122 = arith.constant 4 : i32
      "tpu.region"() ({
        %run_scoped3A_165 = tpu.sem_alloc : memref<!tpu.dma_semaphore, #tpu.memory_space<semaphore_mem>>
        %dma_start3A_166 = arith.constant 0 : i32
        %dma_start3A_167 = tpu.memref_slice %arg12[%run_scoped3A_122, %dma_start3A_166] : memref<8x128xi32, #tpu.memory_space<vmem>> -> memref<1x128xi32, #tpu.memory_space<vmem>>
        %dma_start3A_168 = tpu.memref_squeeze %dma_start3A_167 : memref<1x128xi32, #tpu.memory_space<vmem>> -> memref<128xi32, #tpu.memory_space<vmem>>
        %dma_start3A_169 = arith.constant 0 : i32
        %dma_start3A_170 = arith.constant 0 : i32
        %dma_start3A_171 = tpu.memref_slice %arg10[%dma_start3A_169, %dma_start3A_170] : memref<10240x128xf32, #tpu.memory_space<vmem_shared>> -> memref<10240x128xf32, #tpu.memory_space<vmem_shared>>
        tpu.enqueue_indirect_dma source(%arg13 : memref<128x128xf32, #tpu.memory_space<vmem>>) target(%dma_start3A_171 : memref<10240x128xf32, #tpu.memory_space<vmem_shared>>) offsets(%dma_start3A_168 : memref<128xi32, #tpu.memory_space<vmem>>) semaphore(%run_scoped3A_165 : memref<!tpu.dma_semaphore, #tpu.memory_space<semaphore_mem>>) {add = true}
        %dma_wait3A_172 = arith.constant 0 : i32
        %dma_wait3A_173 = tpu.memref_slice %arg12[%run_scoped3A_122, %dma_wait3A_172] : memref<8x128xi32, #tpu.memory_space<vmem>> -> memref<1x128xi32, #tpu.memory_space<vmem>>
        %dma_wait3A_174 = tpu.memref_squeeze %dma_wait3A_173 : memref<1x128xi32, #tpu.memory_space<vmem>> -> memref<128xi32, #tpu.memory_space<vmem>>
        %dma_wait3A_175 = arith.constant 0 : i32
        %dma_wait3A_176 = arith.constant 0 : i32
        %dma_wait3A_177 = tpu.memref_slice %arg10[%dma_wait3A_175, %dma_wait3A_176] : memref<10240x128xf32, #tpu.memory_space<vmem_shared>> -> memref<10240x128xf32, #tpu.memory_space<vmem_shared>>
        tpu.wait_indirect_dma semaphore(%run_scoped3A_165 : memref<!tpu.dma_semaphore, #tpu.memory_space<semaphore_mem>>) src(%arg13 : memref<128x128xf32, #tpu.memory_space<vmem>>) dst(%dma_wait3A_177 : memref<10240x128xf32, #tpu.memory_space<vmem_shared>>)
        tpu.yield
      }) : () -> ()
      %run_scoped3A_123 = arith.constant 4 : i32
      "tpu.region"() ({
        %run_scoped3A_165 = tpu.sem_alloc : memref<!tpu.dma_semaphore, #tpu.memory_space<semaphore_mem>>
        %dma_start3A_166 = arith.constant 0 : i32
        %dma_start3A_167 = tpu.memref_slice %arg12[%run_scoped3A_123, %dma_start3A_166] : memref<8x128xi32, #tpu.memory_space<vmem>> -> memref<1x128xi32, #tpu.memory_space<vmem>>
        %dma_start3A_168 = tpu.memref_squeeze %dma_start3A_167 : memref<1x128xi32, #tpu.memory_space<vmem>> -> memref<128xi32, #tpu.memory_space<vmem>>
        %dma_start3A_169 = arith.constant 0 : i32
        %dma_start3A_170 = arith.constant 0 : i32
        %dma_start3A_171 = tpu.memref_slice %arg17[%dma_start3A_169, %dma_start3A_170] : memref<10240x8xf32, #tpu.memory_space<vmem_shared>> -> memref<10240x8xf32, #tpu.memory_space<vmem_shared>>
        tpu.enqueue_indirect_dma source(%arg18 : memref<128x8xf32, #tpu.memory_space<vmem>>) target(%dma_start3A_171 : memref<10240x8xf32, #tpu.memory_space<vmem_shared>>) offsets(%dma_start3A_168 : memref<128xi32, #tpu.memory_space<vmem>>) semaphore(%run_scoped3A_165 : memref<!tpu.dma_semaphore, #tpu.memory_space<semaphore_mem>>) {add = true}
        %dma_wait3A_172 = arith.constant 0 : i32
        %dma_wait3A_173 = tpu.memref_slice %arg12[%run_scoped3A_123, %dma_wait3A_172] : memref<8x128xi32, #tpu.memory_space<vmem>> -> memref<1x128xi32, #tpu.memory_space<vmem>>
        %dma_wait3A_174 = tpu.memref_squeeze %dma_wait3A_173 : memref<1x128xi32, #tpu.memory_space<vmem>> -> memref<128xi32, #tpu.memory_space<vmem>>
        %dma_wait3A_175 = arith.constant 0 : i32
        %dma_wait3A_176 = arith.constant 0 : i32
        %dma_wait3A_177 = tpu.memref_slice %arg17[%dma_wait3A_175, %dma_wait3A_176] : memref<10240x8xf32, #tpu.memory_space<vmem_shared>> -> memref<10240x8xf32, #tpu.memory_space<vmem_shared>>
        tpu.wait_indirect_dma semaphore(%run_scoped3A_165 : memref<!tpu.dma_semaphore, #tpu.memory_space<semaphore_mem>>) src(%arg18 : memref<128x8xf32, #tpu.memory_space<vmem>>) dst(%dma_wait3A_177 : memref<10240x8xf32, #tpu.memory_space<vmem_shared>>)
        tpu.yield
      }) : () -> ()
      %dma_start3A_124 = arith.constant 6 : i32
      %dma_start3A_125 = arith.constant 0 : i32
      %dma_start3A_126 = tpu.memref_slice %arg11[%dma_start3A_124, %dma_start3A_125] : memref<8x128xi32, #tpu.memory_space<vmem>> -> memref<1x128xi32, #tpu.memory_space<vmem>>
      %dma_start3A_127 = tpu.memref_squeeze %dma_start3A_126 : memref<1x128xi32, #tpu.memory_space<vmem>> -> memref<128xi32, #tpu.memory_space<vmem>>
      %dma_start3A_128 = arith.constant 0 : i32
      %dma_start3A_129 = arith.constant 0 : i32
      %dma_start3A_130 = tpu.memref_slice %arg2[%dma_start3A_128, %dma_start3A_129] : memref<10000x128xf32, #tpu.memory_space<hbm>> -> memref<10000x128xf32, #tpu.memory_space<hbm>>
      tpu.enqueue_indirect_dma source(%dma_start3A_130 : memref<10000x128xf32, #tpu.memory_space<hbm>>) target(%arg13 : memref<128x128xf32, #tpu.memory_space<vmem>>) offsets(%dma_start3A_127 : memref<128xi32, #tpu.memory_space<vmem>>) semaphore(%arg15 : memref<!tpu.dma_semaphore, #tpu.memory_space<semaphore_mem>>)
      %dma_wait3A_131 = arith.constant 5 : i32
      %dma_wait3A_132 = arith.constant 0 : i32
      %dma_wait3A_133 = tpu.memref_slice %arg11[%dma_wait3A_131, %dma_wait3A_132] : memref<8x128xi32, #tpu.memory_space<vmem>> -> memref<1x128xi32, #tpu.memory_space<vmem>>
      %dma_wait3A_134 = tpu.memref_squeeze %dma_wait3A_133 : memref<1x128xi32, #tpu.memory_space<vmem>> -> memref<128xi32, #tpu.memory_space<vmem>>
      %dma_wait3A_135 = arith.constant 0 : i32
      %dma_wait3A_136 = arith.constant 0 : i32
      %dma_wait3A_137 = tpu.memref_slice %arg2[%dma_wait3A_135, %dma_wait3A_136] : memref<10000x128xf32, #tpu.memory_space<hbm>> -> memref<10000x128xf32, #tpu.memory_space<hbm>>
      tpu.wait_indirect_dma semaphore(%arg16 : memref<!tpu.dma_semaphore, #tpu.memory_space<semaphore_mem>>) src(%dma_wait3A_137 : memref<10000x128xf32, #tpu.memory_space<hbm>>) dst(%arg14 : memref<128x128xf32, #tpu.memory_space<vmem>>)
      %run_scoped3A_138 = arith.constant 5 : i32
      "tpu.region"() ({
        %run_scoped3A_165 = tpu.sem_alloc : memref<!tpu.dma_semaphore, #tpu.memory_space<semaphore_mem>>
        %dma_start3A_166 = arith.constant 0 : i32
        %dma_start3A_167 = tpu.memref_slice %arg12[%run_scoped3A_138, %dma_start3A_166] : memref<8x128xi32, #tpu.memory_space<vmem>> -> memref<1x128xi32, #tpu.memory_space<vmem>>
        %dma_start3A_168 = tpu.memref_squeeze %dma_start3A_167 : memref<1x128xi32, #tpu.memory_space<vmem>> -> memref<128xi32, #tpu.memory_space<vmem>>
        %dma_start3A_169 = arith.constant 0 : i32
        %dma_start3A_170 = arith.constant 0 : i32
        %dma_start3A_171 = tpu.memref_slice %arg10[%dma_start3A_169, %dma_start3A_170] : memref<10240x128xf32, #tpu.memory_space<vmem_shared>> -> memref<10240x128xf32, #tpu.memory_space<vmem_shared>>
        tpu.enqueue_indirect_dma source(%arg14 : memref<128x128xf32, #tpu.memory_space<vmem>>) target(%dma_start3A_171 : memref<10240x128xf32, #tpu.memory_space<vmem_shared>>) offsets(%dma_start3A_168 : memref<128xi32, #tpu.memory_space<vmem>>) semaphore(%run_scoped3A_165 : memref<!tpu.dma_semaphore, #tpu.memory_space<semaphore_mem>>) {add = true}
        %dma_wait3A_172 = arith.constant 0 : i32
        %dma_wait3A_173 = tpu.memref_slice %arg12[%run_scoped3A_138, %dma_wait3A_172] : memref<8x128xi32, #tpu.memory_space<vmem>> -> memref<1x128xi32, #tpu.memory_space<vmem>>
        %dma_wait3A_174 = tpu.memref_squeeze %dma_wait3A_173 : memref<1x128xi32, #tpu.memory_space<vmem>> -> memref<128xi32, #tpu.memory_space<vmem>>
        %dma_wait3A_175 = arith.constant 0 : i32
        %dma_wait3A_176 = arith.constant 0 : i32
        %dma_wait3A_177 = tpu.memref_slice %arg10[%dma_wait3A_175, %dma_wait3A_176] : memref<10240x128xf32, #tpu.memory_space<vmem_shared>> -> memref<10240x128xf32, #tpu.memory_space<vmem_shared>>
        tpu.wait_indirect_dma semaphore(%run_scoped3A_165 : memref<!tpu.dma_semaphore, #tpu.memory_space<semaphore_mem>>) src(%arg14 : memref<128x128xf32, #tpu.memory_space<vmem>>) dst(%dma_wait3A_177 : memref<10240x128xf32, #tpu.memory_space<vmem_shared>>)
        tpu.yield
      }) : () -> ()
      %run_scoped3A_139 = arith.constant 5 : i32
      "tpu.region"() ({
        %run_scoped3A_165 = tpu.sem_alloc : memref<!tpu.dma_semaphore, #tpu.memory_space<semaphore_mem>>
        %dma_start3A_166 = arith.constant 0 : i32
        %dma_start3A_167 = tpu.memref_slice %arg12[%run_scoped3A_139, %dma_start3A_166] : memref<8x128xi32, #tpu.memory_space<vmem>> -> memref<1x128xi32, #tpu.memory_space<vmem>>
        %dma_start3A_168 = tpu.memref_squeeze %dma_start3A_167 : memref<1x128xi32, #tpu.memory_space<vmem>> -> memref<128xi32, #tpu.memory_space<vmem>>
        %dma_start3A_169 = arith.constant 0 : i32
        %dma_start3A_170 = arith.constant 0 : i32
        %dma_start3A_171 = tpu.memref_slice %arg17[%dma_start3A_169, %dma_start3A_170] : memref<10240x8xf32, #tpu.memory_space<vmem_shared>> -> memref<10240x8xf32, #tpu.memory_space<vmem_shared>>
        tpu.enqueue_indirect_dma source(%arg18 : memref<128x8xf32, #tpu.memory_space<vmem>>) target(%dma_start3A_171 : memref<10240x8xf32, #tpu.memory_space<vmem_shared>>) offsets(%dma_start3A_168 : memref<128xi32, #tpu.memory_space<vmem>>) semaphore(%run_scoped3A_165 : memref<!tpu.dma_semaphore, #tpu.memory_space<semaphore_mem>>) {add = true}
        %dma_wait3A_172 = arith.constant 0 : i32
        %dma_wait3A_173 = tpu.memref_slice %arg12[%run_scoped3A_139, %dma_wait3A_172] : memref<8x128xi32, #tpu.memory_space<vmem>> -> memref<1x128xi32, #tpu.memory_space<vmem>>
        %dma_wait3A_174 = tpu.memref_squeeze %dma_wait3A_173 : memref<1x128xi32, #tpu.memory_space<vmem>> -> memref<128xi32, #tpu.memory_space<vmem>>
        %dma_wait3A_175 = arith.constant 0 : i32
        %dma_wait3A_176 = arith.constant 0 : i32
        %dma_wait3A_177 = tpu.memref_slice %arg17[%dma_wait3A_175, %dma_wait3A_176] : memref<10240x8xf32, #tpu.memory_space<vmem_shared>> -> memref<10240x8xf32, #tpu.memory_space<vmem_shared>>
        tpu.wait_indirect_dma semaphore(%run_scoped3A_165 : memref<!tpu.dma_semaphore, #tpu.memory_space<semaphore_mem>>) src(%arg18 : memref<128x8xf32, #tpu.memory_space<vmem>>) dst(%dma_wait3A_177 : memref<10240x8xf32, #tpu.memory_space<vmem_shared>>)
        tpu.yield
      }) : () -> ()
      %dma_start3A_140 = arith.constant 7 : i32
      %dma_start3A_141 = arith.constant 0 : i32
      %dma_start3A_142 = tpu.memref_slice %arg11[%dma_start3A_140, %dma_start3A_141] : memref<8x128xi32, #tpu.memory_space<vmem>> -> memref<1x128xi32, #tpu.memory_space<vmem>>
      %dma_start3A_143 = tpu.memref_squeeze %dma_start3A_142 : memref<1x128xi32, #tpu.memory_space<vmem>> -> memref<128xi32, #tpu.memory_space<vmem>>
      %dma_start3A_144 = arith.constant 0 : i32
      %dma_start3A_145 = arith.constant 0 : i32
      %dma_start3A_146 = tpu.memref_slice %arg2[%dma_start3A_144, %dma_start3A_145] : memref<10000x128xf32, #tpu.memory_space<hbm>> -> memref<10000x128xf32, #tpu.memory_space<hbm>>
      tpu.enqueue_indirect_dma source(%dma_start3A_146 : memref<10000x128xf32, #tpu.memory_space<hbm>>) target(%arg14 : memref<128x128xf32, #tpu.memory_space<vmem>>) offsets(%dma_start3A_143 : memref<128xi32, #tpu.memory_space<vmem>>) semaphore(%arg16 : memref<!tpu.dma_semaphore, #tpu.memory_space<semaphore_mem>>)
      %dma_wait3A_147 = arith.constant 6 : i32
      %dma_wait3A_148 = arith.constant 0 : i32
      %dma_wait3A_149 = tpu.memref_slice %arg11[%dma_wait3A_147, %dma_wait3A_148] : memref<8x128xi32, #tpu.memory_space<vmem>> -> memref<1x128xi32, #tpu.memory_space<vmem>>
      %dma_wait3A_150 = tpu.memref_squeeze %dma_wait3A_149 : memref<1x128xi32, #tpu.memory_space<vmem>> -> memref<128xi32, #tpu.memory_space<vmem>>
      %dma_wait3A_151 = arith.constant 0 : i32
      %dma_wait3A_152 = arith.constant 0 : i32
      %dma_wait3A_153 = tpu.memref_slice %arg2[%dma_wait3A_151, %dma_wait3A_152] : memref<10000x128xf32, #tpu.memory_space<hbm>> -> memref<10000x128xf32, #tpu.memory_space<hbm>>
      tpu.wait_indirect_dma semaphore(%arg15 : memref<!tpu.dma_semaphore, #tpu.memory_space<semaphore_mem>>) src(%dma_wait3A_153 : memref<10000x128xf32, #tpu.memory_space<hbm>>) dst(%arg13 : memref<128x128xf32, #tpu.memory_space<vmem>>)
      %run_scoped3A_154 = arith.constant 6 : i32
      "tpu.region"() ({
        %run_scoped3A_165 = tpu.sem_alloc : memref<!tpu.dma_semaphore, #tpu.memory_space<semaphore_mem>>
        %dma_start3A_166 = arith.constant 0 : i32
        %dma_start3A_167 = tpu.memref_slice %arg12[%run_scoped3A_154, %dma_start3A_166] : memref<8x128xi32, #tpu.memory_space<vmem>> -> memref<1x128xi32, #tpu.memory_space<vmem>>
        %dma_start3A_168 = tpu.memref_squeeze %dma_start3A_167 : memref<1x128xi32, #tpu.memory_space<vmem>> -> memref<128xi32, #tpu.memory_space<vmem>>
        %dma_start3A_169 = arith.constant 0 : i32
        %dma_start3A_170 = arith.constant 0 : i32
        %dma_start3A_171 = tpu.memref_slice %arg10[%dma_start3A_169, %dma_start3A_170] : memref<10240x128xf32, #tpu.memory_space<vmem_shared>> -> memref<10240x128xf32, #tpu.memory_space<vmem_shared>>
        tpu.enqueue_indirect_dma source(%arg13 : memref<128x128xf32, #tpu.memory_space<vmem>>) target(%dma_start3A_171 : memref<10240x128xf32, #tpu.memory_space<vmem_shared>>) offsets(%dma_start3A_168 : memref<128xi32, #tpu.memory_space<vmem>>) semaphore(%run_scoped3A_165 : memref<!tpu.dma_semaphore, #tpu.memory_space<semaphore_mem>>) {add = true}
        %dma_wait3A_172 = arith.constant 0 : i32
        %dma_wait3A_173 = tpu.memref_slice %arg12[%run_scoped3A_154, %dma_wait3A_172] : memref<8x128xi32, #tpu.memory_space<vmem>> -> memref<1x128xi32, #tpu.memory_space<vmem>>
        %dma_wait3A_174 = tpu.memref_squeeze %dma_wait3A_173 : memref<1x128xi32, #tpu.memory_space<vmem>> -> memref<128xi32, #tpu.memory_space<vmem>>
        %dma_wait3A_175 = arith.constant 0 : i32
        %dma_wait3A_176 = arith.constant 0 : i32
        %dma_wait3A_177 = tpu.memref_slice %arg10[%dma_wait3A_175, %dma_wait3A_176] : memref<10240x128xf32, #tpu.memory_space<vmem_shared>> -> memref<10240x128xf32, #tpu.memory_space<vmem_shared>>
        tpu.wait_indirect_dma semaphore(%run_scoped3A_165 : memref<!tpu.dma_semaphore, #tpu.memory_space<semaphore_mem>>) src(%arg13 : memref<128x128xf32, #tpu.memory_space<vmem>>) dst(%dma_wait3A_177 : memref<10240x128xf32, #tpu.memory_space<vmem_shared>>)
        tpu.yield
      }) : () -> ()
      %run_scoped3A_155 = arith.constant 6 : i32
      "tpu.region"() ({
        %run_scoped3A_165 = tpu.sem_alloc : memref<!tpu.dma_semaphore, #tpu.memory_space<semaphore_mem>>
        %dma_start3A_166 = arith.constant 0 : i32
        %dma_start3A_167 = tpu.memref_slice %arg12[%run_scoped3A_155, %dma_start3A_166] : memref<8x128xi32, #tpu.memory_space<vmem>> -> memref<1x128xi32, #tpu.memory_space<vmem>>
        %dma_start3A_168 = tpu.memref_squeeze %dma_start3A_167 : memref<1x128xi32, #tpu.memory_space<vmem>> -> memref<128xi32, #tpu.memory_space<vmem>>
        %dma_start3A_169 = arith.constant 0 : i32
        %dma_start3A_170 = arith.constant 0 : i32
        %dma_start3A_171 = tpu.memref_slice %arg17[%dma_start3A_169, %dma_start3A_170] : memref<10240x8xf32, #tpu.memory_space<vmem_shared>> -> memref<10240x8xf32, #tpu.memory_space<vmem_shared>>
        tpu.enqueue_indirect_dma source(%arg18 : memref<128x8xf32, #tpu.memory_space<vmem>>) target(%dma_start3A_171 : memref<10240x8xf32, #tpu.memory_space<vmem_shared>>) offsets(%dma_start3A_168 : memref<128xi32, #tpu.memory_space<vmem>>) semaphore(%run_scoped3A_165 : memref<!tpu.dma_semaphore, #tpu.memory_space<semaphore_mem>>) {add = true}
        %dma_wait3A_172 = arith.constant 0 : i32
        %dma_wait3A_173 = tpu.memref_slice %arg12[%run_scoped3A_155, %dma_wait3A_172] : memref<8x128xi32, #tpu.memory_space<vmem>> -> memref<1x128xi32, #tpu.memory_space<vmem>>
        %dma_wait3A_174 = tpu.memref_squeeze %dma_wait3A_173 : memref<1x128xi32, #tpu.memory_space<vmem>> -> memref<128xi32, #tpu.memory_space<vmem>>
        %dma_wait3A_175 = arith.constant 0 : i32
        %dma_wait3A_176 = arith.constant 0 : i32
        %dma_wait3A_177 = tpu.memref_slice %arg17[%dma_wait3A_175, %dma_wait3A_176] : memref<10240x8xf32, #tpu.memory_space<vmem_shared>> -> memref<10240x8xf32, #tpu.memory_space<vmem_shared>>
        tpu.wait_indirect_dma semaphore(%run_scoped3A_165 : memref<!tpu.dma_semaphore, #tpu.memory_space<semaphore_mem>>) src(%arg18 : memref<128x8xf32, #tpu.memory_space<vmem>>) dst(%dma_wait3A_177 : memref<10240x8xf32, #tpu.memory_space<vmem_shared>>)
        tpu.yield
      }) : () -> ()
      %dma_wait3A_156 = arith.constant 7 : i32
      %dma_wait3A_157 = arith.constant 0 : i32
      %dma_wait3A_158 = tpu.memref_slice %arg11[%dma_wait3A_156, %dma_wait3A_157] : memref<8x128xi32, #tpu.memory_space<vmem>> -> memref<1x128xi32, #tpu.memory_space<vmem>>
      %dma_wait3A_159 = tpu.memref_squeeze %dma_wait3A_158 : memref<1x128xi32, #tpu.memory_space<vmem>> -> memref<128xi32, #tpu.memory_space<vmem>>
      %dma_wait3A_160 = arith.constant 0 : i32
      %dma_wait3A_161 = arith.constant 0 : i32
      %dma_wait3A_162 = tpu.memref_slice %arg2[%dma_wait3A_160, %dma_wait3A_161] : memref<10000x128xf32, #tpu.memory_space<hbm>> -> memref<10000x128xf32, #tpu.memory_space<hbm>>
      tpu.wait_indirect_dma semaphore(%arg16 : memref<!tpu.dma_semaphore, #tpu.memory_space<semaphore_mem>>) src(%dma_wait3A_162 : memref<10000x128xf32, #tpu.memory_space<hbm>>) dst(%arg14 : memref<128x128xf32, #tpu.memory_space<vmem>>)
      %run_scoped3A_163 = arith.constant 7 : i32
      "tpu.region"() ({
        %run_scoped3A_165 = tpu.sem_alloc : memref<!tpu.dma_semaphore, #tpu.memory_space<semaphore_mem>>
        %dma_start3A_166 = arith.constant 0 : i32
        %dma_start3A_167 = tpu.memref_slice %arg12[%run_scoped3A_163, %dma_start3A_166] : memref<8x128xi32, #tpu.memory_space<vmem>> -> memref<1x128xi32, #tpu.memory_space<vmem>>
        %dma_start3A_168 = tpu.memref_squeeze %dma_start3A_167 : memref<1x128xi32, #tpu.memory_space<vmem>> -> memref<128xi32, #tpu.memory_space<vmem>>
        %dma_start3A_169 = arith.constant 0 : i32
        %dma_start3A_170 = arith.constant 0 : i32
        %dma_start3A_171 = tpu.memref_slice %arg10[%dma_start3A_169, %dma_start3A_170] : memref<10240x128xf32, #tpu.memory_space<vmem_shared>> -> memref<10240x128xf32, #tpu.memory_space<vmem_shared>>
        tpu.enqueue_indirect_dma source(%arg14 : memref<128x128xf32, #tpu.memory_space<vmem>>) target(%dma_start3A_171 : memref<10240x128xf32, #tpu.memory_space<vmem_shared>>) offsets(%dma_start3A_168 : memref<128xi32, #tpu.memory_space<vmem>>) semaphore(%run_scoped3A_165 : memref<!tpu.dma_semaphore, #tpu.memory_space<semaphore_mem>>) {add = true}
        %dma_wait3A_172 = arith.constant 0 : i32
        %dma_wait3A_173 = tpu.memref_slice %arg12[%run_scoped3A_163, %dma_wait3A_172] : memref<8x128xi32, #tpu.memory_space<vmem>> -> memref<1x128xi32, #tpu.memory_space<vmem>>
        %dma_wait3A_174 = tpu.memref_squeeze %dma_wait3A_173 : memref<1x128xi32, #tpu.memory_space<vmem>> -> memref<128xi32, #tpu.memory_space<vmem>>
        %dma_wait3A_175 = arith.constant 0 : i32
        %dma_wait3A_176 = arith.constant 0 : i32
        %dma_wait3A_177 = tpu.memref_slice %arg10[%dma_wait3A_175, %dma_wait3A_176] : memref<10240x128xf32, #tpu.memory_space<vmem_shared>> -> memref<10240x128xf32, #tpu.memory_space<vmem_shared>>
        tpu.wait_indirect_dma semaphore(%run_scoped3A_165 : memref<!tpu.dma_semaphore, #tpu.memory_space<semaphore_mem>>) src(%arg14 : memref<128x128xf32, #tpu.memory_space<vmem>>) dst(%dma_wait3A_177 : memref<10240x128xf32, #tpu.memory_space<vmem_shared>>)
        tpu.yield
      }) : () -> ()
      %run_scoped3A_164 = arith.constant 7 : i32
      "tpu.region"() ({
        %run_scoped3A_165 = tpu.sem_alloc : memref<!tpu.dma_semaphore, #tpu.memory_space<semaphore_mem>>
        %dma_start3A_166 = arith.constant 0 : i32
        %dma_start3A_167 = tpu.memref_slice %arg12[%run_scoped3A_164, %dma_start3A_166] : memref<8x128xi32, #tpu.memory_space<vmem>> -> memref<1x128xi32, #tpu.memory_space<vmem>>
        %dma_start3A_168 = tpu.memref_squeeze %dma_start3A_167 : memref<1x128xi32, #tpu.memory_space<vmem>> -> memref<128xi32, #tpu.memory_space<vmem>>
        %dma_start3A_169 = arith.constant 0 : i32
        %dma_start3A_170 = arith.constant 0 : i32
        %dma_start3A_171 = tpu.memref_slice %arg17[%dma_start3A_169, %dma_start3A_170] : memref<10240x8xf32, #tpu.memory_space<vmem_shared>> -> memref<10240x8xf32, #tpu.memory_space<vmem_shared>>
        tpu.enqueue_indirect_dma source(%arg18 : memref<128x8xf32, #tpu.memory_space<vmem>>) target(%dma_start3A_171 : memref<10240x8xf32, #tpu.memory_space<vmem_shared>>) offsets(%dma_start3A_168 : memref<128xi32, #tpu.memory_space<vmem>>) semaphore(%run_scoped3A_165 : memref<!tpu.dma_semaphore, #tpu.memory_space<semaphore_mem>>) {add = true}
        %dma_wait3A_172 = arith.constant 0 : i32
        %dma_wait3A_173 = tpu.memref_slice %arg12[%run_scoped3A_164, %dma_wait3A_172] : memref<8x128xi32, #tpu.memory_space<vmem>> -> memref<1x128xi32, #tpu.memory_space<vmem>>
        %dma_wait3A_174 = tpu.memref_squeeze %dma_wait3A_173 : memref<1x128xi32, #tpu.memory_space<vmem>> -> memref<128xi32, #tpu.memory_space<vmem>>
        %dma_wait3A_175 = arith.constant 0 : i32
        %dma_wait3A_176 = arith.constant 0 : i32
        %dma_wait3A_177 = tpu.memref_slice %arg17[%dma_wait3A_175, %dma_wait3A_176] : memref<10240x8xf32, #tpu.memory_space<vmem_shared>> -> memref<10240x8xf32, #tpu.memory_space<vmem_shared>>
        tpu.wait_indirect_dma semaphore(%run_scoped3A_165 : memref<!tpu.dma_semaphore, #tpu.memory_space<semaphore_mem>>) src(%arg18 : memref<128x8xf32, #tpu.memory_space<vmem>>) dst(%dma_wait3A_177 : memref<10240x8xf32, #tpu.memory_space<vmem_shared>>)
        tpu.yield
      }) : () -> ()
    }
    %barrier3A_22 = arith.constant 0 : index
    tpu.barrier barrier_id(%barrier3A_22)
    %mul3A_23 = arith.constant 640 : i32
    %mul3A_24 = arith.muli %arg1, %mul3A_23 : i32
    %lt3A = arith.constant 9600 : i32
    %lt3A_25 = arith.cmpi slt, %mul3A_24, %lt3A : i32
    %convert_element_type3A = arith.extui %lt3A_25 : i1 to i32
    %cond3A = arith.constant 0 : i32
    %cond3A_26 = arith.cmpi ne, %convert_element_type3A, %cond3A : i32
    scf.if %cond3A_26 {
      %mul3A_33 = arith.constant 640 : i32
      %mul3A_34 = arith.muli %arg1, %mul3A_33 : i32
      %mul3A_35 = arith.constant 640 : i32
      %mul3A_36 = arith.muli %arg1, %mul3A_35 : i32
      "tpu.region"() ({
        %run_scoped3A = tpu.sem_alloc : memref<!tpu.dma_semaphore, #tpu.memory_space<semaphore_mem>>
        %dma_start3A = arith.constant 0 : i32
        %dma_start3A_41 = tpu.memref_slice %arg8[%arg0, %mul3A_36, %dma_start3A] : memref<2x10000x128xf32, #tpu.memory_space<hbm>> -> memref<1x640x128xf32, #tpu.memory_space<hbm>>
        %dma_start3A_42 = tpu.memref_squeeze %dma_start3A_41 : memref<1x640x128xf32, #tpu.memory_space<hbm>> -> memref<640x128xf32, #tpu.memory_space<hbm>>
        %dma_start3A_43 = arith.constant 0 : i32
        %dma_start3A_44 = tpu.memref_slice %arg10[%mul3A_34, %dma_start3A_43] : memref<10240x128xf32, #tpu.memory_space<vmem_shared>> -> memref<640x128xf32, #tpu.memory_space<vmem_shared>>
        tpu.enqueue_dma source(%dma_start3A_44 : memref<640x128xf32, #tpu.memory_space<vmem_shared>>) target(%dma_start3A_42 : memref<640x128xf32, #tpu.memory_space<hbm>>) target_semaphore(%run_scoped3A : memref<!tpu.dma_semaphore, #tpu.memory_space<semaphore_mem>>)
        %dma_wait3A = arith.constant 0 : i32
        %dma_wait3A_45 = tpu.memref_slice %arg8[%arg0, %mul3A_36, %dma_wait3A] : memref<2x10000x128xf32, #tpu.memory_space<hbm>> -> memref<1x640x128xf32, #tpu.memory_space<hbm>>
        %dma_wait3A_46 = tpu.memref_squeeze %dma_wait3A_45 : memref<1x640x128xf32, #tpu.memory_space<hbm>> -> memref<640x128xf32, #tpu.memory_space<hbm>>
        %dma_wait3A_47 = arith.constant 0 : i32
        %dma_wait3A_48 = tpu.memref_slice %arg10[%mul3A_34, %dma_wait3A_47] : memref<10240x128xf32, #tpu.memory_space<vmem_shared>> -> memref<640x128xf32, #tpu.memory_space<vmem_shared>>
        tpu.wait_dma2 semaphore(%run_scoped3A : memref<!tpu.dma_semaphore, #tpu.memory_space<semaphore_mem>>) src(%dma_wait3A_48 : memref<640x128xf32, #tpu.memory_space<vmem_shared>>) dst(%dma_wait3A_46 : memref<640x128xf32, #tpu.memory_space<hbm>>)
        tpu.yield
      }) : () -> ()
      %mul3A_37 = arith.constant 640 : i32
      %mul3A_38 = arith.muli %arg1, %mul3A_37 : i32
      %mul3A_39 = arith.constant 640 : i32
      %mul3A_40 = arith.muli %arg1, %mul3A_39 : i32
      "tpu.region"() ({
        %run_scoped3A = tpu.sem_alloc : memref<!tpu.dma_semaphore, #tpu.memory_space<semaphore_mem>>
        %dma_start3A = arith.constant 0 : i32
        %dma_start3A_41 = tpu.memref_slice %arg9[%arg0, %mul3A_40, %dma_start3A] : memref<2x10000x8xf32, #tpu.memory_space<hbm>> -> memref<1x640x8xf32, #tpu.memory_space<hbm>>
        %dma_start3A_42 = tpu.memref_squeeze %dma_start3A_41 : memref<1x640x8xf32, #tpu.memory_space<hbm>> -> memref<640x8xf32, #tpu.memory_space<hbm>>
        %dma_start3A_43 = arith.constant 0 : i32
        %dma_start3A_44 = tpu.memref_slice %arg17[%mul3A_38, %dma_start3A_43] : memref<10240x8xf32, #tpu.memory_space<vmem_shared>> -> memref<640x8xf32, #tpu.memory_space<vmem_shared>>
        tpu.enqueue_dma source(%dma_start3A_44 : memref<640x8xf32, #tpu.memory_space<vmem_shared>>) target(%dma_start3A_42 : memref<640x8xf32, #tpu.memory_space<hbm>>) target_semaphore(%run_scoped3A : memref<!tpu.dma_semaphore, #tpu.memory_space<semaphore_mem>>)
        %dma_wait3A = arith.constant 0 : i32
        %dma_wait3A_45 = tpu.memref_slice %arg9[%arg0, %mul3A_40, %dma_wait3A] : memref<2x10000x8xf32, #tpu.memory_space<hbm>> -> memref<1x640x8xf32, #tpu.memory_space<hbm>>
        %dma_wait3A_46 = tpu.memref_squeeze %dma_wait3A_45 : memref<1x640x8xf32, #tpu.memory_space<hbm>> -> memref<640x8xf32, #tpu.memory_space<hbm>>
        %dma_wait3A_47 = arith.constant 0 : i32
        %dma_wait3A_48 = tpu.memref_slice %arg17[%mul3A_38, %dma_wait3A_47] : memref<10240x8xf32, #tpu.memory_space<vmem_shared>> -> memref<640x8xf32, #tpu.memory_space<vmem_shared>>
        tpu.wait_dma2 semaphore(%run_scoped3A : memref<!tpu.dma_semaphore, #tpu.memory_space<semaphore_mem>>) src(%dma_wait3A_48 : memref<640x8xf32, #tpu.memory_space<vmem_shared>>) dst(%dma_wait3A_46 : memref<640x8xf32, #tpu.memory_space<hbm>>)
        tpu.yield
      }) : () -> ()
    } else {
    }
    %mul3A_27 = arith.constant 640 : i32
    %mul3A_28 = arith.muli %arg1, %mul3A_27 : i32
    %ge3A = arith.constant 9600 : i32
    %ge3A_29 = arith.cmpi sge, %mul3A_28, %ge3A : i32
    %convert_element_type3A_30 = arith.extui %ge3A_29 : i1 to i32
    %cond3A_31 = arith.constant 0 : i32
    %cond3A_32 = arith.cmpi ne, %convert_element_type3A_30, %cond3A_31 : i32
    scf.if %cond3A_32 {
      "tpu.region"() ({
        %run_scoped3A = tpu.sem_alloc : memref<!tpu.dma_semaphore, #tpu.memory_space<semaphore_mem>>
        %dma_start3A = arith.constant 9600 : i32
        %dma_start3A_33 = arith.constant 0 : i32
        %dma_start3A_34 = tpu.memref_slice %arg8[%arg0, %dma_start3A, %dma_start3A_33] : memref<2x10000x128xf32, #tpu.memory_space<hbm>> -> memref<1x400x128xf32, #tpu.memory_space<hbm>>
        %dma_start3A_35 = tpu.memref_squeeze %dma_start3A_34 : memref<1x400x128xf32, #tpu.memory_space<hbm>> -> memref<400x128xf32, #tpu.memory_space<hbm>>
        %dma_start3A_36 = arith.constant 9600 : i32
        %dma_start3A_37 = arith.constant 0 : i32
        %dma_start3A_38 = tpu.memref_slice %arg10[%dma_start3A_36, %dma_start3A_37] : memref<10240x128xf32, #tpu.memory_space<vmem_shared>> -> memref<400x128xf32, #tpu.memory_space<vmem_shared>>
        tpu.enqueue_dma source(%dma_start3A_38 : memref<400x128xf32, #tpu.memory_space<vmem_shared>>) target(%dma_start3A_35 : memref<400x128xf32, #tpu.memory_space<hbm>>) target_semaphore(%run_scoped3A : memref<!tpu.dma_semaphore, #tpu.memory_space<semaphore_mem>>)
        %dma_wait3A = arith.constant 9600 : i32
        %dma_wait3A_39 = arith.constant 0 : i32
        %dma_wait3A_40 = tpu.memref_slice %arg8[%arg0, %dma_wait3A, %dma_wait3A_39] : memref<2x10000x128xf32, #tpu.memory_space<hbm>> -> memref<1x400x128xf32, #tpu.memory_space<hbm>>
        %dma_wait3A_41 = tpu.memref_squeeze %dma_wait3A_40 : memref<1x400x128xf32, #tpu.memory_space<hbm>> -> memref<400x128xf32, #tpu.memory_space<hbm>>
        %dma_wait3A_42 = arith.constant 9600 : i32
        %dma_wait3A_43 = arith.constant 0 : i32
        %dma_wait3A_44 = tpu.memref_slice %arg10[%dma_wait3A_42, %dma_wait3A_43] : memref<10240x128xf32, #tpu.memory_space<vmem_shared>> -> memref<400x128xf32, #tpu.memory_space<vmem_shared>>
        tpu.wait_dma2 semaphore(%run_scoped3A : memref<!tpu.dma_semaphore, #tpu.memory_space<semaphore_mem>>) src(%dma_wait3A_44 : memref<400x128xf32, #tpu.memory_space<vmem_shared>>) dst(%dma_wait3A_41 : memref<400x128xf32, #tpu.memory_space<hbm>>)
        tpu.yield
      }) : () -> ()
      "tpu.region"() ({
        %run_scoped3A = tpu.sem_alloc : memref<!tpu.dma_semaphore, #tpu.memory_space<semaphore_mem>>
        %dma_start3A = arith.constant 9600 : i32
        %dma_start3A_33 = arith.constant 0 : i32
        %dma_start3A_34 = tpu.memref_slice %arg9[%arg0, %dma_start3A, %dma_start3A_33] : memref<2x10000x8xf32, #tpu.memory_space<hbm>> -> memref<1x400x8xf32, #tpu.memory_space<hbm>>
        %dma_start3A_35 = tpu.memref_squeeze %dma_start3A_34 : memref<1x400x8xf32, #tpu.memory_space<hbm>> -> memref<400x8xf32, #tpu.memory_space<hbm>>
        %dma_start3A_36 = arith.constant 9600 : i32
        %dma_start3A_37 = arith.constant 0 : i32
        %dma_start3A_38 = tpu.memref_slice %arg17[%dma_start3A_36, %dma_start3A_37] : memref<10240x8xf32, #tpu.memory_space<vmem_shared>> -> memref<400x8xf32, #tpu.memory_space<vmem_shared>>
        tpu.enqueue_dma source(%dma_start3A_38 : memref<400x8xf32, #tpu.memory_space<vmem_shared>>) target(%dma_start3A_35 : memref<400x8xf32, #tpu.memory_space<hbm>>) target_semaphore(%run_scoped3A : memref<!tpu.dma_semaphore, #tpu.memory_space<semaphore_mem>>)
        %dma_wait3A = arith.constant 9600 : i32
        %dma_wait3A_39 = arith.constant 0 : i32
        %dma_wait3A_40 = tpu.memref_slice %arg9[%arg0, %dma_wait3A, %dma_wait3A_39] : memref<2x10000x8xf32, #tpu.memory_space<hbm>> -> memref<1x400x8xf32, #tpu.memory_space<hbm>>
        %dma_wait3A_41 = tpu.memref_squeeze %dma_wait3A_40 : memref<1x400x8xf32, #tpu.memory_space<hbm>> -> memref<400x8xf32, #tpu.memory_space<hbm>>
        %dma_wait3A_42 = arith.constant 9600 : i32
        %dma_wait3A_43 = arith.constant 0 : i32
        %dma_wait3A_44 = tpu.memref_slice %arg17[%dma_wait3A_42, %dma_wait3A_43] : memref<10240x8xf32, #tpu.memory_space<vmem_shared>> -> memref<400x8xf32, #tpu.memory_space<vmem_shared>>
        tpu.wait_dma2 semaphore(%run_scoped3A : memref<!tpu.dma_semaphore, #tpu.memory_space<semaphore_mem>>) src(%dma_wait3A_44 : memref<400x8xf32, #tpu.memory_space<vmem_shared>>) dst(%dma_wait3A_41 : memref<400x8xf32, #tpu.memory_space<hbm>>)
        tpu.yield
      }) : () -> ()
    } else {
    }
    return
  }
}

#map = affine_map<(d0, d1) -> (0, 0)>
#map1 = affine_map<(d0, d1) -> (0, 0, 0)>
module attributes {stable_mosaic.version = 14 : i64} {
  func.func @body(%arg0: i32, %arg1: i32, %arg2: memref<10000x48xf32, #tpu.memory_space<hbm>>, %arg3: memref<2560x128xi32, #tpu.memory_space<hbm>>, %arg4: memref<2560x128xi32, #tpu.memory_space<hbm>>, %arg5: memref<640x48xf32, #tpu.memory_space<hbm>>, %arg6: memref<640x8xf32, #tpu.memory_space<hbm>>, %arg7: memref<128x8xf32, #tpu.memory_space<hbm>>, %arg8: memref<2x10000x48xf32, #tpu.memory_space<hbm>>, %arg9: memref<10240x48xf32, #tpu.memory_space<vmem_shared>>, %arg10: memref<8x128xi32, #tpu.memory_space<vmem>>, %arg11: memref<8x128xi32, #tpu.memory_space<vmem>>, %arg12: memref<128x48xf32, #tpu.memory_space<vmem>>, %arg13: memref<128x48xf32, #tpu.memory_space<vmem>>, %arg14: memref<!tpu.dma_semaphore, #tpu.memory_space<semaphore_mem>>, %arg15: memref<!tpu.dma_semaphore, #tpu.memory_space<semaphore_mem>>) attributes {dimension_semantics = [#tpu.dimension_semantics<core_parallel>, #tpu.dimension_semantics<subcore_parallel>], iteration_bounds = array<i64: 2, 16>, scalar_prefetch = 0 : i64, scratch_operands = 7 : i64, tpu.core_type = #tpu.core_type<sc_vector_subcore>, window_params = [{transform_indices = #map}, {transform_indices = #map}, {transform_indices = #map}, {transform_indices = #map}, {transform_indices = #map}, {transform_indices = #map}, {transform_indices = #map1}]} {
    %eq3A = arith.constant 0 : i32
    %eq3A_0 = arith.cmpi eq, %arg0, %eq3A : i32
    %mul3A = arith.constant 144 : i32
    %mul3A_1 = arith.muli %arg1, %mul3A : i32
    %mul3A_2 = arith.constant 16 : i32
    %mul3A_3 = arith.muli %arg1, %mul3A_2 : i32
    %add3A = arith.constant 2304 : i32
    %add3A_4 = arith.addi %add3A, %mul3A_3 : i32
    %select_n3A = arith.select %eq3A_0, %mul3A_1, %add3A_4 : i32
    %eq3A_5 = arith.constant 0 : i32
    %eq3A_6 = arith.cmpi eq, %arg0, %eq3A_5 : i32
    %jit3A = arith.constant 18 : i32
    %jit3A_7 = arith.constant 2 : i32
    %select_n3A_8 = arith.select %eq3A_6, %jit3A, %jit3A_7 : i32
    %mul3A_9 = arith.constant 640 : i32
    %mul3A_10 = arith.muli %arg1, %mul3A_9 : i32
    "tpu.region"() ({
      %run_scoped3A = tpu.sem_alloc : memref<!tpu.dma_semaphore, #tpu.memory_space<semaphore_mem>>
      %dma_start3A = arith.constant 0 : i32
      %dma_start3A_31 = tpu.memref_slice %arg9[%mul3A_10, %dma_start3A] : memref<10240x48xf32, #tpu.memory_space<vmem_shared>> -> memref<640x48xf32, #tpu.memory_space<vmem_shared>>
      tpu.enqueue_dma source(%arg5 : memref<640x48xf32, #tpu.memory_space<hbm>>) target(%dma_start3A_31 : memref<640x48xf32, #tpu.memory_space<vmem_shared>>) target_semaphore(%run_scoped3A : memref<!tpu.dma_semaphore, #tpu.memory_space<semaphore_mem>>)
      %dma_wait3A = arith.constant 0 : i32
      %dma_wait3A_32 = tpu.memref_slice %arg9[%mul3A_10, %dma_wait3A] : memref<10240x48xf32, #tpu.memory_space<vmem_shared>> -> memref<640x48xf32, #tpu.memory_space<vmem_shared>>
      tpu.wait_dma2 semaphore(%run_scoped3A : memref<!tpu.dma_semaphore, #tpu.memory_space<semaphore_mem>>) src(%arg5 : memref<640x48xf32, #tpu.memory_space<hbm>>) dst(%dma_wait3A_32 : memref<640x48xf32, #tpu.memory_space<vmem_shared>>)
      tpu.yield
    }) : () -> ()
    %barrier3A = arith.constant 0 : index
    tpu.barrier barrier_id(%barrier3A)
    %while3A = arith.constant 0 : i32
    %while3A_11 = arith.constant 0 : i32
    %while3A_12 = arith.subi %select_n3A_8, %while3A_11 : i32
    %while3A_13 = arith.addi %while3A_11, %while3A_12 : i32
    %while3A_14 = arith.constant 1 : i32
    %while3A_15 = arith.divsi %while3A_12, %while3A_14 : i32
    %while3A_16 = arith.muli %while3A_15, %while3A_14 : i32
    %while3A_17 = arith.addi %while3A_11, %while3A_16 : i32
    %while3A_18 = arith.constant 1 : i32
    scf.for %while3A_31 = %while3A_11 to %while3A_17 step %while3A_18  : i32 {
      %mul3A_32 = arith.constant 8 : i32
      %mul3A_33 = arith.muli %while3A_31, %mul3A_32 : i32
      %add3A_34 = arith.addi %select_n3A, %mul3A_33 : i32
      "tpu.region"() ({
        %run_scoped3A_155 = tpu.sem_alloc : memref<!tpu.dma_semaphore, #tpu.memory_space<semaphore_mem>>
        %dma_start3A_156 = arith.constant 0 : i32
        %dma_start3A_157 = tpu.memref_slice %arg3[%add3A_34, %dma_start3A_156] : memref<2560x128xi32, #tpu.memory_space<hbm>> -> memref<8x128xi32, #tpu.memory_space<hbm>>
        %dma_start3A_158 = arith.constant 0 : i32
        %dma_start3A_159 = tpu.memref_slice %arg3[%add3A_34, %dma_start3A_158] : memref<2560x128xi32, #tpu.memory_space<hbm>> -> memref<8x128xi32, #tpu.memory_space<hbm>>
        tpu.enqueue_dma source(%dma_start3A_159 : memref<8x128xi32, #tpu.memory_space<hbm>>) target(%arg10 : memref<8x128xi32, #tpu.memory_space<vmem>>) target_semaphore(%run_scoped3A_155 : memref<!tpu.dma_semaphore, #tpu.memory_space<semaphore_mem>>)
        %dma_wait3A_160 = arith.constant 0 : i32
        %dma_wait3A_161 = tpu.memref_slice %arg3[%add3A_34, %dma_wait3A_160] : memref<2560x128xi32, #tpu.memory_space<hbm>> -> memref<8x128xi32, #tpu.memory_space<hbm>>
        %dma_wait3A_162 = arith.constant 0 : i32
        %dma_wait3A_163 = tpu.memref_slice %arg3[%add3A_34, %dma_wait3A_162] : memref<2560x128xi32, #tpu.memory_space<hbm>> -> memref<8x128xi32, #tpu.memory_space<hbm>>
        tpu.wait_dma2 semaphore(%run_scoped3A_155 : memref<!tpu.dma_semaphore, #tpu.memory_space<semaphore_mem>>) src(%dma_wait3A_163 : memref<8x128xi32, #tpu.memory_space<hbm>>) dst(%arg10 : memref<8x128xi32, #tpu.memory_space<vmem>>)
        tpu.yield
      }) : () -> ()
      %mul3A_35 = arith.constant 8 : i32
      %mul3A_36 = arith.muli %while3A_31, %mul3A_35 : i32
      %add3A_37 = arith.addi %select_n3A, %mul3A_36 : i32
      "tpu.region"() ({
        %run_scoped3A_155 = tpu.sem_alloc : memref<!tpu.dma_semaphore, #tpu.memory_space<semaphore_mem>>
        %dma_start3A_156 = arith.constant 0 : i32
        %dma_start3A_157 = tpu.memref_slice %arg4[%add3A_37, %dma_start3A_156] : memref<2560x128xi32, #tpu.memory_space<hbm>> -> memref<8x128xi32, #tpu.memory_space<hbm>>
        %dma_start3A_158 = arith.constant 0 : i32
        %dma_start3A_159 = tpu.memref_slice %arg4[%add3A_37, %dma_start3A_158] : memref<2560x128xi32, #tpu.memory_space<hbm>> -> memref<8x128xi32, #tpu.memory_space<hbm>>
        tpu.enqueue_dma source(%dma_start3A_159 : memref<8x128xi32, #tpu.memory_space<hbm>>) target(%arg11 : memref<8x128xi32, #tpu.memory_space<vmem>>) target_semaphore(%run_scoped3A_155 : memref<!tpu.dma_semaphore, #tpu.memory_space<semaphore_mem>>)
        %dma_wait3A_160 = arith.constant 0 : i32
        %dma_wait3A_161 = tpu.memref_slice %arg4[%add3A_37, %dma_wait3A_160] : memref<2560x128xi32, #tpu.memory_space<hbm>> -> memref<8x128xi32, #tpu.memory_space<hbm>>
        %dma_wait3A_162 = arith.constant 0 : i32
        %dma_wait3A_163 = tpu.memref_slice %arg4[%add3A_37, %dma_wait3A_162] : memref<2560x128xi32, #tpu.memory_space<hbm>> -> memref<8x128xi32, #tpu.memory_space<hbm>>
        tpu.wait_dma2 semaphore(%run_scoped3A_155 : memref<!tpu.dma_semaphore, #tpu.memory_space<semaphore_mem>>) src(%dma_wait3A_163 : memref<8x128xi32, #tpu.memory_space<hbm>>) dst(%arg11 : memref<8x128xi32, #tpu.memory_space<vmem>>)
        tpu.yield
      }) : () -> ()
      %dma_start3A = arith.constant 0 : i32
      %dma_start3A_38 = arith.constant 0 : i32
      %dma_start3A_39 = tpu.memref_slice %arg10[%dma_start3A, %dma_start3A_38] : memref<8x128xi32, #tpu.memory_space<vmem>> -> memref<1x128xi32, #tpu.memory_space<vmem>>
      %dma_start3A_40 = tpu.memref_squeeze %dma_start3A_39 : memref<1x128xi32, #tpu.memory_space<vmem>> -> memref<128xi32, #tpu.memory_space<vmem>>
      %dma_start3A_41 = arith.constant 0 : i32
      %dma_start3A_42 = arith.constant 0 : i32
      %dma_start3A_43 = tpu.memref_slice %arg2[%dma_start3A_41, %dma_start3A_42] : memref<10000x48xf32, #tpu.memory_space<hbm>> -> memref<10000x48xf32, #tpu.memory_space<hbm>>
      tpu.enqueue_indirect_dma source(%dma_start3A_43 : memref<10000x48xf32, #tpu.memory_space<hbm>>) target(%arg12 : memref<128x48xf32, #tpu.memory_space<vmem>>) offsets(%dma_start3A_40 : memref<128xi32, #tpu.memory_space<vmem>>) semaphore(%arg14 : memref<!tpu.dma_semaphore, #tpu.memory_space<semaphore_mem>>)
      %dma_start3A_44 = arith.constant 1 : i32
      %dma_start3A_45 = arith.constant 0 : i32
      %dma_start3A_46 = tpu.memref_slice %arg10[%dma_start3A_44, %dma_start3A_45] : memref<8x128xi32, #tpu.memory_space<vmem>> -> memref<1x128xi32, #tpu.memory_space<vmem>>
      %dma_start3A_47 = tpu.memref_squeeze %dma_start3A_46 : memref<1x128xi32, #tpu.memory_space<vmem>> -> memref<128xi32, #tpu.memory_space<vmem>>
      %dma_start3A_48 = arith.constant 0 : i32
      %dma_start3A_49 = arith.constant 0 : i32
      %dma_start3A_50 = tpu.memref_slice %arg2[%dma_start3A_48, %dma_start3A_49] : memref<10000x48xf32, #tpu.memory_space<hbm>> -> memref<10000x48xf32, #tpu.memory_space<hbm>>
      tpu.enqueue_indirect_dma source(%dma_start3A_50 : memref<10000x48xf32, #tpu.memory_space<hbm>>) target(%arg13 : memref<128x48xf32, #tpu.memory_space<vmem>>) offsets(%dma_start3A_47 : memref<128xi32, #tpu.memory_space<vmem>>) semaphore(%arg15 : memref<!tpu.dma_semaphore, #tpu.memory_space<semaphore_mem>>)
      %dma_wait3A = arith.constant 0 : i32
      %dma_wait3A_51 = arith.constant 0 : i32
      %dma_wait3A_52 = tpu.memref_slice %arg10[%dma_wait3A, %dma_wait3A_51] : memref<8x128xi32, #tpu.memory_space<vmem>> -> memref<1x128xi32, #tpu.memory_space<vmem>>
      %dma_wait3A_53 = tpu.memref_squeeze %dma_wait3A_52 : memref<1x128xi32, #tpu.memory_space<vmem>> -> memref<128xi32, #tpu.memory_space<vmem>>
      %dma_wait3A_54 = arith.constant 0 : i32
      %dma_wait3A_55 = arith.constant 0 : i32
      %dma_wait3A_56 = tpu.memref_slice %arg2[%dma_wait3A_54, %dma_wait3A_55] : memref<10000x48xf32, #tpu.memory_space<hbm>> -> memref<10000x48xf32, #tpu.memory_space<hbm>>
      tpu.wait_indirect_dma semaphore(%arg14 : memref<!tpu.dma_semaphore, #tpu.memory_space<semaphore_mem>>) src(%dma_wait3A_56 : memref<10000x48xf32, #tpu.memory_space<hbm>>) dst(%arg12 : memref<128x48xf32, #tpu.memory_space<vmem>>)
      %run_scoped3A = arith.constant 0 : i32
      "tpu.region"() ({
        %run_scoped3A_155 = tpu.sem_alloc : memref<!tpu.dma_semaphore, #tpu.memory_space<semaphore_mem>>
        %dma_start3A_156 = arith.constant 0 : i32
        %dma_start3A_157 = tpu.memref_slice %arg11[%run_scoped3A, %dma_start3A_156] : memref<8x128xi32, #tpu.memory_space<vmem>> -> memref<1x128xi32, #tpu.memory_space<vmem>>
        %dma_start3A_158 = tpu.memref_squeeze %dma_start3A_157 : memref<1x128xi32, #tpu.memory_space<vmem>> -> memref<128xi32, #tpu.memory_space<vmem>>
        %dma_start3A_159 = arith.constant 0 : i32
        %dma_start3A_160 = arith.constant 0 : i32
        %dma_start3A_161 = tpu.memref_slice %arg9[%dma_start3A_159, %dma_start3A_160] : memref<10240x48xf32, #tpu.memory_space<vmem_shared>> -> memref<10240x48xf32, #tpu.memory_space<vmem_shared>>
        tpu.enqueue_indirect_dma source(%arg12 : memref<128x48xf32, #tpu.memory_space<vmem>>) target(%dma_start3A_161 : memref<10240x48xf32, #tpu.memory_space<vmem_shared>>) offsets(%dma_start3A_158 : memref<128xi32, #tpu.memory_space<vmem>>) semaphore(%run_scoped3A_155 : memref<!tpu.dma_semaphore, #tpu.memory_space<semaphore_mem>>) {add = true}
        %dma_wait3A_162 = arith.constant 0 : i32
        %dma_wait3A_163 = tpu.memref_slice %arg11[%run_scoped3A, %dma_wait3A_162] : memref<8x128xi32, #tpu.memory_space<vmem>> -> memref<1x128xi32, #tpu.memory_space<vmem>>
        %dma_wait3A_164 = tpu.memref_squeeze %dma_wait3A_163 : memref<1x128xi32, #tpu.memory_space<vmem>> -> memref<128xi32, #tpu.memory_space<vmem>>
        %dma_wait3A_165 = arith.constant 0 : i32
        %dma_wait3A_166 = arith.constant 0 : i32
        %dma_wait3A_167 = tpu.memref_slice %arg9[%dma_wait3A_165, %dma_wait3A_166] : memref<10240x48xf32, #tpu.memory_space<vmem_shared>> -> memref<10240x48xf32, #tpu.memory_space<vmem_shared>>
        tpu.wait_indirect_dma semaphore(%run_scoped3A_155 : memref<!tpu.dma_semaphore, #tpu.memory_space<semaphore_mem>>) src(%arg12 : memref<128x48xf32, #tpu.memory_space<vmem>>) dst(%dma_wait3A_167 : memref<10240x48xf32, #tpu.memory_space<vmem_shared>>)
        tpu.yield
      }) : () -> ()
      %dma_start3A_57 = arith.constant 2 : i32
      %dma_start3A_58 = arith.constant 0 : i32
      %dma_start3A_59 = tpu.memref_slice %arg10[%dma_start3A_57, %dma_start3A_58] : memref<8x128xi32, #tpu.memory_space<vmem>> -> memref<1x128xi32, #tpu.memory_space<vmem>>
      %dma_start3A_60 = tpu.memref_squeeze %dma_start3A_59 : memref<1x128xi32, #tpu.memory_space<vmem>> -> memref<128xi32, #tpu.memory_space<vmem>>
      %dma_start3A_61 = arith.constant 0 : i32
      %dma_start3A_62 = arith.constant 0 : i32
      %dma_start3A_63 = tpu.memref_slice %arg2[%dma_start3A_61, %dma_start3A_62] : memref<10000x48xf32, #tpu.memory_space<hbm>> -> memref<10000x48xf32, #tpu.memory_space<hbm>>
      tpu.enqueue_indirect_dma source(%dma_start3A_63 : memref<10000x48xf32, #tpu.memory_space<hbm>>) target(%arg12 : memref<128x48xf32, #tpu.memory_space<vmem>>) offsets(%dma_start3A_60 : memref<128xi32, #tpu.memory_space<vmem>>) semaphore(%arg14 : memref<!tpu.dma_semaphore, #tpu.memory_space<semaphore_mem>>)
      %dma_wait3A_64 = arith.constant 1 : i32
      %dma_wait3A_65 = arith.constant 0 : i32
      %dma_wait3A_66 = tpu.memref_slice %arg10[%dma_wait3A_64, %dma_wait3A_65] : memref<8x128xi32, #tpu.memory_space<vmem>> -> memref<1x128xi32, #tpu.memory_space<vmem>>
      %dma_wait3A_67 = tpu.memref_squeeze %dma_wait3A_66 : memref<1x128xi32, #tpu.memory_space<vmem>> -> memref<128xi32, #tpu.memory_space<vmem>>
      %dma_wait3A_68 = arith.constant 0 : i32
      %dma_wait3A_69 = arith.constant 0 : i32
      %dma_wait3A_70 = tpu.memref_slice %arg2[%dma_wait3A_68, %dma_wait3A_69] : memref<10000x48xf32, #tpu.memory_space<hbm>> -> memref<10000x48xf32, #tpu.memory_space<hbm>>
      tpu.wait_indirect_dma semaphore(%arg15 : memref<!tpu.dma_semaphore, #tpu.memory_space<semaphore_mem>>) src(%dma_wait3A_70 : memref<10000x48xf32, #tpu.memory_space<hbm>>) dst(%arg13 : memref<128x48xf32, #tpu.memory_space<vmem>>)
      %run_scoped3A_71 = arith.constant 1 : i32
      "tpu.region"() ({
        %run_scoped3A_155 = tpu.sem_alloc : memref<!tpu.dma_semaphore, #tpu.memory_space<semaphore_mem>>
        %dma_start3A_156 = arith.constant 0 : i32
        %dma_start3A_157 = tpu.memref_slice %arg11[%run_scoped3A_71, %dma_start3A_156] : memref<8x128xi32, #tpu.memory_space<vmem>> -> memref<1x128xi32, #tpu.memory_space<vmem>>
        %dma_start3A_158 = tpu.memref_squeeze %dma_start3A_157 : memref<1x128xi32, #tpu.memory_space<vmem>> -> memref<128xi32, #tpu.memory_space<vmem>>
        %dma_start3A_159 = arith.constant 0 : i32
        %dma_start3A_160 = arith.constant 0 : i32
        %dma_start3A_161 = tpu.memref_slice %arg9[%dma_start3A_159, %dma_start3A_160] : memref<10240x48xf32, #tpu.memory_space<vmem_shared>> -> memref<10240x48xf32, #tpu.memory_space<vmem_shared>>
        tpu.enqueue_indirect_dma source(%arg13 : memref<128x48xf32, #tpu.memory_space<vmem>>) target(%dma_start3A_161 : memref<10240x48xf32, #tpu.memory_space<vmem_shared>>) offsets(%dma_start3A_158 : memref<128xi32, #tpu.memory_space<vmem>>) semaphore(%run_scoped3A_155 : memref<!tpu.dma_semaphore, #tpu.memory_space<semaphore_mem>>) {add = true}
        %dma_wait3A_162 = arith.constant 0 : i32
        %dma_wait3A_163 = tpu.memref_slice %arg11[%run_scoped3A_71, %dma_wait3A_162] : memref<8x128xi32, #tpu.memory_space<vmem>> -> memref<1x128xi32, #tpu.memory_space<vmem>>
        %dma_wait3A_164 = tpu.memref_squeeze %dma_wait3A_163 : memref<1x128xi32, #tpu.memory_space<vmem>> -> memref<128xi32, #tpu.memory_space<vmem>>
        %dma_wait3A_165 = arith.constant 0 : i32
        %dma_wait3A_166 = arith.constant 0 : i32
        %dma_wait3A_167 = tpu.memref_slice %arg9[%dma_wait3A_165, %dma_wait3A_166] : memref<10240x48xf32, #tpu.memory_space<vmem_shared>> -> memref<10240x48xf32, #tpu.memory_space<vmem_shared>>
        tpu.wait_indirect_dma semaphore(%run_scoped3A_155 : memref<!tpu.dma_semaphore, #tpu.memory_space<semaphore_mem>>) src(%arg13 : memref<128x48xf32, #tpu.memory_space<vmem>>) dst(%dma_wait3A_167 : memref<10240x48xf32, #tpu.memory_space<vmem_shared>>)
        tpu.yield
      }) : () -> ()
      %dma_start3A_72 = arith.constant 3 : i32
      %dma_start3A_73 = arith.constant 0 : i32
      %dma_start3A_74 = tpu.memref_slice %arg10[%dma_start3A_72, %dma_start3A_73] : memref<8x128xi32, #tpu.memory_space<vmem>> -> memref<1x128xi32, #tpu.memory_space<vmem>>
      %dma_start3A_75 = tpu.memref_squeeze %dma_start3A_74 : memref<1x128xi32, #tpu.memory_space<vmem>> -> memref<128xi32, #tpu.memory_space<vmem>>
      %dma_start3A_76 = arith.constant 0 : i32
      %dma_start3A_77 = arith.constant 0 : i32
      %dma_start3A_78 = tpu.memref_slice %arg2[%dma_start3A_76, %dma_start3A_77] : memref<10000x48xf32, #tpu.memory_space<hbm>> -> memref<10000x48xf32, #tpu.memory_space<hbm>>
      tpu.enqueue_indirect_dma source(%dma_start3A_78 : memref<10000x48xf32, #tpu.memory_space<hbm>>) target(%arg13 : memref<128x48xf32, #tpu.memory_space<vmem>>) offsets(%dma_start3A_75 : memref<128xi32, #tpu.memory_space<vmem>>) semaphore(%arg15 : memref<!tpu.dma_semaphore, #tpu.memory_space<semaphore_mem>>)
      %dma_wait3A_79 = arith.constant 2 : i32
      %dma_wait3A_80 = arith.constant 0 : i32
      %dma_wait3A_81 = tpu.memref_slice %arg10[%dma_wait3A_79, %dma_wait3A_80] : memref<8x128xi32, #tpu.memory_space<vmem>> -> memref<1x128xi32, #tpu.memory_space<vmem>>
      %dma_wait3A_82 = tpu.memref_squeeze %dma_wait3A_81 : memref<1x128xi32, #tpu.memory_space<vmem>> -> memref<128xi32, #tpu.memory_space<vmem>>
      %dma_wait3A_83 = arith.constant 0 : i32
      %dma_wait3A_84 = arith.constant 0 : i32
      %dma_wait3A_85 = tpu.memref_slice %arg2[%dma_wait3A_83, %dma_wait3A_84] : memref<10000x48xf32, #tpu.memory_space<hbm>> -> memref<10000x48xf32, #tpu.memory_space<hbm>>
      tpu.wait_indirect_dma semaphore(%arg14 : memref<!tpu.dma_semaphore, #tpu.memory_space<semaphore_mem>>) src(%dma_wait3A_85 : memref<10000x48xf32, #tpu.memory_space<hbm>>) dst(%arg12 : memref<128x48xf32, #tpu.memory_space<vmem>>)
      %run_scoped3A_86 = arith.constant 2 : i32
      "tpu.region"() ({
        %run_scoped3A_155 = tpu.sem_alloc : memref<!tpu.dma_semaphore, #tpu.memory_space<semaphore_mem>>
        %dma_start3A_156 = arith.constant 0 : i32
        %dma_start3A_157 = tpu.memref_slice %arg11[%run_scoped3A_86, %dma_start3A_156] : memref<8x128xi32, #tpu.memory_space<vmem>> -> memref<1x128xi32, #tpu.memory_space<vmem>>
        %dma_start3A_158 = tpu.memref_squeeze %dma_start3A_157 : memref<1x128xi32, #tpu.memory_space<vmem>> -> memref<128xi32, #tpu.memory_space<vmem>>
        %dma_start3A_159 = arith.constant 0 : i32
        %dma_start3A_160 = arith.constant 0 : i32
        %dma_start3A_161 = tpu.memref_slice %arg9[%dma_start3A_159, %dma_start3A_160] : memref<10240x48xf32, #tpu.memory_space<vmem_shared>> -> memref<10240x48xf32, #tpu.memory_space<vmem_shared>>
        tpu.enqueue_indirect_dma source(%arg12 : memref<128x48xf32, #tpu.memory_space<vmem>>) target(%dma_start3A_161 : memref<10240x48xf32, #tpu.memory_space<vmem_shared>>) offsets(%dma_start3A_158 : memref<128xi32, #tpu.memory_space<vmem>>) semaphore(%run_scoped3A_155 : memref<!tpu.dma_semaphore, #tpu.memory_space<semaphore_mem>>) {add = true}
        %dma_wait3A_162 = arith.constant 0 : i32
        %dma_wait3A_163 = tpu.memref_slice %arg11[%run_scoped3A_86, %dma_wait3A_162] : memref<8x128xi32, #tpu.memory_space<vmem>> -> memref<1x128xi32, #tpu.memory_space<vmem>>
        %dma_wait3A_164 = tpu.memref_squeeze %dma_wait3A_163 : memref<1x128xi32, #tpu.memory_space<vmem>> -> memref<128xi32, #tpu.memory_space<vmem>>
        %dma_wait3A_165 = arith.constant 0 : i32
        %dma_wait3A_166 = arith.constant 0 : i32
        %dma_wait3A_167 = tpu.memref_slice %arg9[%dma_wait3A_165, %dma_wait3A_166] : memref<10240x48xf32, #tpu.memory_space<vmem_shared>> -> memref<10240x48xf32, #tpu.memory_space<vmem_shared>>
        tpu.wait_indirect_dma semaphore(%run_scoped3A_155 : memref<!tpu.dma_semaphore, #tpu.memory_space<semaphore_mem>>) src(%arg12 : memref<128x48xf32, #tpu.memory_space<vmem>>) dst(%dma_wait3A_167 : memref<10240x48xf32, #tpu.memory_space<vmem_shared>>)
        tpu.yield
      }) : () -> ()
      %dma_start3A_87 = arith.constant 4 : i32
      %dma_start3A_88 = arith.constant 0 : i32
      %dma_start3A_89 = tpu.memref_slice %arg10[%dma_start3A_87, %dma_start3A_88] : memref<8x128xi32, #tpu.memory_space<vmem>> -> memref<1x128xi32, #tpu.memory_space<vmem>>
      %dma_start3A_90 = tpu.memref_squeeze %dma_start3A_89 : memref<1x128xi32, #tpu.memory_space<vmem>> -> memref<128xi32, #tpu.memory_space<vmem>>
      %dma_start3A_91 = arith.constant 0 : i32
      %dma_start3A_92 = arith.constant 0 : i32
      %dma_start3A_93 = tpu.memref_slice %arg2[%dma_start3A_91, %dma_start3A_92] : memref<10000x48xf32, #tpu.memory_space<hbm>> -> memref<10000x48xf32, #tpu.memory_space<hbm>>
      tpu.enqueue_indirect_dma source(%dma_start3A_93 : memref<10000x48xf32, #tpu.memory_space<hbm>>) target(%arg12 : memref<128x48xf32, #tpu.memory_space<vmem>>) offsets(%dma_start3A_90 : memref<128xi32, #tpu.memory_space<vmem>>) semaphore(%arg14 : memref<!tpu.dma_semaphore, #tpu.memory_space<semaphore_mem>>)
      %dma_wait3A_94 = arith.constant 3 : i32
      %dma_wait3A_95 = arith.constant 0 : i32
      %dma_wait3A_96 = tpu.memref_slice %arg10[%dma_wait3A_94, %dma_wait3A_95] : memref<8x128xi32, #tpu.memory_space<vmem>> -> memref<1x128xi32, #tpu.memory_space<vmem>>
      %dma_wait3A_97 = tpu.memref_squeeze %dma_wait3A_96 : memref<1x128xi32, #tpu.memory_space<vmem>> -> memref<128xi32, #tpu.memory_space<vmem>>
      %dma_wait3A_98 = arith.constant 0 : i32
      %dma_wait3A_99 = arith.constant 0 : i32
      %dma_wait3A_100 = tpu.memref_slice %arg2[%dma_wait3A_98, %dma_wait3A_99] : memref<10000x48xf32, #tpu.memory_space<hbm>> -> memref<10000x48xf32, #tpu.memory_space<hbm>>
      tpu.wait_indirect_dma semaphore(%arg15 : memref<!tpu.dma_semaphore, #tpu.memory_space<semaphore_mem>>) src(%dma_wait3A_100 : memref<10000x48xf32, #tpu.memory_space<hbm>>) dst(%arg13 : memref<128x48xf32, #tpu.memory_space<vmem>>)
      %run_scoped3A_101 = arith.constant 3 : i32
      "tpu.region"() ({
        %run_scoped3A_155 = tpu.sem_alloc : memref<!tpu.dma_semaphore, #tpu.memory_space<semaphore_mem>>
        %dma_start3A_156 = arith.constant 0 : i32
        %dma_start3A_157 = tpu.memref_slice %arg11[%run_scoped3A_101, %dma_start3A_156] : memref<8x128xi32, #tpu.memory_space<vmem>> -> memref<1x128xi32, #tpu.memory_space<vmem>>
        %dma_start3A_158 = tpu.memref_squeeze %dma_start3A_157 : memref<1x128xi32, #tpu.memory_space<vmem>> -> memref<128xi32, #tpu.memory_space<vmem>>
        %dma_start3A_159 = arith.constant 0 : i32
        %dma_start3A_160 = arith.constant 0 : i32
        %dma_start3A_161 = tpu.memref_slice %arg9[%dma_start3A_159, %dma_start3A_160] : memref<10240x48xf32, #tpu.memory_space<vmem_shared>> -> memref<10240x48xf32, #tpu.memory_space<vmem_shared>>
        tpu.enqueue_indirect_dma source(%arg13 : memref<128x48xf32, #tpu.memory_space<vmem>>) target(%dma_start3A_161 : memref<10240x48xf32, #tpu.memory_space<vmem_shared>>) offsets(%dma_start3A_158 : memref<128xi32, #tpu.memory_space<vmem>>) semaphore(%run_scoped3A_155 : memref<!tpu.dma_semaphore, #tpu.memory_space<semaphore_mem>>) {add = true}
        %dma_wait3A_162 = arith.constant 0 : i32
        %dma_wait3A_163 = tpu.memref_slice %arg11[%run_scoped3A_101, %dma_wait3A_162] : memref<8x128xi32, #tpu.memory_space<vmem>> -> memref<1x128xi32, #tpu.memory_space<vmem>>
        %dma_wait3A_164 = tpu.memref_squeeze %dma_wait3A_163 : memref<1x128xi32, #tpu.memory_space<vmem>> -> memref<128xi32, #tpu.memory_space<vmem>>
        %dma_wait3A_165 = arith.constant 0 : i32
        %dma_wait3A_166 = arith.constant 0 : i32
        %dma_wait3A_167 = tpu.memref_slice %arg9[%dma_wait3A_165, %dma_wait3A_166] : memref<10240x48xf32, #tpu.memory_space<vmem_shared>> -> memref<10240x48xf32, #tpu.memory_space<vmem_shared>>
        tpu.wait_indirect_dma semaphore(%run_scoped3A_155 : memref<!tpu.dma_semaphore, #tpu.memory_space<semaphore_mem>>) src(%arg13 : memref<128x48xf32, #tpu.memory_space<vmem>>) dst(%dma_wait3A_167 : memref<10240x48xf32, #tpu.memory_space<vmem_shared>>)
        tpu.yield
      }) : () -> ()
      %dma_start3A_102 = arith.constant 5 : i32
      %dma_start3A_103 = arith.constant 0 : i32
      %dma_start3A_104 = tpu.memref_slice %arg10[%dma_start3A_102, %dma_start3A_103] : memref<8x128xi32, #tpu.memory_space<vmem>> -> memref<1x128xi32, #tpu.memory_space<vmem>>
      %dma_start3A_105 = tpu.memref_squeeze %dma_start3A_104 : memref<1x128xi32, #tpu.memory_space<vmem>> -> memref<128xi32, #tpu.memory_space<vmem>>
      %dma_start3A_106 = arith.constant 0 : i32
      %dma_start3A_107 = arith.constant 0 : i32
      %dma_start3A_108 = tpu.memref_slice %arg2[%dma_start3A_106, %dma_start3A_107] : memref<10000x48xf32, #tpu.memory_space<hbm>> -> memref<10000x48xf32, #tpu.memory_space<hbm>>
      tpu.enqueue_indirect_dma source(%dma_start3A_108 : memref<10000x48xf32, #tpu.memory_space<hbm>>) target(%arg13 : memref<128x48xf32, #tpu.memory_space<vmem>>) offsets(%dma_start3A_105 : memref<128xi32, #tpu.memory_space<vmem>>) semaphore(%arg15 : memref<!tpu.dma_semaphore, #tpu.memory_space<semaphore_mem>>)
      %dma_wait3A_109 = arith.constant 4 : i32
      %dma_wait3A_110 = arith.constant 0 : i32
      %dma_wait3A_111 = tpu.memref_slice %arg10[%dma_wait3A_109, %dma_wait3A_110] : memref<8x128xi32, #tpu.memory_space<vmem>> -> memref<1x128xi32, #tpu.memory_space<vmem>>
      %dma_wait3A_112 = tpu.memref_squeeze %dma_wait3A_111 : memref<1x128xi32, #tpu.memory_space<vmem>> -> memref<128xi32, #tpu.memory_space<vmem>>
      %dma_wait3A_113 = arith.constant 0 : i32
      %dma_wait3A_114 = arith.constant 0 : i32
      %dma_wait3A_115 = tpu.memref_slice %arg2[%dma_wait3A_113, %dma_wait3A_114] : memref<10000x48xf32, #tpu.memory_space<hbm>> -> memref<10000x48xf32, #tpu.memory_space<hbm>>
      tpu.wait_indirect_dma semaphore(%arg14 : memref<!tpu.dma_semaphore, #tpu.memory_space<semaphore_mem>>) src(%dma_wait3A_115 : memref<10000x48xf32, #tpu.memory_space<hbm>>) dst(%arg12 : memref<128x48xf32, #tpu.memory_space<vmem>>)
      %run_scoped3A_116 = arith.constant 4 : i32
      "tpu.region"() ({
        %run_scoped3A_155 = tpu.sem_alloc : memref<!tpu.dma_semaphore, #tpu.memory_space<semaphore_mem>>
        %dma_start3A_156 = arith.constant 0 : i32
        %dma_start3A_157 = tpu.memref_slice %arg11[%run_scoped3A_116, %dma_start3A_156] : memref<8x128xi32, #tpu.memory_space<vmem>> -> memref<1x128xi32, #tpu.memory_space<vmem>>
        %dma_start3A_158 = tpu.memref_squeeze %dma_start3A_157 : memref<1x128xi32, #tpu.memory_space<vmem>> -> memref<128xi32, #tpu.memory_space<vmem>>
        %dma_start3A_159 = arith.constant 0 : i32
        %dma_start3A_160 = arith.constant 0 : i32
        %dma_start3A_161 = tpu.memref_slice %arg9[%dma_start3A_159, %dma_start3A_160] : memref<10240x48xf32, #tpu.memory_space<vmem_shared>> -> memref<10240x48xf32, #tpu.memory_space<vmem_shared>>
        tpu.enqueue_indirect_dma source(%arg12 : memref<128x48xf32, #tpu.memory_space<vmem>>) target(%dma_start3A_161 : memref<10240x48xf32, #tpu.memory_space<vmem_shared>>) offsets(%dma_start3A_158 : memref<128xi32, #tpu.memory_space<vmem>>) semaphore(%run_scoped3A_155 : memref<!tpu.dma_semaphore, #tpu.memory_space<semaphore_mem>>) {add = true}
        %dma_wait3A_162 = arith.constant 0 : i32
        %dma_wait3A_163 = tpu.memref_slice %arg11[%run_scoped3A_116, %dma_wait3A_162] : memref<8x128xi32, #tpu.memory_space<vmem>> -> memref<1x128xi32, #tpu.memory_space<vmem>>
        %dma_wait3A_164 = tpu.memref_squeeze %dma_wait3A_163 : memref<1x128xi32, #tpu.memory_space<vmem>> -> memref<128xi32, #tpu.memory_space<vmem>>
        %dma_wait3A_165 = arith.constant 0 : i32
        %dma_wait3A_166 = arith.constant 0 : i32
        %dma_wait3A_167 = tpu.memref_slice %arg9[%dma_wait3A_165, %dma_wait3A_166] : memref<10240x48xf32, #tpu.memory_space<vmem_shared>> -> memref<10240x48xf32, #tpu.memory_space<vmem_shared>>
        tpu.wait_indirect_dma semaphore(%run_scoped3A_155 : memref<!tpu.dma_semaphore, #tpu.memory_space<semaphore_mem>>) src(%arg12 : memref<128x48xf32, #tpu.memory_space<vmem>>) dst(%dma_wait3A_167 : memref<10240x48xf32, #tpu.memory_space<vmem_shared>>)
        tpu.yield
      }) : () -> ()
      %dma_start3A_117 = arith.constant 6 : i32
      %dma_start3A_118 = arith.constant 0 : i32
      %dma_start3A_119 = tpu.memref_slice %arg10[%dma_start3A_117, %dma_start3A_118] : memref<8x128xi32, #tpu.memory_space<vmem>> -> memref<1x128xi32, #tpu.memory_space<vmem>>
      %dma_start3A_120 = tpu.memref_squeeze %dma_start3A_119 : memref<1x128xi32, #tpu.memory_space<vmem>> -> memref<128xi32, #tpu.memory_space<vmem>>
      %dma_start3A_121 = arith.constant 0 : i32
      %dma_start3A_122 = arith.constant 0 : i32
      %dma_start3A_123 = tpu.memref_slice %arg2[%dma_start3A_121, %dma_start3A_122] : memref<10000x48xf32, #tpu.memory_space<hbm>> -> memref<10000x48xf32, #tpu.memory_space<hbm>>
      tpu.enqueue_indirect_dma source(%dma_start3A_123 : memref<10000x48xf32, #tpu.memory_space<hbm>>) target(%arg12 : memref<128x48xf32, #tpu.memory_space<vmem>>) offsets(%dma_start3A_120 : memref<128xi32, #tpu.memory_space<vmem>>) semaphore(%arg14 : memref<!tpu.dma_semaphore, #tpu.memory_space<semaphore_mem>>)
      %dma_wait3A_124 = arith.constant 5 : i32
      %dma_wait3A_125 = arith.constant 0 : i32
      %dma_wait3A_126 = tpu.memref_slice %arg10[%dma_wait3A_124, %dma_wait3A_125] : memref<8x128xi32, #tpu.memory_space<vmem>> -> memref<1x128xi32, #tpu.memory_space<vmem>>
      %dma_wait3A_127 = tpu.memref_squeeze %dma_wait3A_126 : memref<1x128xi32, #tpu.memory_space<vmem>> -> memref<128xi32, #tpu.memory_space<vmem>>
      %dma_wait3A_128 = arith.constant 0 : i32
      %dma_wait3A_129 = arith.constant 0 : i32
      %dma_wait3A_130 = tpu.memref_slice %arg2[%dma_wait3A_128, %dma_wait3A_129] : memref<10000x48xf32, #tpu.memory_space<hbm>> -> memref<10000x48xf32, #tpu.memory_space<hbm>>
      tpu.wait_indirect_dma semaphore(%arg15 : memref<!tpu.dma_semaphore, #tpu.memory_space<semaphore_mem>>) src(%dma_wait3A_130 : memref<10000x48xf32, #tpu.memory_space<hbm>>) dst(%arg13 : memref<128x48xf32, #tpu.memory_space<vmem>>)
      %run_scoped3A_131 = arith.constant 5 : i32
      "tpu.region"() ({
        %run_scoped3A_155 = tpu.sem_alloc : memref<!tpu.dma_semaphore, #tpu.memory_space<semaphore_mem>>
        %dma_start3A_156 = arith.constant 0 : i32
        %dma_start3A_157 = tpu.memref_slice %arg11[%run_scoped3A_131, %dma_start3A_156] : memref<8x128xi32, #tpu.memory_space<vmem>> -> memref<1x128xi32, #tpu.memory_space<vmem>>
        %dma_start3A_158 = tpu.memref_squeeze %dma_start3A_157 : memref<1x128xi32, #tpu.memory_space<vmem>> -> memref<128xi32, #tpu.memory_space<vmem>>
        %dma_start3A_159 = arith.constant 0 : i32
        %dma_start3A_160 = arith.constant 0 : i32
        %dma_start3A_161 = tpu.memref_slice %arg9[%dma_start3A_159, %dma_start3A_160] : memref<10240x48xf32, #tpu.memory_space<vmem_shared>> -> memref<10240x48xf32, #tpu.memory_space<vmem_shared>>
        tpu.enqueue_indirect_dma source(%arg13 : memref<128x48xf32, #tpu.memory_space<vmem>>) target(%dma_start3A_161 : memref<10240x48xf32, #tpu.memory_space<vmem_shared>>) offsets(%dma_start3A_158 : memref<128xi32, #tpu.memory_space<vmem>>) semaphore(%run_scoped3A_155 : memref<!tpu.dma_semaphore, #tpu.memory_space<semaphore_mem>>) {add = true}
        %dma_wait3A_162 = arith.constant 0 : i32
        %dma_wait3A_163 = tpu.memref_slice %arg11[%run_scoped3A_131, %dma_wait3A_162] : memref<8x128xi32, #tpu.memory_space<vmem>> -> memref<1x128xi32, #tpu.memory_space<vmem>>
        %dma_wait3A_164 = tpu.memref_squeeze %dma_wait3A_163 : memref<1x128xi32, #tpu.memory_space<vmem>> -> memref<128xi32, #tpu.memory_space<vmem>>
        %dma_wait3A_165 = arith.constant 0 : i32
        %dma_wait3A_166 = arith.constant 0 : i32
        %dma_wait3A_167 = tpu.memref_slice %arg9[%dma_wait3A_165, %dma_wait3A_166] : memref<10240x48xf32, #tpu.memory_space<vmem_shared>> -> memref<10240x48xf32, #tpu.memory_space<vmem_shared>>
        tpu.wait_indirect_dma semaphore(%run_scoped3A_155 : memref<!tpu.dma_semaphore, #tpu.memory_space<semaphore_mem>>) src(%arg13 : memref<128x48xf32, #tpu.memory_space<vmem>>) dst(%dma_wait3A_167 : memref<10240x48xf32, #tpu.memory_space<vmem_shared>>)
        tpu.yield
      }) : () -> ()
      %dma_start3A_132 = arith.constant 7 : i32
      %dma_start3A_133 = arith.constant 0 : i32
      %dma_start3A_134 = tpu.memref_slice %arg10[%dma_start3A_132, %dma_start3A_133] : memref<8x128xi32, #tpu.memory_space<vmem>> -> memref<1x128xi32, #tpu.memory_space<vmem>>
      %dma_start3A_135 = tpu.memref_squeeze %dma_start3A_134 : memref<1x128xi32, #tpu.memory_space<vmem>> -> memref<128xi32, #tpu.memory_space<vmem>>
      %dma_start3A_136 = arith.constant 0 : i32
      %dma_start3A_137 = arith.constant 0 : i32
      %dma_start3A_138 = tpu.memref_slice %arg2[%dma_start3A_136, %dma_start3A_137] : memref<10000x48xf32, #tpu.memory_space<hbm>> -> memref<10000x48xf32, #tpu.memory_space<hbm>>
      tpu.enqueue_indirect_dma source(%dma_start3A_138 : memref<10000x48xf32, #tpu.memory_space<hbm>>) target(%arg13 : memref<128x48xf32, #tpu.memory_space<vmem>>) offsets(%dma_start3A_135 : memref<128xi32, #tpu.memory_space<vmem>>) semaphore(%arg15 : memref<!tpu.dma_semaphore, #tpu.memory_space<semaphore_mem>>)
      %dma_wait3A_139 = arith.constant 6 : i32
      %dma_wait3A_140 = arith.constant 0 : i32
      %dma_wait3A_141 = tpu.memref_slice %arg10[%dma_wait3A_139, %dma_wait3A_140] : memref<8x128xi32, #tpu.memory_space<vmem>> -> memref<1x128xi32, #tpu.memory_space<vmem>>
      %dma_wait3A_142 = tpu.memref_squeeze %dma_wait3A_141 : memref<1x128xi32, #tpu.memory_space<vmem>> -> memref<128xi32, #tpu.memory_space<vmem>>
      %dma_wait3A_143 = arith.constant 0 : i32
      %dma_wait3A_144 = arith.constant 0 : i32
      %dma_wait3A_145 = tpu.memref_slice %arg2[%dma_wait3A_143, %dma_wait3A_144] : memref<10000x48xf32, #tpu.memory_space<hbm>> -> memref<10000x48xf32, #tpu.memory_space<hbm>>
      tpu.wait_indirect_dma semaphore(%arg14 : memref<!tpu.dma_semaphore, #tpu.memory_space<semaphore_mem>>) src(%dma_wait3A_145 : memref<10000x48xf32, #tpu.memory_space<hbm>>) dst(%arg12 : memref<128x48xf32, #tpu.memory_space<vmem>>)
      %run_scoped3A_146 = arith.constant 6 : i32
      "tpu.region"() ({
        %run_scoped3A_155 = tpu.sem_alloc : memref<!tpu.dma_semaphore, #tpu.memory_space<semaphore_mem>>
        %dma_start3A_156 = arith.constant 0 : i32
        %dma_start3A_157 = tpu.memref_slice %arg11[%run_scoped3A_146, %dma_start3A_156] : memref<8x128xi32, #tpu.memory_space<vmem>> -> memref<1x128xi32, #tpu.memory_space<vmem>>
        %dma_start3A_158 = tpu.memref_squeeze %dma_start3A_157 : memref<1x128xi32, #tpu.memory_space<vmem>> -> memref<128xi32, #tpu.memory_space<vmem>>
        %dma_start3A_159 = arith.constant 0 : i32
        %dma_start3A_160 = arith.constant 0 : i32
        %dma_start3A_161 = tpu.memref_slice %arg9[%dma_start3A_159, %dma_start3A_160] : memref<10240x48xf32, #tpu.memory_space<vmem_shared>> -> memref<10240x48xf32, #tpu.memory_space<vmem_shared>>
        tpu.enqueue_indirect_dma source(%arg12 : memref<128x48xf32, #tpu.memory_space<vmem>>) target(%dma_start3A_161 : memref<10240x48xf32, #tpu.memory_space<vmem_shared>>) offsets(%dma_start3A_158 : memref<128xi32, #tpu.memory_space<vmem>>) semaphore(%run_scoped3A_155 : memref<!tpu.dma_semaphore, #tpu.memory_space<semaphore_mem>>) {add = true}
        %dma_wait3A_162 = arith.constant 0 : i32
        %dma_wait3A_163 = tpu.memref_slice %arg11[%run_scoped3A_146, %dma_wait3A_162] : memref<8x128xi32, #tpu.memory_space<vmem>> -> memref<1x128xi32, #tpu.memory_space<vmem>>
        %dma_wait3A_164 = tpu.memref_squeeze %dma_wait3A_163 : memref<1x128xi32, #tpu.memory_space<vmem>> -> memref<128xi32, #tpu.memory_space<vmem>>
        %dma_wait3A_165 = arith.constant 0 : i32
        %dma_wait3A_166 = arith.constant 0 : i32
        %dma_wait3A_167 = tpu.memref_slice %arg9[%dma_wait3A_165, %dma_wait3A_166] : memref<10240x48xf32, #tpu.memory_space<vmem_shared>> -> memref<10240x48xf32, #tpu.memory_space<vmem_shared>>
        tpu.wait_indirect_dma semaphore(%run_scoped3A_155 : memref<!tpu.dma_semaphore, #tpu.memory_space<semaphore_mem>>) src(%arg12 : memref<128x48xf32, #tpu.memory_space<vmem>>) dst(%dma_wait3A_167 : memref<10240x48xf32, #tpu.memory_space<vmem_shared>>)
        tpu.yield
      }) : () -> ()
      %dma_wait3A_147 = arith.constant 7 : i32
      %dma_wait3A_148 = arith.constant 0 : i32
      %dma_wait3A_149 = tpu.memref_slice %arg10[%dma_wait3A_147, %dma_wait3A_148] : memref<8x128xi32, #tpu.memory_space<vmem>> -> memref<1x128xi32, #tpu.memory_space<vmem>>
      %dma_wait3A_150 = tpu.memref_squeeze %dma_wait3A_149 : memref<1x128xi32, #tpu.memory_space<vmem>> -> memref<128xi32, #tpu.memory_space<vmem>>
      %dma_wait3A_151 = arith.constant 0 : i32
      %dma_wait3A_152 = arith.constant 0 : i32
      %dma_wait3A_153 = tpu.memref_slice %arg2[%dma_wait3A_151, %dma_wait3A_152] : memref<10000x48xf32, #tpu.memory_space<hbm>> -> memref<10000x48xf32, #tpu.memory_space<hbm>>
      tpu.wait_indirect_dma semaphore(%arg15 : memref<!tpu.dma_semaphore, #tpu.memory_space<semaphore_mem>>) src(%dma_wait3A_153 : memref<10000x48xf32, #tpu.memory_space<hbm>>) dst(%arg13 : memref<128x48xf32, #tpu.memory_space<vmem>>)
      %run_scoped3A_154 = arith.constant 7 : i32
      "tpu.region"() ({
        %run_scoped3A_155 = tpu.sem_alloc : memref<!tpu.dma_semaphore, #tpu.memory_space<semaphore_mem>>
        %dma_start3A_156 = arith.constant 0 : i32
        %dma_start3A_157 = tpu.memref_slice %arg11[%run_scoped3A_154, %dma_start3A_156] : memref<8x128xi32, #tpu.memory_space<vmem>> -> memref<1x128xi32, #tpu.memory_space<vmem>>
        %dma_start3A_158 = tpu.memref_squeeze %dma_start3A_157 : memref<1x128xi32, #tpu.memory_space<vmem>> -> memref<128xi32, #tpu.memory_space<vmem>>
        %dma_start3A_159 = arith.constant 0 : i32
        %dma_start3A_160 = arith.constant 0 : i32
        %dma_start3A_161 = tpu.memref_slice %arg9[%dma_start3A_159, %dma_start3A_160] : memref<10240x48xf32, #tpu.memory_space<vmem_shared>> -> memref<10240x48xf32, #tpu.memory_space<vmem_shared>>
        tpu.enqueue_indirect_dma source(%arg13 : memref<128x48xf32, #tpu.memory_space<vmem>>) target(%dma_start3A_161 : memref<10240x48xf32, #tpu.memory_space<vmem_shared>>) offsets(%dma_start3A_158 : memref<128xi32, #tpu.memory_space<vmem>>) semaphore(%run_scoped3A_155 : memref<!tpu.dma_semaphore, #tpu.memory_space<semaphore_mem>>) {add = true}
        %dma_wait3A_162 = arith.constant 0 : i32
        %dma_wait3A_163 = tpu.memref_slice %arg11[%run_scoped3A_154, %dma_wait3A_162] : memref<8x128xi32, #tpu.memory_space<vmem>> -> memref<1x128xi32, #tpu.memory_space<vmem>>
        %dma_wait3A_164 = tpu.memref_squeeze %dma_wait3A_163 : memref<1x128xi32, #tpu.memory_space<vmem>> -> memref<128xi32, #tpu.memory_space<vmem>>
        %dma_wait3A_165 = arith.constant 0 : i32
        %dma_wait3A_166 = arith.constant 0 : i32
        %dma_wait3A_167 = tpu.memref_slice %arg9[%dma_wait3A_165, %dma_wait3A_166] : memref<10240x48xf32, #tpu.memory_space<vmem_shared>> -> memref<10240x48xf32, #tpu.memory_space<vmem_shared>>
        tpu.wait_indirect_dma semaphore(%run_scoped3A_155 : memref<!tpu.dma_semaphore, #tpu.memory_space<semaphore_mem>>) src(%arg13 : memref<128x48xf32, #tpu.memory_space<vmem>>) dst(%dma_wait3A_167 : memref<10240x48xf32, #tpu.memory_space<vmem_shared>>)
        tpu.yield
      }) : () -> ()
    }
    %while3A_19 = arith.constant 1 : i32
    scf.for %while3A_31 = %while3A_17 to %while3A_13 step %while3A_19  : i32 {
      %mul3A_32 = arith.constant 8 : i32
      %mul3A_33 = arith.muli %while3A_31, %mul3A_32 : i32
      %add3A_34 = arith.addi %select_n3A, %mul3A_33 : i32
      "tpu.region"() ({
        %run_scoped3A_155 = tpu.sem_alloc : memref<!tpu.dma_semaphore, #tpu.memory_space<semaphore_mem>>
        %dma_start3A_156 = arith.constant 0 : i32
        %dma_start3A_157 = tpu.memref_slice %arg3[%add3A_34, %dma_start3A_156] : memref<2560x128xi32, #tpu.memory_space<hbm>> -> memref<8x128xi32, #tpu.memory_space<hbm>>
        %dma_start3A_158 = arith.constant 0 : i32
        %dma_start3A_159 = tpu.memref_slice %arg3[%add3A_34, %dma_start3A_158] : memref<2560x128xi32, #tpu.memory_space<hbm>> -> memref<8x128xi32, #tpu.memory_space<hbm>>
        tpu.enqueue_dma source(%dma_start3A_159 : memref<8x128xi32, #tpu.memory_space<hbm>>) target(%arg10 : memref<8x128xi32, #tpu.memory_space<vmem>>) target_semaphore(%run_scoped3A_155 : memref<!tpu.dma_semaphore, #tpu.memory_space<semaphore_mem>>)
        %dma_wait3A_160 = arith.constant 0 : i32
        %dma_wait3A_161 = tpu.memref_slice %arg3[%add3A_34, %dma_wait3A_160] : memref<2560x128xi32, #tpu.memory_space<hbm>> -> memref<8x128xi32, #tpu.memory_space<hbm>>
        %dma_wait3A_162 = arith.constant 0 : i32
        %dma_wait3A_163 = tpu.memref_slice %arg3[%add3A_34, %dma_wait3A_162] : memref<2560x128xi32, #tpu.memory_space<hbm>> -> memref<8x128xi32, #tpu.memory_space<hbm>>
        tpu.wait_dma2 semaphore(%run_scoped3A_155 : memref<!tpu.dma_semaphore, #tpu.memory_space<semaphore_mem>>) src(%dma_wait3A_163 : memref<8x128xi32, #tpu.memory_space<hbm>>) dst(%arg10 : memref<8x128xi32, #tpu.memory_space<vmem>>)
        tpu.yield
      }) : () -> ()
      %mul3A_35 = arith.constant 8 : i32
      %mul3A_36 = arith.muli %while3A_31, %mul3A_35 : i32
      %add3A_37 = arith.addi %select_n3A, %mul3A_36 : i32
      "tpu.region"() ({
        %run_scoped3A_155 = tpu.sem_alloc : memref<!tpu.dma_semaphore, #tpu.memory_space<semaphore_mem>>
        %dma_start3A_156 = arith.constant 0 : i32
        %dma_start3A_157 = tpu.memref_slice %arg4[%add3A_37, %dma_start3A_156] : memref<2560x128xi32, #tpu.memory_space<hbm>> -> memref<8x128xi32, #tpu.memory_space<hbm>>
        %dma_start3A_158 = arith.constant 0 : i32
        %dma_start3A_159 = tpu.memref_slice %arg4[%add3A_37, %dma_start3A_158] : memref<2560x128xi32, #tpu.memory_space<hbm>> -> memref<8x128xi32, #tpu.memory_space<hbm>>
        tpu.enqueue_dma source(%dma_start3A_159 : memref<8x128xi32, #tpu.memory_space<hbm>>) target(%arg11 : memref<8x128xi32, #tpu.memory_space<vmem>>) target_semaphore(%run_scoped3A_155 : memref<!tpu.dma_semaphore, #tpu.memory_space<semaphore_mem>>)
        %dma_wait3A_160 = arith.constant 0 : i32
        %dma_wait3A_161 = tpu.memref_slice %arg4[%add3A_37, %dma_wait3A_160] : memref<2560x128xi32, #tpu.memory_space<hbm>> -> memref<8x128xi32, #tpu.memory_space<hbm>>
        %dma_wait3A_162 = arith.constant 0 : i32
        %dma_wait3A_163 = tpu.memref_slice %arg4[%add3A_37, %dma_wait3A_162] : memref<2560x128xi32, #tpu.memory_space<hbm>> -> memref<8x128xi32, #tpu.memory_space<hbm>>
        tpu.wait_dma2 semaphore(%run_scoped3A_155 : memref<!tpu.dma_semaphore, #tpu.memory_space<semaphore_mem>>) src(%dma_wait3A_163 : memref<8x128xi32, #tpu.memory_space<hbm>>) dst(%arg11 : memref<8x128xi32, #tpu.memory_space<vmem>>)
        tpu.yield
      }) : () -> ()
      %dma_start3A = arith.constant 0 : i32
      %dma_start3A_38 = arith.constant 0 : i32
      %dma_start3A_39 = tpu.memref_slice %arg10[%dma_start3A, %dma_start3A_38] : memref<8x128xi32, #tpu.memory_space<vmem>> -> memref<1x128xi32, #tpu.memory_space<vmem>>
      %dma_start3A_40 = tpu.memref_squeeze %dma_start3A_39 : memref<1x128xi32, #tpu.memory_space<vmem>> -> memref<128xi32, #tpu.memory_space<vmem>>
      %dma_start3A_41 = arith.constant 0 : i32
      %dma_start3A_42 = arith.constant 0 : i32
      %dma_start3A_43 = tpu.memref_slice %arg2[%dma_start3A_41, %dma_start3A_42] : memref<10000x48xf32, #tpu.memory_space<hbm>> -> memref<10000x48xf32, #tpu.memory_space<hbm>>
      tpu.enqueue_indirect_dma source(%dma_start3A_43 : memref<10000x48xf32, #tpu.memory_space<hbm>>) target(%arg12 : memref<128x48xf32, #tpu.memory_space<vmem>>) offsets(%dma_start3A_40 : memref<128xi32, #tpu.memory_space<vmem>>) semaphore(%arg14 : memref<!tpu.dma_semaphore, #tpu.memory_space<semaphore_mem>>)
      %dma_start3A_44 = arith.constant 1 : i32
      %dma_start3A_45 = arith.constant 0 : i32
      %dma_start3A_46 = tpu.memref_slice %arg10[%dma_start3A_44, %dma_start3A_45] : memref<8x128xi32, #tpu.memory_space<vmem>> -> memref<1x128xi32, #tpu.memory_space<vmem>>
      %dma_start3A_47 = tpu.memref_squeeze %dma_start3A_46 : memref<1x128xi32, #tpu.memory_space<vmem>> -> memref<128xi32, #tpu.memory_space<vmem>>
      %dma_start3A_48 = arith.constant 0 : i32
      %dma_start3A_49 = arith.constant 0 : i32
      %dma_start3A_50 = tpu.memref_slice %arg2[%dma_start3A_48, %dma_start3A_49] : memref<10000x48xf32, #tpu.memory_space<hbm>> -> memref<10000x48xf32, #tpu.memory_space<hbm>>
      tpu.enqueue_indirect_dma source(%dma_start3A_50 : memref<10000x48xf32, #tpu.memory_space<hbm>>) target(%arg13 : memref<128x48xf32, #tpu.memory_space<vmem>>) offsets(%dma_start3A_47 : memref<128xi32, #tpu.memory_space<vmem>>) semaphore(%arg15 : memref<!tpu.dma_semaphore, #tpu.memory_space<semaphore_mem>>)
      %dma_wait3A = arith.constant 0 : i32
      %dma_wait3A_51 = arith.constant 0 : i32
      %dma_wait3A_52 = tpu.memref_slice %arg10[%dma_wait3A, %dma_wait3A_51] : memref<8x128xi32, #tpu.memory_space<vmem>> -> memref<1x128xi32, #tpu.memory_space<vmem>>
      %dma_wait3A_53 = tpu.memref_squeeze %dma_wait3A_52 : memref<1x128xi32, #tpu.memory_space<vmem>> -> memref<128xi32, #tpu.memory_space<vmem>>
      %dma_wait3A_54 = arith.constant 0 : i32
      %dma_wait3A_55 = arith.constant 0 : i32
      %dma_wait3A_56 = tpu.memref_slice %arg2[%dma_wait3A_54, %dma_wait3A_55] : memref<10000x48xf32, #tpu.memory_space<hbm>> -> memref<10000x48xf32, #tpu.memory_space<hbm>>
      tpu.wait_indirect_dma semaphore(%arg14 : memref<!tpu.dma_semaphore, #tpu.memory_space<semaphore_mem>>) src(%dma_wait3A_56 : memref<10000x48xf32, #tpu.memory_space<hbm>>) dst(%arg12 : memref<128x48xf32, #tpu.memory_space<vmem>>)
      %run_scoped3A = arith.constant 0 : i32
      "tpu.region"() ({
        %run_scoped3A_155 = tpu.sem_alloc : memref<!tpu.dma_semaphore, #tpu.memory_space<semaphore_mem>>
        %dma_start3A_156 = arith.constant 0 : i32
        %dma_start3A_157 = tpu.memref_slice %arg11[%run_scoped3A, %dma_start3A_156] : memref<8x128xi32, #tpu.memory_space<vmem>> -> memref<1x128xi32, #tpu.memory_space<vmem>>
        %dma_start3A_158 = tpu.memref_squeeze %dma_start3A_157 : memref<1x128xi32, #tpu.memory_space<vmem>> -> memref<128xi32, #tpu.memory_space<vmem>>
        %dma_start3A_159 = arith.constant 0 : i32
        %dma_start3A_160 = arith.constant 0 : i32
        %dma_start3A_161 = tpu.memref_slice %arg9[%dma_start3A_159, %dma_start3A_160] : memref<10240x48xf32, #tpu.memory_space<vmem_shared>> -> memref<10240x48xf32, #tpu.memory_space<vmem_shared>>
        tpu.enqueue_indirect_dma source(%arg12 : memref<128x48xf32, #tpu.memory_space<vmem>>) target(%dma_start3A_161 : memref<10240x48xf32, #tpu.memory_space<vmem_shared>>) offsets(%dma_start3A_158 : memref<128xi32, #tpu.memory_space<vmem>>) semaphore(%run_scoped3A_155 : memref<!tpu.dma_semaphore, #tpu.memory_space<semaphore_mem>>) {add = true}
        %dma_wait3A_162 = arith.constant 0 : i32
        %dma_wait3A_163 = tpu.memref_slice %arg11[%run_scoped3A, %dma_wait3A_162] : memref<8x128xi32, #tpu.memory_space<vmem>> -> memref<1x128xi32, #tpu.memory_space<vmem>>
        %dma_wait3A_164 = tpu.memref_squeeze %dma_wait3A_163 : memref<1x128xi32, #tpu.memory_space<vmem>> -> memref<128xi32, #tpu.memory_space<vmem>>
        %dma_wait3A_165 = arith.constant 0 : i32
        %dma_wait3A_166 = arith.constant 0 : i32
        %dma_wait3A_167 = tpu.memref_slice %arg9[%dma_wait3A_165, %dma_wait3A_166] : memref<10240x48xf32, #tpu.memory_space<vmem_shared>> -> memref<10240x48xf32, #tpu.memory_space<vmem_shared>>
        tpu.wait_indirect_dma semaphore(%run_scoped3A_155 : memref<!tpu.dma_semaphore, #tpu.memory_space<semaphore_mem>>) src(%arg12 : memref<128x48xf32, #tpu.memory_space<vmem>>) dst(%dma_wait3A_167 : memref<10240x48xf32, #tpu.memory_space<vmem_shared>>)
        tpu.yield
      }) : () -> ()
      %dma_start3A_57 = arith.constant 2 : i32
      %dma_start3A_58 = arith.constant 0 : i32
      %dma_start3A_59 = tpu.memref_slice %arg10[%dma_start3A_57, %dma_start3A_58] : memref<8x128xi32, #tpu.memory_space<vmem>> -> memref<1x128xi32, #tpu.memory_space<vmem>>
      %dma_start3A_60 = tpu.memref_squeeze %dma_start3A_59 : memref<1x128xi32, #tpu.memory_space<vmem>> -> memref<128xi32, #tpu.memory_space<vmem>>
      %dma_start3A_61 = arith.constant 0 : i32
      %dma_start3A_62 = arith.constant 0 : i32
      %dma_start3A_63 = tpu.memref_slice %arg2[%dma_start3A_61, %dma_start3A_62] : memref<10000x48xf32, #tpu.memory_space<hbm>> -> memref<10000x48xf32, #tpu.memory_space<hbm>>
      tpu.enqueue_indirect_dma source(%dma_start3A_63 : memref<10000x48xf32, #tpu.memory_space<hbm>>) target(%arg12 : memref<128x48xf32, #tpu.memory_space<vmem>>) offsets(%dma_start3A_60 : memref<128xi32, #tpu.memory_space<vmem>>) semaphore(%arg14 : memref<!tpu.dma_semaphore, #tpu.memory_space<semaphore_mem>>)
      %dma_wait3A_64 = arith.constant 1 : i32
      %dma_wait3A_65 = arith.constant 0 : i32
      %dma_wait3A_66 = tpu.memref_slice %arg10[%dma_wait3A_64, %dma_wait3A_65] : memref<8x128xi32, #tpu.memory_space<vmem>> -> memref<1x128xi32, #tpu.memory_space<vmem>>
      %dma_wait3A_67 = tpu.memref_squeeze %dma_wait3A_66 : memref<1x128xi32, #tpu.memory_space<vmem>> -> memref<128xi32, #tpu.memory_space<vmem>>
      %dma_wait3A_68 = arith.constant 0 : i32
      %dma_wait3A_69 = arith.constant 0 : i32
      %dma_wait3A_70 = tpu.memref_slice %arg2[%dma_wait3A_68, %dma_wait3A_69] : memref<10000x48xf32, #tpu.memory_space<hbm>> -> memref<10000x48xf32, #tpu.memory_space<hbm>>
      tpu.wait_indirect_dma semaphore(%arg15 : memref<!tpu.dma_semaphore, #tpu.memory_space<semaphore_mem>>) src(%dma_wait3A_70 : memref<10000x48xf32, #tpu.memory_space<hbm>>) dst(%arg13 : memref<128x48xf32, #tpu.memory_space<vmem>>)
      %run_scoped3A_71 = arith.constant 1 : i32
      "tpu.region"() ({
        %run_scoped3A_155 = tpu.sem_alloc : memref<!tpu.dma_semaphore, #tpu.memory_space<semaphore_mem>>
        %dma_start3A_156 = arith.constant 0 : i32
        %dma_start3A_157 = tpu.memref_slice %arg11[%run_scoped3A_71, %dma_start3A_156] : memref<8x128xi32, #tpu.memory_space<vmem>> -> memref<1x128xi32, #tpu.memory_space<vmem>>
        %dma_start3A_158 = tpu.memref_squeeze %dma_start3A_157 : memref<1x128xi32, #tpu.memory_space<vmem>> -> memref<128xi32, #tpu.memory_space<vmem>>
        %dma_start3A_159 = arith.constant 0 : i32
        %dma_start3A_160 = arith.constant 0 : i32
        %dma_start3A_161 = tpu.memref_slice %arg9[%dma_start3A_159, %dma_start3A_160] : memref<10240x48xf32, #tpu.memory_space<vmem_shared>> -> memref<10240x48xf32, #tpu.memory_space<vmem_shared>>
        tpu.enqueue_indirect_dma source(%arg13 : memref<128x48xf32, #tpu.memory_space<vmem>>) target(%dma_start3A_161 : memref<10240x48xf32, #tpu.memory_space<vmem_shared>>) offsets(%dma_start3A_158 : memref<128xi32, #tpu.memory_space<vmem>>) semaphore(%run_scoped3A_155 : memref<!tpu.dma_semaphore, #tpu.memory_space<semaphore_mem>>) {add = true}
        %dma_wait3A_162 = arith.constant 0 : i32
        %dma_wait3A_163 = tpu.memref_slice %arg11[%run_scoped3A_71, %dma_wait3A_162] : memref<8x128xi32, #tpu.memory_space<vmem>> -> memref<1x128xi32, #tpu.memory_space<vmem>>
        %dma_wait3A_164 = tpu.memref_squeeze %dma_wait3A_163 : memref<1x128xi32, #tpu.memory_space<vmem>> -> memref<128xi32, #tpu.memory_space<vmem>>
        %dma_wait3A_165 = arith.constant 0 : i32
        %dma_wait3A_166 = arith.constant 0 : i32
        %dma_wait3A_167 = tpu.memref_slice %arg9[%dma_wait3A_165, %dma_wait3A_166] : memref<10240x48xf32, #tpu.memory_space<vmem_shared>> -> memref<10240x48xf32, #tpu.memory_space<vmem_shared>>
        tpu.wait_indirect_dma semaphore(%run_scoped3A_155 : memref<!tpu.dma_semaphore, #tpu.memory_space<semaphore_mem>>) src(%arg13 : memref<128x48xf32, #tpu.memory_space<vmem>>) dst(%dma_wait3A_167 : memref<10240x48xf32, #tpu.memory_space<vmem_shared>>)
        tpu.yield
      }) : () -> ()
      %dma_start3A_72 = arith.constant 3 : i32
      %dma_start3A_73 = arith.constant 0 : i32
      %dma_start3A_74 = tpu.memref_slice %arg10[%dma_start3A_72, %dma_start3A_73] : memref<8x128xi32, #tpu.memory_space<vmem>> -> memref<1x128xi32, #tpu.memory_space<vmem>>
      %dma_start3A_75 = tpu.memref_squeeze %dma_start3A_74 : memref<1x128xi32, #tpu.memory_space<vmem>> -> memref<128xi32, #tpu.memory_space<vmem>>
      %dma_start3A_76 = arith.constant 0 : i32
      %dma_start3A_77 = arith.constant 0 : i32
      %dma_start3A_78 = tpu.memref_slice %arg2[%dma_start3A_76, %dma_start3A_77] : memref<10000x48xf32, #tpu.memory_space<hbm>> -> memref<10000x48xf32, #tpu.memory_space<hbm>>
      tpu.enqueue_indirect_dma source(%dma_start3A_78 : memref<10000x48xf32, #tpu.memory_space<hbm>>) target(%arg13 : memref<128x48xf32, #tpu.memory_space<vmem>>) offsets(%dma_start3A_75 : memref<128xi32, #tpu.memory_space<vmem>>) semaphore(%arg15 : memref<!tpu.dma_semaphore, #tpu.memory_space<semaphore_mem>>)
      %dma_wait3A_79 = arith.constant 2 : i32
      %dma_wait3A_80 = arith.constant 0 : i32
      %dma_wait3A_81 = tpu.memref_slice %arg10[%dma_wait3A_79, %dma_wait3A_80] : memref<8x128xi32, #tpu.memory_space<vmem>> -> memref<1x128xi32, #tpu.memory_space<vmem>>
      %dma_wait3A_82 = tpu.memref_squeeze %dma_wait3A_81 : memref<1x128xi32, #tpu.memory_space<vmem>> -> memref<128xi32, #tpu.memory_space<vmem>>
      %dma_wait3A_83 = arith.constant 0 : i32
      %dma_wait3A_84 = arith.constant 0 : i32
      %dma_wait3A_85 = tpu.memref_slice %arg2[%dma_wait3A_83, %dma_wait3A_84] : memref<10000x48xf32, #tpu.memory_space<hbm>> -> memref<10000x48xf32, #tpu.memory_space<hbm>>
      tpu.wait_indirect_dma semaphore(%arg14 : memref<!tpu.dma_semaphore, #tpu.memory_space<semaphore_mem>>) src(%dma_wait3A_85 : memref<10000x48xf32, #tpu.memory_space<hbm>>) dst(%arg12 : memref<128x48xf32, #tpu.memory_space<vmem>>)
      %run_scoped3A_86 = arith.constant 2 : i32
      "tpu.region"() ({
        %run_scoped3A_155 = tpu.sem_alloc : memref<!tpu.dma_semaphore, #tpu.memory_space<semaphore_mem>>
        %dma_start3A_156 = arith.constant 0 : i32
        %dma_start3A_157 = tpu.memref_slice %arg11[%run_scoped3A_86, %dma_start3A_156] : memref<8x128xi32, #tpu.memory_space<vmem>> -> memref<1x128xi32, #tpu.memory_space<vmem>>
        %dma_start3A_158 = tpu.memref_squeeze %dma_start3A_157 : memref<1x128xi32, #tpu.memory_space<vmem>> -> memref<128xi32, #tpu.memory_space<vmem>>
        %dma_start3A_159 = arith.constant 0 : i32
        %dma_start3A_160 = arith.constant 0 : i32
        %dma_start3A_161 = tpu.memref_slice %arg9[%dma_start3A_159, %dma_start3A_160] : memref<10240x48xf32, #tpu.memory_space<vmem_shared>> -> memref<10240x48xf32, #tpu.memory_space<vmem_shared>>
        tpu.enqueue_indirect_dma source(%arg12 : memref<128x48xf32, #tpu.memory_space<vmem>>) target(%dma_start3A_161 : memref<10240x48xf32, #tpu.memory_space<vmem_shared>>) offsets(%dma_start3A_158 : memref<128xi32, #tpu.memory_space<vmem>>) semaphore(%run_scoped3A_155 : memref<!tpu.dma_semaphore, #tpu.memory_space<semaphore_mem>>) {add = true}
        %dma_wait3A_162 = arith.constant 0 : i32
        %dma_wait3A_163 = tpu.memref_slice %arg11[%run_scoped3A_86, %dma_wait3A_162] : memref<8x128xi32, #tpu.memory_space<vmem>> -> memref<1x128xi32, #tpu.memory_space<vmem>>
        %dma_wait3A_164 = tpu.memref_squeeze %dma_wait3A_163 : memref<1x128xi32, #tpu.memory_space<vmem>> -> memref<128xi32, #tpu.memory_space<vmem>>
        %dma_wait3A_165 = arith.constant 0 : i32
        %dma_wait3A_166 = arith.constant 0 : i32
        %dma_wait3A_167 = tpu.memref_slice %arg9[%dma_wait3A_165, %dma_wait3A_166] : memref<10240x48xf32, #tpu.memory_space<vmem_shared>> -> memref<10240x48xf32, #tpu.memory_space<vmem_shared>>
        tpu.wait_indirect_dma semaphore(%run_scoped3A_155 : memref<!tpu.dma_semaphore, #tpu.memory_space<semaphore_mem>>) src(%arg12 : memref<128x48xf32, #tpu.memory_space<vmem>>) dst(%dma_wait3A_167 : memref<10240x48xf32, #tpu.memory_space<vmem_shared>>)
        tpu.yield
      }) : () -> ()
      %dma_start3A_87 = arith.constant 4 : i32
      %dma_start3A_88 = arith.constant 0 : i32
      %dma_start3A_89 = tpu.memref_slice %arg10[%dma_start3A_87, %dma_start3A_88] : memref<8x128xi32, #tpu.memory_space<vmem>> -> memref<1x128xi32, #tpu.memory_space<vmem>>
      %dma_start3A_90 = tpu.memref_squeeze %dma_start3A_89 : memref<1x128xi32, #tpu.memory_space<vmem>> -> memref<128xi32, #tpu.memory_space<vmem>>
      %dma_start3A_91 = arith.constant 0 : i32
      %dma_start3A_92 = arith.constant 0 : i32
      %dma_start3A_93 = tpu.memref_slice %arg2[%dma_start3A_91, %dma_start3A_92] : memref<10000x48xf32, #tpu.memory_space<hbm>> -> memref<10000x48xf32, #tpu.memory_space<hbm>>
      tpu.enqueue_indirect_dma source(%dma_start3A_93 : memref<10000x48xf32, #tpu.memory_space<hbm>>) target(%arg12 : memref<128x48xf32, #tpu.memory_space<vmem>>) offsets(%dma_start3A_90 : memref<128xi32, #tpu.memory_space<vmem>>) semaphore(%arg14 : memref<!tpu.dma_semaphore, #tpu.memory_space<semaphore_mem>>)
      %dma_wait3A_94 = arith.constant 3 : i32
      %dma_wait3A_95 = arith.constant 0 : i32
      %dma_wait3A_96 = tpu.memref_slice %arg10[%dma_wait3A_94, %dma_wait3A_95] : memref<8x128xi32, #tpu.memory_space<vmem>> -> memref<1x128xi32, #tpu.memory_space<vmem>>
      %dma_wait3A_97 = tpu.memref_squeeze %dma_wait3A_96 : memref<1x128xi32, #tpu.memory_space<vmem>> -> memref<128xi32, #tpu.memory_space<vmem>>
      %dma_wait3A_98 = arith.constant 0 : i32
      %dma_wait3A_99 = arith.constant 0 : i32
      %dma_wait3A_100 = tpu.memref_slice %arg2[%dma_wait3A_98, %dma_wait3A_99] : memref<10000x48xf32, #tpu.memory_space<hbm>> -> memref<10000x48xf32, #tpu.memory_space<hbm>>
      tpu.wait_indirect_dma semaphore(%arg15 : memref<!tpu.dma_semaphore, #tpu.memory_space<semaphore_mem>>) src(%dma_wait3A_100 : memref<10000x48xf32, #tpu.memory_space<hbm>>) dst(%arg13 : memref<128x48xf32, #tpu.memory_space<vmem>>)
      %run_scoped3A_101 = arith.constant 3 : i32
      "tpu.region"() ({
        %run_scoped3A_155 = tpu.sem_alloc : memref<!tpu.dma_semaphore, #tpu.memory_space<semaphore_mem>>
        %dma_start3A_156 = arith.constant 0 : i32
        %dma_start3A_157 = tpu.memref_slice %arg11[%run_scoped3A_101, %dma_start3A_156] : memref<8x128xi32, #tpu.memory_space<vmem>> -> memref<1x128xi32, #tpu.memory_space<vmem>>
        %dma_start3A_158 = tpu.memref_squeeze %dma_start3A_157 : memref<1x128xi32, #tpu.memory_space<vmem>> -> memref<128xi32, #tpu.memory_space<vmem>>
        %dma_start3A_159 = arith.constant 0 : i32
        %dma_start3A_160 = arith.constant 0 : i32
        %dma_start3A_161 = tpu.memref_slice %arg9[%dma_start3A_159, %dma_start3A_160] : memref<10240x48xf32, #tpu.memory_space<vmem_shared>> -> memref<10240x48xf32, #tpu.memory_space<vmem_shared>>
        tpu.enqueue_indirect_dma source(%arg13 : memref<128x48xf32, #tpu.memory_space<vmem>>) target(%dma_start3A_161 : memref<10240x48xf32, #tpu.memory_space<vmem_shared>>) offsets(%dma_start3A_158 : memref<128xi32, #tpu.memory_space<vmem>>) semaphore(%run_scoped3A_155 : memref<!tpu.dma_semaphore, #tpu.memory_space<semaphore_mem>>) {add = true}
        %dma_wait3A_162 = arith.constant 0 : i32
        %dma_wait3A_163 = tpu.memref_slice %arg11[%run_scoped3A_101, %dma_wait3A_162] : memref<8x128xi32, #tpu.memory_space<vmem>> -> memref<1x128xi32, #tpu.memory_space<vmem>>
        %dma_wait3A_164 = tpu.memref_squeeze %dma_wait3A_163 : memref<1x128xi32, #tpu.memory_space<vmem>> -> memref<128xi32, #tpu.memory_space<vmem>>
        %dma_wait3A_165 = arith.constant 0 : i32
        %dma_wait3A_166 = arith.constant 0 : i32
        %dma_wait3A_167 = tpu.memref_slice %arg9[%dma_wait3A_165, %dma_wait3A_166] : memref<10240x48xf32, #tpu.memory_space<vmem_shared>> -> memref<10240x48xf32, #tpu.memory_space<vmem_shared>>
        tpu.wait_indirect_dma semaphore(%run_scoped3A_155 : memref<!tpu.dma_semaphore, #tpu.memory_space<semaphore_mem>>) src(%arg13 : memref<128x48xf32, #tpu.memory_space<vmem>>) dst(%dma_wait3A_167 : memref<10240x48xf32, #tpu.memory_space<vmem_shared>>)
        tpu.yield
      }) : () -> ()
      %dma_start3A_102 = arith.constant 5 : i32
      %dma_start3A_103 = arith.constant 0 : i32
      %dma_start3A_104 = tpu.memref_slice %arg10[%dma_start3A_102, %dma_start3A_103] : memref<8x128xi32, #tpu.memory_space<vmem>> -> memref<1x128xi32, #tpu.memory_space<vmem>>
      %dma_start3A_105 = tpu.memref_squeeze %dma_start3A_104 : memref<1x128xi32, #tpu.memory_space<vmem>> -> memref<128xi32, #tpu.memory_space<vmem>>
      %dma_start3A_106 = arith.constant 0 : i32
      %dma_start3A_107 = arith.constant 0 : i32
      %dma_start3A_108 = tpu.memref_slice %arg2[%dma_start3A_106, %dma_start3A_107] : memref<10000x48xf32, #tpu.memory_space<hbm>> -> memref<10000x48xf32, #tpu.memory_space<hbm>>
      tpu.enqueue_indirect_dma source(%dma_start3A_108 : memref<10000x48xf32, #tpu.memory_space<hbm>>) target(%arg13 : memref<128x48xf32, #tpu.memory_space<vmem>>) offsets(%dma_start3A_105 : memref<128xi32, #tpu.memory_space<vmem>>) semaphore(%arg15 : memref<!tpu.dma_semaphore, #tpu.memory_space<semaphore_mem>>)
      %dma_wait3A_109 = arith.constant 4 : i32
      %dma_wait3A_110 = arith.constant 0 : i32
      %dma_wait3A_111 = tpu.memref_slice %arg10[%dma_wait3A_109, %dma_wait3A_110] : memref<8x128xi32, #tpu.memory_space<vmem>> -> memref<1x128xi32, #tpu.memory_space<vmem>>
      %dma_wait3A_112 = tpu.memref_squeeze %dma_wait3A_111 : memref<1x128xi32, #tpu.memory_space<vmem>> -> memref<128xi32, #tpu.memory_space<vmem>>
      %dma_wait3A_113 = arith.constant 0 : i32
      %dma_wait3A_114 = arith.constant 0 : i32
      %dma_wait3A_115 = tpu.memref_slice %arg2[%dma_wait3A_113, %dma_wait3A_114] : memref<10000x48xf32, #tpu.memory_space<hbm>> -> memref<10000x48xf32, #tpu.memory_space<hbm>>
      tpu.wait_indirect_dma semaphore(%arg14 : memref<!tpu.dma_semaphore, #tpu.memory_space<semaphore_mem>>) src(%dma_wait3A_115 : memref<10000x48xf32, #tpu.memory_space<hbm>>) dst(%arg12 : memref<128x48xf32, #tpu.memory_space<vmem>>)
      %run_scoped3A_116 = arith.constant 4 : i32
      "tpu.region"() ({
        %run_scoped3A_155 = tpu.sem_alloc : memref<!tpu.dma_semaphore, #tpu.memory_space<semaphore_mem>>
        %dma_start3A_156 = arith.constant 0 : i32
        %dma_start3A_157 = tpu.memref_slice %arg11[%run_scoped3A_116, %dma_start3A_156] : memref<8x128xi32, #tpu.memory_space<vmem>> -> memref<1x128xi32, #tpu.memory_space<vmem>>
        %dma_start3A_158 = tpu.memref_squeeze %dma_start3A_157 : memref<1x128xi32, #tpu.memory_space<vmem>> -> memref<128xi32, #tpu.memory_space<vmem>>
        %dma_start3A_159 = arith.constant 0 : i32
        %dma_start3A_160 = arith.constant 0 : i32
        %dma_start3A_161 = tpu.memref_slice %arg9[%dma_start3A_159, %dma_start3A_160] : memref<10240x48xf32, #tpu.memory_space<vmem_shared>> -> memref<10240x48xf32, #tpu.memory_space<vmem_shared>>
        tpu.enqueue_indirect_dma source(%arg12 : memref<128x48xf32, #tpu.memory_space<vmem>>) target(%dma_start3A_161 : memref<10240x48xf32, #tpu.memory_space<vmem_shared>>) offsets(%dma_start3A_158 : memref<128xi32, #tpu.memory_space<vmem>>) semaphore(%run_scoped3A_155 : memref<!tpu.dma_semaphore, #tpu.memory_space<semaphore_mem>>) {add = true}
        %dma_wait3A_162 = arith.constant 0 : i32
        %dma_wait3A_163 = tpu.memref_slice %arg11[%run_scoped3A_116, %dma_wait3A_162] : memref<8x128xi32, #tpu.memory_space<vmem>> -> memref<1x128xi32, #tpu.memory_space<vmem>>
        %dma_wait3A_164 = tpu.memref_squeeze %dma_wait3A_163 : memref<1x128xi32, #tpu.memory_space<vmem>> -> memref<128xi32, #tpu.memory_space<vmem>>
        %dma_wait3A_165 = arith.constant 0 : i32
        %dma_wait3A_166 = arith.constant 0 : i32
        %dma_wait3A_167 = tpu.memref_slice %arg9[%dma_wait3A_165, %dma_wait3A_166] : memref<10240x48xf32, #tpu.memory_space<vmem_shared>> -> memref<10240x48xf32, #tpu.memory_space<vmem_shared>>
        tpu.wait_indirect_dma semaphore(%run_scoped3A_155 : memref<!tpu.dma_semaphore, #tpu.memory_space<semaphore_mem>>) src(%arg12 : memref<128x48xf32, #tpu.memory_space<vmem>>) dst(%dma_wait3A_167 : memref<10240x48xf32, #tpu.memory_space<vmem_shared>>)
        tpu.yield
      }) : () -> ()
      %dma_start3A_117 = arith.constant 6 : i32
      %dma_start3A_118 = arith.constant 0 : i32
      %dma_start3A_119 = tpu.memref_slice %arg10[%dma_start3A_117, %dma_start3A_118] : memref<8x128xi32, #tpu.memory_space<vmem>> -> memref<1x128xi32, #tpu.memory_space<vmem>>
      %dma_start3A_120 = tpu.memref_squeeze %dma_start3A_119 : memref<1x128xi32, #tpu.memory_space<vmem>> -> memref<128xi32, #tpu.memory_space<vmem>>
      %dma_start3A_121 = arith.constant 0 : i32
      %dma_start3A_122 = arith.constant 0 : i32
      %dma_start3A_123 = tpu.memref_slice %arg2[%dma_start3A_121, %dma_start3A_122] : memref<10000x48xf32, #tpu.memory_space<hbm>> -> memref<10000x48xf32, #tpu.memory_space<hbm>>
      tpu.enqueue_indirect_dma source(%dma_start3A_123 : memref<10000x48xf32, #tpu.memory_space<hbm>>) target(%arg12 : memref<128x48xf32, #tpu.memory_space<vmem>>) offsets(%dma_start3A_120 : memref<128xi32, #tpu.memory_space<vmem>>) semaphore(%arg14 : memref<!tpu.dma_semaphore, #tpu.memory_space<semaphore_mem>>)
      %dma_wait3A_124 = arith.constant 5 : i32
      %dma_wait3A_125 = arith.constant 0 : i32
      %dma_wait3A_126 = tpu.memref_slice %arg10[%dma_wait3A_124, %dma_wait3A_125] : memref<8x128xi32, #tpu.memory_space<vmem>> -> memref<1x128xi32, #tpu.memory_space<vmem>>
      %dma_wait3A_127 = tpu.memref_squeeze %dma_wait3A_126 : memref<1x128xi32, #tpu.memory_space<vmem>> -> memref<128xi32, #tpu.memory_space<vmem>>
      %dma_wait3A_128 = arith.constant 0 : i32
      %dma_wait3A_129 = arith.constant 0 : i32
      %dma_wait3A_130 = tpu.memref_slice %arg2[%dma_wait3A_128, %dma_wait3A_129] : memref<10000x48xf32, #tpu.memory_space<hbm>> -> memref<10000x48xf32, #tpu.memory_space<hbm>>
      tpu.wait_indirect_dma semaphore(%arg15 : memref<!tpu.dma_semaphore, #tpu.memory_space<semaphore_mem>>) src(%dma_wait3A_130 : memref<10000x48xf32, #tpu.memory_space<hbm>>) dst(%arg13 : memref<128x48xf32, #tpu.memory_space<vmem>>)
      %run_scoped3A_131 = arith.constant 5 : i32
      "tpu.region"() ({
        %run_scoped3A_155 = tpu.sem_alloc : memref<!tpu.dma_semaphore, #tpu.memory_space<semaphore_mem>>
        %dma_start3A_156 = arith.constant 0 : i32
        %dma_start3A_157 = tpu.memref_slice %arg11[%run_scoped3A_131, %dma_start3A_156] : memref<8x128xi32, #tpu.memory_space<vmem>> -> memref<1x128xi32, #tpu.memory_space<vmem>>
        %dma_start3A_158 = tpu.memref_squeeze %dma_start3A_157 : memref<1x128xi32, #tpu.memory_space<vmem>> -> memref<128xi32, #tpu.memory_space<vmem>>
        %dma_start3A_159 = arith.constant 0 : i32
        %dma_start3A_160 = arith.constant 0 : i32
        %dma_start3A_161 = tpu.memref_slice %arg9[%dma_start3A_159, %dma_start3A_160] : memref<10240x48xf32, #tpu.memory_space<vmem_shared>> -> memref<10240x48xf32, #tpu.memory_space<vmem_shared>>
        tpu.enqueue_indirect_dma source(%arg13 : memref<128x48xf32, #tpu.memory_space<vmem>>) target(%dma_start3A_161 : memref<10240x48xf32, #tpu.memory_space<vmem_shared>>) offsets(%dma_start3A_158 : memref<128xi32, #tpu.memory_space<vmem>>) semaphore(%run_scoped3A_155 : memref<!tpu.dma_semaphore, #tpu.memory_space<semaphore_mem>>) {add = true}
        %dma_wait3A_162 = arith.constant 0 : i32
        %dma_wait3A_163 = tpu.memref_slice %arg11[%run_scoped3A_131, %dma_wait3A_162] : memref<8x128xi32, #tpu.memory_space<vmem>> -> memref<1x128xi32, #tpu.memory_space<vmem>>
        %dma_wait3A_164 = tpu.memref_squeeze %dma_wait3A_163 : memref<1x128xi32, #tpu.memory_space<vmem>> -> memref<128xi32, #tpu.memory_space<vmem>>
        %dma_wait3A_165 = arith.constant 0 : i32
        %dma_wait3A_166 = arith.constant 0 : i32
        %dma_wait3A_167 = tpu.memref_slice %arg9[%dma_wait3A_165, %dma_wait3A_166] : memref<10240x48xf32, #tpu.memory_space<vmem_shared>> -> memref<10240x48xf32, #tpu.memory_space<vmem_shared>>
        tpu.wait_indirect_dma semaphore(%run_scoped3A_155 : memref<!tpu.dma_semaphore, #tpu.memory_space<semaphore_mem>>) src(%arg13 : memref<128x48xf32, #tpu.memory_space<vmem>>) dst(%dma_wait3A_167 : memref<10240x48xf32, #tpu.memory_space<vmem_shared>>)
        tpu.yield
      }) : () -> ()
      %dma_start3A_132 = arith.constant 7 : i32
      %dma_start3A_133 = arith.constant 0 : i32
      %dma_start3A_134 = tpu.memref_slice %arg10[%dma_start3A_132, %dma_start3A_133] : memref<8x128xi32, #tpu.memory_space<vmem>> -> memref<1x128xi32, #tpu.memory_space<vmem>>
      %dma_start3A_135 = tpu.memref_squeeze %dma_start3A_134 : memref<1x128xi32, #tpu.memory_space<vmem>> -> memref<128xi32, #tpu.memory_space<vmem>>
      %dma_start3A_136 = arith.constant 0 : i32
      %dma_start3A_137 = arith.constant 0 : i32
      %dma_start3A_138 = tpu.memref_slice %arg2[%dma_start3A_136, %dma_start3A_137] : memref<10000x48xf32, #tpu.memory_space<hbm>> -> memref<10000x48xf32, #tpu.memory_space<hbm>>
      tpu.enqueue_indirect_dma source(%dma_start3A_138 : memref<10000x48xf32, #tpu.memory_space<hbm>>) target(%arg13 : memref<128x48xf32, #tpu.memory_space<vmem>>) offsets(%dma_start3A_135 : memref<128xi32, #tpu.memory_space<vmem>>) semaphore(%arg15 : memref<!tpu.dma_semaphore, #tpu.memory_space<semaphore_mem>>)
      %dma_wait3A_139 = arith.constant 6 : i32
      %dma_wait3A_140 = arith.constant 0 : i32
      %dma_wait3A_141 = tpu.memref_slice %arg10[%dma_wait3A_139, %dma_wait3A_140] : memref<8x128xi32, #tpu.memory_space<vmem>> -> memref<1x128xi32, #tpu.memory_space<vmem>>
      %dma_wait3A_142 = tpu.memref_squeeze %dma_wait3A_141 : memref<1x128xi32, #tpu.memory_space<vmem>> -> memref<128xi32, #tpu.memory_space<vmem>>
      %dma_wait3A_143 = arith.constant 0 : i32
      %dma_wait3A_144 = arith.constant 0 : i32
      %dma_wait3A_145 = tpu.memref_slice %arg2[%dma_wait3A_143, %dma_wait3A_144] : memref<10000x48xf32, #tpu.memory_space<hbm>> -> memref<10000x48xf32, #tpu.memory_space<hbm>>
      tpu.wait_indirect_dma semaphore(%arg14 : memref<!tpu.dma_semaphore, #tpu.memory_space<semaphore_mem>>) src(%dma_wait3A_145 : memref<10000x48xf32, #tpu.memory_space<hbm>>) dst(%arg12 : memref<128x48xf32, #tpu.memory_space<vmem>>)
      %run_scoped3A_146 = arith.constant 6 : i32
      "tpu.region"() ({
        %run_scoped3A_155 = tpu.sem_alloc : memref<!tpu.dma_semaphore, #tpu.memory_space<semaphore_mem>>
        %dma_start3A_156 = arith.constant 0 : i32
        %dma_start3A_157 = tpu.memref_slice %arg11[%run_scoped3A_146, %dma_start3A_156] : memref<8x128xi32, #tpu.memory_space<vmem>> -> memref<1x128xi32, #tpu.memory_space<vmem>>
        %dma_start3A_158 = tpu.memref_squeeze %dma_start3A_157 : memref<1x128xi32, #tpu.memory_space<vmem>> -> memref<128xi32, #tpu.memory_space<vmem>>
        %dma_start3A_159 = arith.constant 0 : i32
        %dma_start3A_160 = arith.constant 0 : i32
        %dma_start3A_161 = tpu.memref_slice %arg9[%dma_start3A_159, %dma_start3A_160] : memref<10240x48xf32, #tpu.memory_space<vmem_shared>> -> memref<10240x48xf32, #tpu.memory_space<vmem_shared>>
        tpu.enqueue_indirect_dma source(%arg12 : memref<128x48xf32, #tpu.memory_space<vmem>>) target(%dma_start3A_161 : memref<10240x48xf32, #tpu.memory_space<vmem_shared>>) offsets(%dma_start3A_158 : memref<128xi32, #tpu.memory_space<vmem>>) semaphore(%run_scoped3A_155 : memref<!tpu.dma_semaphore, #tpu.memory_space<semaphore_mem>>) {add = true}
        %dma_wait3A_162 = arith.constant 0 : i32
        %dma_wait3A_163 = tpu.memref_slice %arg11[%run_scoped3A_146, %dma_wait3A_162] : memref<8x128xi32, #tpu.memory_space<vmem>> -> memref<1x128xi32, #tpu.memory_space<vmem>>
        %dma_wait3A_164 = tpu.memref_squeeze %dma_wait3A_163 : memref<1x128xi32, #tpu.memory_space<vmem>> -> memref<128xi32, #tpu.memory_space<vmem>>
        %dma_wait3A_165 = arith.constant 0 : i32
        %dma_wait3A_166 = arith.constant 0 : i32
        %dma_wait3A_167 = tpu.memref_slice %arg9[%dma_wait3A_165, %dma_wait3A_166] : memref<10240x48xf32, #tpu.memory_space<vmem_shared>> -> memref<10240x48xf32, #tpu.memory_space<vmem_shared>>
        tpu.wait_indirect_dma semaphore(%run_scoped3A_155 : memref<!tpu.dma_semaphore, #tpu.memory_space<semaphore_mem>>) src(%arg12 : memref<128x48xf32, #tpu.memory_space<vmem>>) dst(%dma_wait3A_167 : memref<10240x48xf32, #tpu.memory_space<vmem_shared>>)
        tpu.yield
      }) : () -> ()
      %dma_wait3A_147 = arith.constant 7 : i32
      %dma_wait3A_148 = arith.constant 0 : i32
      %dma_wait3A_149 = tpu.memref_slice %arg10[%dma_wait3A_147, %dma_wait3A_148] : memref<8x128xi32, #tpu.memory_space<vmem>> -> memref<1x128xi32, #tpu.memory_space<vmem>>
      %dma_wait3A_150 = tpu.memref_squeeze %dma_wait3A_149 : memref<1x128xi32, #tpu.memory_space<vmem>> -> memref<128xi32, #tpu.memory_space<vmem>>
      %dma_wait3A_151 = arith.constant 0 : i32
      %dma_wait3A_152 = arith.constant 0 : i32
      %dma_wait3A_153 = tpu.memref_slice %arg2[%dma_wait3A_151, %dma_wait3A_152] : memref<10000x48xf32, #tpu.memory_space<hbm>> -> memref<10000x48xf32, #tpu.memory_space<hbm>>
      tpu.wait_indirect_dma semaphore(%arg15 : memref<!tpu.dma_semaphore, #tpu.memory_space<semaphore_mem>>) src(%dma_wait3A_153 : memref<10000x48xf32, #tpu.memory_space<hbm>>) dst(%arg13 : memref<128x48xf32, #tpu.memory_space<vmem>>)
      %run_scoped3A_154 = arith.constant 7 : i32
      "tpu.region"() ({
        %run_scoped3A_155 = tpu.sem_alloc : memref<!tpu.dma_semaphore, #tpu.memory_space<semaphore_mem>>
        %dma_start3A_156 = arith.constant 0 : i32
        %dma_start3A_157 = tpu.memref_slice %arg11[%run_scoped3A_154, %dma_start3A_156] : memref<8x128xi32, #tpu.memory_space<vmem>> -> memref<1x128xi32, #tpu.memory_space<vmem>>
        %dma_start3A_158 = tpu.memref_squeeze %dma_start3A_157 : memref<1x128xi32, #tpu.memory_space<vmem>> -> memref<128xi32, #tpu.memory_space<vmem>>
        %dma_start3A_159 = arith.constant 0 : i32
        %dma_start3A_160 = arith.constant 0 : i32
        %dma_start3A_161 = tpu.memref_slice %arg9[%dma_start3A_159, %dma_start3A_160] : memref<10240x48xf32, #tpu.memory_space<vmem_shared>> -> memref<10240x48xf32, #tpu.memory_space<vmem_shared>>
        tpu.enqueue_indirect_dma source(%arg13 : memref<128x48xf32, #tpu.memory_space<vmem>>) target(%dma_start3A_161 : memref<10240x48xf32, #tpu.memory_space<vmem_shared>>) offsets(%dma_start3A_158 : memref<128xi32, #tpu.memory_space<vmem>>) semaphore(%run_scoped3A_155 : memref<!tpu.dma_semaphore, #tpu.memory_space<semaphore_mem>>) {add = true}
        %dma_wait3A_162 = arith.constant 0 : i32
        %dma_wait3A_163 = tpu.memref_slice %arg11[%run_scoped3A_154, %dma_wait3A_162] : memref<8x128xi32, #tpu.memory_space<vmem>> -> memref<1x128xi32, #tpu.memory_space<vmem>>
        %dma_wait3A_164 = tpu.memref_squeeze %dma_wait3A_163 : memref<1x128xi32, #tpu.memory_space<vmem>> -> memref<128xi32, #tpu.memory_space<vmem>>
        %dma_wait3A_165 = arith.constant 0 : i32
        %dma_wait3A_166 = arith.constant 0 : i32
        %dma_wait3A_167 = tpu.memref_slice %arg9[%dma_wait3A_165, %dma_wait3A_166] : memref<10240x48xf32, #tpu.memory_space<vmem_shared>> -> memref<10240x48xf32, #tpu.memory_space<vmem_shared>>
        tpu.wait_indirect_dma semaphore(%run_scoped3A_155 : memref<!tpu.dma_semaphore, #tpu.memory_space<semaphore_mem>>) src(%arg13 : memref<128x48xf32, #tpu.memory_space<vmem>>) dst(%dma_wait3A_167 : memref<10240x48xf32, #tpu.memory_space<vmem_shared>>)
        tpu.yield
      }) : () -> ()
    }
    %barrier3A_20 = arith.constant 0 : index
    tpu.barrier barrier_id(%barrier3A_20)
    %mul3A_21 = arith.constant 640 : i32
    %mul3A_22 = arith.muli %arg1, %mul3A_21 : i32
    %lt3A = arith.constant 9600 : i32
    %lt3A_23 = arith.cmpi slt, %mul3A_22, %lt3A : i32
    %convert_element_type3A = arith.extui %lt3A_23 : i1 to i32
    %cond3A = arith.constant 0 : i32
    %cond3A_24 = arith.cmpi ne, %convert_element_type3A, %cond3A : i32
    scf.if %cond3A_24 {
      %mul3A_31 = arith.constant 640 : i32
      %mul3A_32 = arith.muli %arg1, %mul3A_31 : i32
      %mul3A_33 = arith.constant 640 : i32
      %mul3A_34 = arith.muli %arg1, %mul3A_33 : i32
      "tpu.region"() ({
        %run_scoped3A = tpu.sem_alloc : memref<!tpu.dma_semaphore, #tpu.memory_space<semaphore_mem>>
        %dma_start3A = arith.constant 0 : i32
        %dma_start3A_35 = tpu.memref_slice %arg8[%arg0, %mul3A_34, %dma_start3A] : memref<2x10000x48xf32, #tpu.memory_space<hbm>> -> memref<1x640x48xf32, #tpu.memory_space<hbm>>
        %dma_start3A_36 = tpu.memref_squeeze %dma_start3A_35 : memref<1x640x48xf32, #tpu.memory_space<hbm>> -> memref<640x48xf32, #tpu.memory_space<hbm>>
        %dma_start3A_37 = arith.constant 0 : i32
        %dma_start3A_38 = tpu.memref_slice %arg9[%mul3A_32, %dma_start3A_37] : memref<10240x48xf32, #tpu.memory_space<vmem_shared>> -> memref<640x48xf32, #tpu.memory_space<vmem_shared>>
        tpu.enqueue_dma source(%dma_start3A_38 : memref<640x48xf32, #tpu.memory_space<vmem_shared>>) target(%dma_start3A_36 : memref<640x48xf32, #tpu.memory_space<hbm>>) target_semaphore(%run_scoped3A : memref<!tpu.dma_semaphore, #tpu.memory_space<semaphore_mem>>)
        %dma_wait3A = arith.constant 0 : i32
        %dma_wait3A_39 = tpu.memref_slice %arg8[%arg0, %mul3A_34, %dma_wait3A] : memref<2x10000x48xf32, #tpu.memory_space<hbm>> -> memref<1x640x48xf32, #tpu.memory_space<hbm>>
        %dma_wait3A_40 = tpu.memref_squeeze %dma_wait3A_39 : memref<1x640x48xf32, #tpu.memory_space<hbm>> -> memref<640x48xf32, #tpu.memory_space<hbm>>
        %dma_wait3A_41 = arith.constant 0 : i32
        %dma_wait3A_42 = tpu.memref_slice %arg9[%mul3A_32, %dma_wait3A_41] : memref<10240x48xf32, #tpu.memory_space<vmem_shared>> -> memref<640x48xf32, #tpu.memory_space<vmem_shared>>
        tpu.wait_dma2 semaphore(%run_scoped3A : memref<!tpu.dma_semaphore, #tpu.memory_space<semaphore_mem>>) src(%dma_wait3A_42 : memref<640x48xf32, #tpu.memory_space<vmem_shared>>) dst(%dma_wait3A_40 : memref<640x48xf32, #tpu.memory_space<hbm>>)
        tpu.yield
      }) : () -> ()
    } else {
    }
    %mul3A_25 = arith.constant 640 : i32
    %mul3A_26 = arith.muli %arg1, %mul3A_25 : i32
    %ge3A = arith.constant 9600 : i32
    %ge3A_27 = arith.cmpi sge, %mul3A_26, %ge3A : i32
    %convert_element_type3A_28 = arith.extui %ge3A_27 : i1 to i32
    %cond3A_29 = arith.constant 0 : i32
    %cond3A_30 = arith.cmpi ne, %convert_element_type3A_28, %cond3A_29 : i32
    scf.if %cond3A_30 {
      "tpu.region"() ({
        %run_scoped3A = tpu.sem_alloc : memref<!tpu.dma_semaphore, #tpu.memory_space<semaphore_mem>>
        %dma_start3A = arith.constant 9600 : i32
        %dma_start3A_31 = arith.constant 0 : i32
        %dma_start3A_32 = tpu.memref_slice %arg8[%arg0, %dma_start3A, %dma_start3A_31] : memref<2x10000x48xf32, #tpu.memory_space<hbm>> -> memref<1x400x48xf32, #tpu.memory_space<hbm>>
        %dma_start3A_33 = tpu.memref_squeeze %dma_start3A_32 : memref<1x400x48xf32, #tpu.memory_space<hbm>> -> memref<400x48xf32, #tpu.memory_space<hbm>>
        %dma_start3A_34 = arith.constant 9600 : i32
        %dma_start3A_35 = arith.constant 0 : i32
        %dma_start3A_36 = tpu.memref_slice %arg9[%dma_start3A_34, %dma_start3A_35] : memref<10240x48xf32, #tpu.memory_space<vmem_shared>> -> memref<400x48xf32, #tpu.memory_space<vmem_shared>>
        tpu.enqueue_dma source(%dma_start3A_36 : memref<400x48xf32, #tpu.memory_space<vmem_shared>>) target(%dma_start3A_33 : memref<400x48xf32, #tpu.memory_space<hbm>>) target_semaphore(%run_scoped3A : memref<!tpu.dma_semaphore, #tpu.memory_space<semaphore_mem>>)
        %dma_wait3A = arith.constant 9600 : i32
        %dma_wait3A_37 = arith.constant 0 : i32
        %dma_wait3A_38 = tpu.memref_slice %arg8[%arg0, %dma_wait3A, %dma_wait3A_37] : memref<2x10000x48xf32, #tpu.memory_space<hbm>> -> memref<1x400x48xf32, #tpu.memory_space<hbm>>
        %dma_wait3A_39 = tpu.memref_squeeze %dma_wait3A_38 : memref<1x400x48xf32, #tpu.memory_space<hbm>> -> memref<400x48xf32, #tpu.memory_space<hbm>>
        %dma_wait3A_40 = arith.constant 9600 : i32
        %dma_wait3A_41 = arith.constant 0 : i32
        %dma_wait3A_42 = tpu.memref_slice %arg9[%dma_wait3A_40, %dma_wait3A_41] : memref<10240x48xf32, #tpu.memory_space<vmem_shared>> -> memref<400x48xf32, #tpu.memory_space<vmem_shared>>
        tpu.wait_dma2 semaphore(%run_scoped3A : memref<!tpu.dma_semaphore, #tpu.memory_space<semaphore_mem>>) src(%dma_wait3A_42 : memref<400x48xf32, #tpu.memory_space<vmem_shared>>) dst(%dma_wait3A_39 : memref<400x48xf32, #tpu.memory_space<hbm>>)
        tpu.yield
      }) : () -> ()
    } else {
    }
    return
  }
}

module attributes {stable_mosaic.version = 14 : i64} {
  func.func @body(%arg0: i32, %arg1: memref<2000x128xf32, #tpu.memory_space<vmem>>, %arg2: memref<128x128xf32, #tpu.memory_space<vmem>>, %arg3: memref<128x128xf32, #tpu.memory_space<vmem>>, %arg4: memref<1x128xf32, #tpu.memory_space<vmem>>, %arg5: memref<2000x128xf32, #tpu.memory_space<vmem>>, %arg6: memref<2000x128xf32, #tpu.memory_space<vmem>>) attributes {dimension_semantics = [#tpu.dimension_semantics<arbitrary>], iteration_bounds = array<i64: 5>, scalar_prefetch = 0 : i64, scratch_operands = 0 : i64, tpu.core_type = #tpu.core_type<tc>, window_params = [{transform_indices = @transform_0, window_bounds = array<i64: 2000, 128>}, {pipeline_mode = #tpu.pipeline_mode<synchronous>, transform_indices = @transform_1, window_bounds = array<i64: 128, 128>}, {pipeline_mode = #tpu.pipeline_mode<synchronous>, transform_indices = @transform_2, window_bounds = array<i64: 128, 128>}, {pipeline_mode = #tpu.pipeline_mode<synchronous>, transform_indices = @transform_3, window_bounds = array<i64: 1, 128>}, {transform_indices = @transform_4, window_bounds = array<i64: 2000, 128>}, {transform_indices = @transform_5, window_bounds = array<i64: 2000, 128>}]} {
    %get3A = arith.constant 0 : index
    %get3A_0 = arith.constant 0 : index
    %get3A_1 = vector.load %arg1[%get3A, %get3A_0] : memref<2000x128xf32, #tpu.memory_space<vmem>>, vector<2000x128xf32>
    %get3A_2 = arith.constant 0 : index
    %get3A_3 = arith.constant 0 : index
    %get3A_4 = vector.load %arg2[%get3A_2, %get3A_3] : memref<128x128xf32, #tpu.memory_space<vmem>>, vector<128x128xf32>
    %dot_general3A = arith.constant dense<0.000000e+00> : vector<2000x128xf32>
    %dot_general3A_5 = tpu.matmul %get3A_1, %get3A_4, %dot_general3A {dimension_numbers = #tpu.dot_dimension_numbers<[1], [0], [0], [1], [0, 0, 1, 1], [], []>, transpose_lhs_hint = false} : vector<2000x128xf32>, vector<128x128xf32>, vector<2000x128xf32> -> vector<2000x128xf32>
    %swap3A = arith.constant 0 : index
    %swap3A_6 = arith.constant 0 : index
    %swap3A_7 = vector.load %arg5[%swap3A, %swap3A_6] : memref<2000x128xf32, #tpu.memory_space<vmem>>, vector<2000x128xf32>
    tpu.vector_store %arg5[%swap3A, %swap3A_6], %dot_general3A_5 {strides = array<i32>} : memref<2000x128xf32, #tpu.memory_space<vmem>>, vector<2000x128xf32>,
    %get3A_8 = arith.constant 0 : index
    %get3A_9 = arith.constant 0 : index
    %get3A_10 = vector.load %arg3[%get3A_8, %get3A_9] : memref<128x128xf32, #tpu.memory_space<vmem>>, vector<128x128xf32>
    %dot_general3A_11 = arith.constant dense<0.000000e+00> : vector<2000x128xf32>
    %dot_general3A_12 = tpu.matmul %get3A_1, %get3A_10, %dot_general3A_11 {dimension_numbers = #tpu.dot_dimension_numbers<[1], [0], [0], [1], [0, 0, 1, 1], [], []>, transpose_lhs_hint = false} : vector<2000x128xf32>, vector<128x128xf32>, vector<2000x128xf32> -> vector<2000x128xf32>
    %get3A_13 = arith.constant 0 : index
    %get3A_14 = arith.constant 0 : index
    %get3A_15 = vector.load %arg4[%get3A_13, %get3A_14] : memref<1x128xf32, #tpu.memory_space<vmem>>, vector<1x128xf32>
    %add3A = vector.broadcast %get3A_15 : vector<1x128xf32> to vector<2000x128xf32>
    %add3A_16 = arith.addf %dot_general3A_12, %add3A : vector<2000x128xf32>
    %swap3A_17 = arith.constant 0 : index
    %swap3A_18 = arith.constant 0 : index
    %swap3A_19 = vector.load %arg6[%swap3A_17, %swap3A_18] : memref<2000x128xf32, #tpu.memory_space<vmem>>, vector<2000x128xf32>
    tpu.vector_store %arg6[%swap3A_17, %swap3A_18], %add3A_16 {strides = array<i32>} : memref<2000x128xf32, #tpu.memory_space<vmem>>, vector<2000x128xf32>,
    return
  }
  func.func @transform_0(%arg0: i32) -> (i32, i32) {
    %c0_i32 = arith.constant 0 : i32
    %c0_i32_0 = arith.constant 0 : i32
    return %arg0, %c0_i32 : i32, i32
  }
  func.func @transform_1(%arg0: i32) -> (i32, i32) {
    %c0_i32 = arith.constant 0 : i32
    %c0_i32_0 = arith.constant 0 : i32
    %c0_i32_1 = arith.constant 0 : i32
    return %c0_i32, %c0_i32_0 : i32, i32
  }
  func.func @transform_2(%arg0: i32) -> (i32, i32) {
    %c0_i32 = arith.constant 0 : i32
    %c0_i32_0 = arith.constant 0 : i32
    %c0_i32_1 = arith.constant 0 : i32
    return %c0_i32, %c0_i32_0 : i32, i32
  }
  func.func @transform_3(%arg0: i32) -> (i32, i32) {
    %c0_i32 = arith.constant 0 : i32
    %c0_i32_0 = arith.constant 0 : i32
    %c0_i32_1 = arith.constant 0 : i32
    return %c0_i32, %c0_i32_0 : i32, i32
  }
  func.func @transform_4(%arg0: i32) -> (i32, i32) {
    %c0_i32 = arith.constant 0 : i32
    %c0_i32_0 = arith.constant 0 : i32
    return %arg0, %c0_i32 : i32, i32
  }
  func.func @transform_5(%arg0: i32) -> (i32, i32) {
    %c0_i32 = arith.constant 0 : i32
    %c0_i32_0 = arith.constant 0 : i32
    return %arg0, %c0_i32 : i32, i32
  }
}

module attributes {stable_mosaic.version = 14 : i64} {
  func.func @body(%arg0: i32, %arg1: memref<2x2000x128xf32, #tpu.memory_space<vmem>>, %arg2: memref<2x2000x8xf32, #tpu.memory_space<vmem>>, %arg3: memref<2000x128xf32, #tpu.memory_space<vmem>>, %arg4: memref<128x40xf32, #tpu.memory_space<vmem>>, %arg5: memref<128x40xf32, #tpu.memory_space<vmem>>, %arg6: memref<1x40xf32, #tpu.memory_space<vmem>>, %arg7: memref<2000x48xf32, #tpu.memory_space<vmem>>, %arg8: memref<2000x40xf32, #tpu.memory_space<vmem>>, %arg9: memref<2000x8xf32, #tpu.memory_space<vmem>>) attributes {dimension_semantics = [#tpu.dimension_semantics<arbitrary>], iteration_bounds = array<i64: 5>, scalar_prefetch = 0 : i64, scratch_operands = 0 : i64, tpu.core_type = #tpu.core_type<tc>, window_params = [{transform_indices = @transform_0, window_bounds = array<i64: 2, 2000, 128>}, {transform_indices = @transform_1, window_bounds = array<i64: 2, 2000, 8>}, {transform_indices = @transform_2, window_bounds = array<i64: 2000, 128>}, {pipeline_mode = #tpu.pipeline_mode<synchronous>, transform_indices = @transform_3, window_bounds = array<i64: 128, 40>}, {pipeline_mode = #tpu.pipeline_mode<synchronous>, transform_indices = @transform_4, window_bounds = array<i64: 128, 40>}, {pipeline_mode = #tpu.pipeline_mode<synchronous>, transform_indices = @transform_5, window_bounds = array<i64: 1, 40>}, {transform_indices = @transform_6, window_bounds = array<i64: 2000, 48>}, {transform_indices = @transform_7, window_bounds = array<i64: 2000, 40>}, {transform_indices = @transform_8, window_bounds = array<i64: 2000, 8>}]} {
    %get3A = arith.constant 0 : index
    %get3A_0 = arith.constant 0 : index
    %get3A_1 = arith.constant 0 : index
    %get3A_2 = vector.load %arg1[%get3A, %get3A_0, %get3A_1] : memref<2x2000x128xf32, #tpu.memory_space<vmem>>, vector<1x2000x128xf32>
    %get3A_3 = vector.shape_cast %get3A_2 : vector<1x2000x128xf32> to vector<2000x128xf32>
    %get3A_4 = arith.constant 1 : index
    %get3A_5 = arith.constant 0 : index
    %get3A_6 = arith.constant 0 : index
    %get3A_7 = vector.load %arg1[%get3A_4, %get3A_5, %get3A_6] : memref<2x2000x128xf32, #tpu.memory_space<vmem>>, vector<1x2000x128xf32>
    %get3A_8 = vector.shape_cast %get3A_7 : vector<1x2000x128xf32> to vector<2000x128xf32>
    %add3A = arith.addf %get3A_3, %get3A_8 : vector<2000x128xf32>
    %get3A_9 = arith.constant 0 : index
    %get3A_10 = arith.constant 0 : index
    %get3A_11 = arith.constant 0 : index
    %get3A_12 = vector.load %arg2[%get3A_9, %get3A_10, %get3A_11] : memref<2x2000x8xf32, #tpu.memory_space<vmem>>, vector<1x2000x8xf32>
    %get3A_13 = vector.shape_cast %get3A_12 : vector<1x2000x8xf32> to vector<2000x8xf32>
    %get3A_14 = arith.constant 1 : index
    %get3A_15 = arith.constant 0 : index
    %get3A_16 = arith.constant 0 : index
    %get3A_17 = vector.load %arg2[%get3A_14, %get3A_15, %get3A_16] : memref<2x2000x8xf32, #tpu.memory_space<vmem>>, vector<1x2000x8xf32>
    %get3A_18 = vector.shape_cast %get3A_17 : vector<1x2000x8xf32> to vector<2000x8xf32>
    %add3A_19 = arith.addf %get3A_13, %get3A_18 : vector<2000x8xf32>
    %slice3A = vector.extract_strided_slice %add3A_19 {offsets = [0, 0], sizes = [2000, 1], strides = [1, 1]} : vector<2000x8xf32> to vector<2000x1xf32>
    %max3A = arith.constant 1.000000e+00 : f32
    %max3A_20 = vector.broadcast %max3A : f32 to vector<2000x1xf32>
    %max3A_21 = arith.maximumf %slice3A, %max3A_20 : vector<2000x1xf32>
    %div3A = arith.constant 1.000000e+00 : f32
    %div3A_22 = vector.broadcast %div3A : f32 to vector<2000x1xf32>
    %div3A_23 = arith.divf %div3A_22, %max3A_21 : vector<2000x1xf32>
    %mul3A = vector.broadcast %div3A_23 : vector<2000x1xf32> to vector<2000x128xf32>
    %mul3A_24 = arith.mulf %add3A, %mul3A : vector<2000x128xf32>
    %get3A_25 = arith.constant 0 : index
    %get3A_26 = arith.constant 0 : index
    %get3A_27 = vector.load %arg3[%get3A_25, %get3A_26] : memref<2000x128xf32, #tpu.memory_space<vmem>>, vector<2000x128xf32>
    %add3A_28 = arith.addf %mul3A_24, %get3A_27 : vector<2000x128xf32>
    %max3A_29 = arith.constant 0.000000e+00 : f32
    %max3A_30 = vector.broadcast %max3A_29 : f32 to vector<2000x128xf32>
    %max3A_31 = arith.maximumf %add3A_28, %max3A_30 : vector<2000x128xf32>
    %get3A_32 = arith.constant 0 : index
    %get3A_33 = arith.constant 0 : index
    %get3A_34 = vector.load %arg4[%get3A_32, %get3A_33] : memref<128x40xf32, #tpu.memory_space<vmem>>, vector<128x40xf32>
    %dot_general3A = arith.constant dense<0.000000e+00> : vector<2000x40xf32>
    %dot_general3A_35 = tpu.matmul %max3A_31, %get3A_34, %dot_general3A {dimension_numbers = #tpu.dot_dimension_numbers<[1], [0], [0], [1], [0, 0, 1, 1], [], []>, transpose_lhs_hint = false} : vector<2000x128xf32>, vector<128x40xf32>, vector<2000x40xf32> -> vector<2000x40xf32>
    %swap3A = arith.constant 0 : index
    %swap3A_36 = arith.constant 0 : index
    %swap3A_37 = vector.load %arg7[%swap3A, %swap3A_36] : memref<2000x48xf32, #tpu.memory_space<vmem>>, vector<2000x40xf32>
    tpu.vector_store %arg7[%swap3A, %swap3A_36], %dot_general3A_35 {strides = array<i32>} : memref<2000x48xf32, #tpu.memory_space<vmem>>, vector<2000x40xf32>,
    %broadcast_in_dim3A = arith.constant 0.000000e+00 : f32
    %broadcast_in_dim3A_38 = vector.broadcast %broadcast_in_dim3A : f32 to vector<2000x8xf32>
    %swap3A_39 = arith.constant 0 : index
    %swap3A_40 = arith.constant 40 : index
    %swap3A_41 = vector.load %arg7[%swap3A_39, %swap3A_40] : memref<2000x48xf32, #tpu.memory_space<vmem>>, vector<2000x8xf32>
    tpu.vector_store %arg7[%swap3A_39, %swap3A_40], %broadcast_in_dim3A_38 {strides = array<i32>} : memref<2000x48xf32, #tpu.memory_space<vmem>>, vector<2000x8xf32>,
    %get3A_42 = arith.constant 0 : index
    %get3A_43 = arith.constant 0 : index
    %get3A_44 = vector.load %arg5[%get3A_42, %get3A_43] : memref<128x40xf32, #tpu.memory_space<vmem>>, vector<128x40xf32>
    %dot_general3A_45 = arith.constant dense<0.000000e+00> : vector<2000x40xf32>
    %dot_general3A_46 = tpu.matmul %max3A_31, %get3A_44, %dot_general3A_45 {dimension_numbers = #tpu.dot_dimension_numbers<[1], [0], [0], [1], [0, 0, 1, 1], [], []>, transpose_lhs_hint = false} : vector<2000x128xf32>, vector<128x40xf32>, vector<2000x40xf32> -> vector<2000x40xf32>
    %get3A_47 = arith.constant 0 : index
    %get3A_48 = arith.constant 0 : index
    %get3A_49 = vector.load %arg6[%get3A_47, %get3A_48] : memref<1x40xf32, #tpu.memory_space<vmem>>, vector<1x40xf32>
    %add3A_50 = vector.broadcast %get3A_49 : vector<1x40xf32> to vector<2000x40xf32>
    %add3A_51 = arith.addf %dot_general3A_46, %add3A_50 : vector<2000x40xf32>
    %swap3A_52 = arith.constant 0 : index
    %swap3A_53 = arith.constant 0 : index
    %swap3A_54 = vector.load %arg8[%swap3A_52, %swap3A_53] : memref<2000x40xf32, #tpu.memory_space<vmem>>, vector<2000x40xf32>
    tpu.vector_store %arg8[%swap3A_52, %swap3A_53], %add3A_51 {strides = array<i32>} : memref<2000x40xf32, #tpu.memory_space<vmem>>, vector<2000x40xf32>,
    %broadcast_in_dim3A_55 = vector.shape_cast %div3A_23 : vector<2000x1xf32> to vector<2000x1xf32>
    %broadcast_in_dim3A_56 = vector.broadcast %broadcast_in_dim3A_55 : vector<2000x1xf32> to vector<2000x8xf32>
    %swap3A_57 = arith.constant 0 : index
    %swap3A_58 = arith.constant 0 : index
    %swap3A_59 = vector.load %arg9[%swap3A_57, %swap3A_58] : memref<2000x8xf32, #tpu.memory_space<vmem>>, vector<2000x8xf32>
    tpu.vector_store %arg9[%swap3A_57, %swap3A_58], %broadcast_in_dim3A_56 {strides = array<i32>} : memref<2000x8xf32, #tpu.memory_space<vmem>>, vector<2000x8xf32>,
    return
  }
  func.func @transform_0(%arg0: i32) -> (i32, i32, i32) {
    %c0_i32 = arith.constant 0 : i32
    %c0_i32_0 = arith.constant 0 : i32
    %c0_i32_1 = arith.constant 0 : i32
    return %c0_i32, %arg0, %c0_i32_0 : i32, i32, i32
  }
  func.func @transform_1(%arg0: i32) -> (i32, i32, i32) {
    %c0_i32 = arith.constant 0 : i32
    %c0_i32_0 = arith.constant 0 : i32
    %c0_i32_1 = arith.constant 0 : i32
    return %c0_i32, %arg0, %c0_i32_0 : i32, i32, i32
  }
  func.func @transform_2(%arg0: i32) -> (i32, i32) {
    %c0_i32 = arith.constant 0 : i32
    %c0_i32_0 = arith.constant 0 : i32
    return %arg0, %c0_i32 : i32, i32
  }
  func.func @transform_3(%arg0: i32) -> (i32, i32) {
    %c0_i32 = arith.constant 0 : i32
    %c0_i32_0 = arith.constant 0 : i32
    %c0_i32_1 = arith.constant 0 : i32
    return %c0_i32, %c0_i32_0 : i32, i32
  }
  func.func @transform_4(%arg0: i32) -> (i32, i32) {
    %c0_i32 = arith.constant 0 : i32
    %c0_i32_0 = arith.constant 0 : i32
    %c0_i32_1 = arith.constant 0 : i32
    return %c0_i32, %c0_i32_0 : i32, i32
  }
  func.func @transform_5(%arg0: i32) -> (i32, i32) {
    %c0_i32 = arith.constant 0 : i32
    %c0_i32_0 = arith.constant 0 : i32
    %c0_i32_1 = arith.constant 0 : i32
    return %c0_i32, %c0_i32_0 : i32, i32
  }
  func.func @transform_6(%arg0: i32) -> (i32, i32) {
    %c0_i32 = arith.constant 0 : i32
    %c0_i32_0 = arith.constant 0 : i32
    return %arg0, %c0_i32 : i32, i32
  }
  func.func @transform_7(%arg0: i32) -> (i32, i32) {
    %c0_i32 = arith.constant 0 : i32
    %c0_i32_0 = arith.constant 0 : i32
    return %arg0, %c0_i32 : i32, i32
  }
  func.func @transform_8(%arg0: i32) -> (i32, i32) {
    %c0_i32 = arith.constant 0 : i32
    %c0_i32_0 = arith.constant 0 : i32
    return %arg0, %c0_i32 : i32, i32
  }
}

module attributes {stable_mosaic.version = 14 : i64} {
  func.func @body(%arg0: i32, %arg1: memref<2x2000x48xf32, #tpu.memory_space<vmem>>, %arg2: memref<2000x8xf32, #tpu.memory_space<vmem>>, %arg3: memref<2000x40xf32, #tpu.memory_space<vmem>>, %arg4: memref<2000x40xf32, #tpu.memory_space<vmem>>) attributes {dimension_semantics = [#tpu.dimension_semantics<arbitrary>], iteration_bounds = array<i64: 5>, scalar_prefetch = 0 : i64, scratch_operands = 0 : i64, tpu.core_type = #tpu.core_type<tc>, window_params = [{transform_indices = @transform_0, window_bounds = array<i64: 2, 2000, 48>}, {transform_indices = @transform_1, window_bounds = array<i64: 2000, 8>}, {transform_indices = @transform_2, window_bounds = array<i64: 2000, 40>}, {transform_indices = @transform_3, window_bounds = array<i64: 2000, 40>}]} {
    %get3A = arith.constant 0 : index
    %get3A_0 = arith.constant 0 : index
    %get3A_1 = arith.constant 0 : index
    %get3A_2 = vector.load %arg1[%get3A, %get3A_0, %get3A_1] : memref<2x2000x48xf32, #tpu.memory_space<vmem>>, vector<1x2000x48xf32>
    %get3A_3 = vector.shape_cast %get3A_2 : vector<1x2000x48xf32> to vector<2000x48xf32>
    %get3A_4 = arith.constant 1 : index
    %get3A_5 = arith.constant 0 : index
    %get3A_6 = arith.constant 0 : index
    %get3A_7 = vector.load %arg1[%get3A_4, %get3A_5, %get3A_6] : memref<2x2000x48xf32, #tpu.memory_space<vmem>>, vector<1x2000x48xf32>
    %get3A_8 = vector.shape_cast %get3A_7 : vector<1x2000x48xf32> to vector<2000x48xf32>
    %add3A = arith.addf %get3A_3, %get3A_8 : vector<2000x48xf32>
    %slice3A = vector.extract_strided_slice %add3A {offsets = [0, 0], sizes = [2000, 40], strides = [1, 1]} : vector<2000x48xf32> to vector<2000x40xf32>
    %get3A_9 = arith.constant 0 : index
    %get3A_10 = arith.constant 0 : index
    %get3A_11 = vector.load %arg2[%get3A_9, %get3A_10] : memref<2000x8xf32, #tpu.memory_space<vmem>>, vector<2000x1xf32>
    %mul3A = vector.broadcast %get3A_11 : vector<2000x1xf32> to vector<2000x40xf32>
    %mul3A_12 = arith.mulf %slice3A, %mul3A : vector<2000x40xf32>
    %get3A_13 = arith.constant 0 : index
    %get3A_14 = arith.constant 0 : index
    %get3A_15 = vector.load %arg3[%get3A_13, %get3A_14] : memref<2000x40xf32, #tpu.memory_space<vmem>>, vector<2000x40xf32>
    %add3A_16 = arith.addf %mul3A_12, %get3A_15 : vector<2000x40xf32>
    %swap3A = arith.constant 0 : index
    %swap3A_17 = arith.constant 0 : index
    %swap3A_18 = vector.load %arg4[%swap3A, %swap3A_17] : memref<2000x40xf32, #tpu.memory_space<vmem>>, vector<2000x40xf32>
    tpu.vector_store %arg4[%swap3A, %swap3A_17], %add3A_16 {strides = array<i32>} : memref<2000x40xf32, #tpu.memory_space<vmem>>, vector<2000x40xf32>,
    return
  }
  func.func @transform_0(%arg0: i32) -> (i32, i32, i32) {
    %c0_i32 = arith.constant 0 : i32
    %c0_i32_0 = arith.constant 0 : i32
    %c0_i32_1 = arith.constant 0 : i32
    return %c0_i32, %arg0, %c0_i32_0 : i32, i32, i32
  }
  func.func @transform_1(%arg0: i32) -> (i32, i32) {
    %c0_i32 = arith.constant 0 : i32
    %c0_i32_0 = arith.constant 0 : i32
    return %arg0, %c0_i32 : i32, i32
  }
  func.func @transform_2(%arg0: i32) -> (i32, i32) {
    %c0_i32 = arith.constant 0 : i32
    %c0_i32_0 = arith.constant 0 : i32
    return %arg0, %c0_i32 : i32, i32
  }
  func.func @transform_3(%arg0: i32) -> (i32, i32) {
    %c0_i32 = arith.constant 0 : i32
    %c0_i32_0 = arith.constant 0 : i32
    return %arg0, %c0_i32 : i32, i32
  }
}

</mosaic_0001>

<sc_bundles>
// kernel: kernel.10.cloned.1.call-start
scs
__scs_entry_jumppad:
0x0: {  	(pc) =	sbr.rel $0x88, $3  }
0x1: {  	(tag) =	ssettag $0x0;
	lr =	simm.s32 $0x1  }
0x2: {  	[smem:$0x3F99] =	sst lr;
	_ =	strace $0xD0000000  }
0x3: {  	_ = 	snop  }
0x4: {  	_ = 	snop  }
0x5: {  	_ = 	snop  }
0x6: {  	_ = 	snop  }
0x7: {  	_ = 	snop  }
__scs_overlays_trampoline_lowered:
0x8: {  	[smem:$0x3FA8] =	sst s0  }
0x9: {  	[smem:$0x3FA9] =	sst s1  }
0xa: {  	[smem:$0x3FAA] =	sst s2  }
0xb: {  	[smem:$0x3FAB] =	sst s3  }
0xc: {  	[smem:$0x3FAC] =	sst s4  }
0xd: {  	[smem:$0x3FAD] =	sst s5  }
0xe: {  	[smem:$0x3FAE] =	sst s6  }
0xf: {  	[smem:$0x3FAF] =	sst s7  }
0x10: {  	[smem:$0x3FB0] =	sst s8  }
0x11: {  	[smem:$0x3FB1] =	sst s9;
	s0 =	simm.s32 @!p0 $0x0  }
0x12: {  	s1 =	sld [smem:$0x3F97];
	s0 =	simm.s32 @p0 $0x1  }
0x13: {  	[smem:$0x3FB2] =	sst s0;
	s0 =	simm.s32 @!p1 $0x0  }
0x14: {  	s2 =	sld [smem:$0x3F96];
	s0 =	simm.s32 @p1 $0x1  }
0x15: {  	[smem:$0x3FB3] =	sst s0;
	s0 =	simm.s32 @!p2 $0x0  }
0x16: {  	s3 =	sld [smem:$0x3FDB];
	s0 =	simm.s32 @p2 $0x1  }
0x17: {  	s4 =	simm.s32 $0x1BF5;
	[smem:$0x3FB5] =	sst s0  }
0x18: {  	s0 =	sld [smem:$0x3F98];
	_ =	swait.ge [sflag:s4], $0x0  }
0x19: {  	s7 =	sld [smem:$0x3F99]  }
0x1a: {  	s8 =	sadd.s32 $0xFFFFE003, lr  }
0x1b: {  	s9 =	sadd.s32 $0xFFFFFEF7, lr;
	s5 =	simm.s32 $0xFFFFFFFF;
	p2 =	slt.u32 s8, $0xFFFFF086  }
0x1c: {  	p1 =	slt.u32 s9, $0xF7A;
	s5 =	simm.s32 @!p2 $0x0  }
0x1d: {  	s5 =	simm.s32 @p1 $0x1;
	p0 =	seq.s32 s7, s2  }
0x1e: {  	s7 =	smul.u32 @!p0 $0xF7A, s2;
	p2 =	seq.s32 @!p0 s5, $0x0  }
0x1f: {  	s9 =	smul.u32 $0xF7A, s1;
	s8 =	simm.s32 @!p0 $0x1BF5;
	p2 =	por !p2, p0  }
0x20: {  	[sflag:s8] =	ssyncset.s32 @!p0 $0xFFFFF086;
	s6 =	sadd.s32 @!p0 s3, s7;
	s7 =	simm.s32 @!p0 $0x108  }
0x21: {  	s3 =	sadd.s32 s3, s9;
	s6 =	sadd.s32 @!p0 $0x88, s6;
	s7 =	simm.s32 @p2 $0x1082  }
0x22: {  	[simem:s7], [sflag:s8] =	dma.local @!p0 [hbm:s6], $0xF7A  }
0x23: {  	s9 =	sor.u32 $0xD0000000, s2;
	s6 =	simm.s32 $0x108;
	_ =	swait.ge @!p0 [sflag:s8], $0x0  }
0x24: {  	s3 =	sadd.s32 $0x88, s3;
	s6 =	simm.s32 @!p1 $0x1082;
	[sflag:s4] =	ssyncset.s32 $0xFFFFF086  }
0x25: {  	[simem:s6], [sflag:s4] =	dma.local [hbm:s3], $0xF7A  }
0x26: {  	[smem:$0x3F99] =	sst s1;
	(tag) =	ssettag s2;
	_ =	strace s9  }
0x27: {  	s1 =	sld [smem:$0x3FA9]  }
0x28: {  	s2 =	sld [smem:$0x3FAA]  }
0x29: {  	s4 =	sld [smem:$0x3FAC]  }
0x2a: {  	p0 =	seq.s32 s5, $0x0;
	s5 =	sld [smem:$0x3FAD]  }
0x2b: {  	s6 =	sld [smem:$0x3FAE]  }
0x2c: {  	s7 =	sld [smem:$0x3FAF]  }
0x2d: {  	s3 =	simm.s32 $0x108;
	s8 =	sld [smem:$0x3FB0]  }
0x2e: {  	s3 =	simm.s32 @!p0 $0x1082;
	s9 =	sld [smem:$0x3FB1]  }
0x2f: {  	lr =	sadd.s32 s0, s3;
	s0 =	sld [smem:$0x3FA8]  }
0x30: {  	s3 =	sld [smem:$0x3FAB]  }
0x31: {  	[smem:$0x3FB4] =	sst s10  }
0x32: {  	s10 =	sld [smem:$0x3FB2];
	_ =	sdelay $0x3  }
0x33: {  	p0 =	seq.s32 s10, $0x1;
	s10 =	sld [smem:$0x3FB4];
	_ =	sdelay $0x3  }
0x34: {  	[smem:$0x3FB4] =	sst s10  }
0x35: {  	s10 =	sld [smem:$0x3FB3];
	_ =	sdelay $0x3  }
0x36: {  	p1 =	seq.s32 s10, $0x1;
	s10 =	sld [smem:$0x3FB4];
	_ =	sdelay $0x3  }
0x37: {  	[smem:$0x3FB4] =	sst s10  }
0x38: {  	s10 =	sld [smem:$0x3FB5]  }
0x39: {  	_ = 	snop;
	(pc) =	sbr.ind lr, $3  }
0x3a: {  	_ = 	snop  }
0x3b: {  	_ = 	snop  }
0x3c: {  	p2 =	seq.s32 s10, $0x1;
	s10 =	sld [smem:$0x3FB4]  }
0x3d: {  	_ =	shalt  }
0x3e: {  	_ =	shalt  }
0x3f: {  	_ =	shalt  }
0x40: {  	_ =	shalt  }
0x41: {  	_ =	shalt  }
0x42: {  	_ =	shalt  }
0x43: {  	_ =	shalt  }
0x44: {  	_ =	shalt  }
0x45: {  	_ =	shalt  }
0x46: {  	_ =	shalt  }
0x47: {  	_ =	shalt  }
0x48: {  	_ =	shalt  }
0x49: {  	_ =	shalt  }
0x4a: {  	_ =	shalt  }
0x4b: {  	_ =	shalt  }
0x4c: {  	_ =	shalt  }
0x4d: {  	_ =	shalt  }
0x4e: {  	_ =	shalt  }
0x4f: {  	_ =	shalt  }
0x50: {  	_ =	shalt  }
0x51: {  	_ =	shalt  }
0x52: {  	_ =	shalt  }
0x53: {  	_ =	shalt  }
0x54: {  	_ =	shalt  }
0x55: {  	_ =	shalt  }
0x56: {  	_ =	shalt  }
0x57: {  	_ =	shalt  }
0x58: {  	_ =	shalt  }
0x59: {  	_ =	shalt  }
0x5a: {  	_ =	shalt  }
0x5b: {  	_ =	shalt  }
0x5c: {  	_ =	shalt  }
0x5d: {  	_ =	shalt  }
0x5e: {  	_ =	shalt  }
0x5f: {  	_ =	shalt  }
0x60: {  	_ =	shalt  }
0x61: {  	_ =	shalt  }
0x62: {  	_ =	shalt  }
0x63: {  	_ =	shalt  }
0x64: {  	_ =	shalt  }
0x65: {  	_ =	shalt  }
0x66: {  	_ =	shalt  }
0x67: {  	_ =	shalt  }
0x68: {  	_ =	shalt  }
0x69: {  	_ =	shalt  }
0x6a: {  	_ =	shalt  }
0x6b: {  	_ =	shalt  }
0x6c: {  	_ =	shalt  }
0x6d: {  	_ =	shalt  }
0x6e: {  	_ =	shalt  }
0x6f: {  	_ =	shalt  }
0x70: {  	_ =	shalt  }
0x71: {  	_ =	shalt  }
0x72: {  	_ =	shalt  }
0x73: {  	_ =	shalt  }
0x74: {  	_ =	shalt  }
0x75: {  	_ =	shalt  }
0x76: {  	_ =	shalt  }
0x77: {  	_ =	shalt  }
0x78: {  	_ =	shalt  }
0x79: {  	_ =	shalt  }
0x7a: {  	_ =	shalt  }
0x7b: {  	_ =	shalt  }
0x7c: {  	_ =	shalt  }
0x7d: {  	_ =	shalt  }
0x7e: {  	_ =	shalt  }
0x7f: {  	_ =	shalt  }
0x80: {  	_ =	shalt  }
0x81: {  	_ =	shalt  }
0x82: {  	_ =	shalt  }
0x83: {  	_ =	shalt  }
0x84: {  	_ =	shalt  }
0x85: {  	_ =	shalt  }
0x86: {  	_ =	shalt  }
0x87: {  	_ =	shalt  }
.Lfunc_end0:
.L_simem_size_0:
called_computation.1_lowered:
.L_overlay_start_0:
0x88: {  	s2 =	sld [smem:$0x3FD9]  }
0x89: {  	s3 =	sld [smem:$0x3FFE];
	_ =	sdelay $0x1  }
0x8a: {  	s1 =	srdreg.scid  }
0x8b: {  	s0 =	sand.u32 $0x1, s1  }
0x8c: {  	s14 =	sshll.u32 s0, $0xA;
	s2 =	sadd.s32 s3, s2  }
0x8d: {  	s2 =	sadd.s32 s2, s14  }
0x8e: {  	[smem:$0x3FC0] =	sst s2  }
0x8f: {  	_ = 	snop  }
0x90: {  	s2 =	sld [smem:$0x3FD0];
	_ =	sdelay $0x2  }
0x91: {  	s15 =	simm.s32 $0xA;
	s4 =	simm.s32 $0x10  }
0x92: {  	[smem:s4], [sflag:s15] =	dma.local [hbm:s2], $0x1  }
0x93: {  	_ =	swait.eq [sflag:s15], $0x1  }
0x94: {  	[sflag:s15] =	ssyncset.done $0x0  }
0x95: {  	s16 =	sld [smem:$0x10];
	[sflag:s15] =	ssyncadd.s32 $0xFFFFFFFF  }
0x96: {  	s17 =	sld [smem:$0x11];
	(tm) =	ssettm $0x1  }
0x97: {  	s18 =	sld [smem:$0x3FFB];
	_ =	sdelay $0x3  }
0x98: {  	_ =	strace s18  }
0x99: {  	s4 =	sld [smem:$0x3FFC];
	_ =	sdelay $0x3  }
0x9a: {  	_ =	strace s4  }
0x9b: {  	s4 =	sld [smem:$0x3FFD];
	_ =	sdelay $0x3  }
0x9c: {  	_ =	strace s4  }
0x9d: {  	_ =	strace $0x8FFFFFFF  }
0x9e: {  	s19 =	sld [smem:$0x3FDB];
	_ =	sdelay $0x1  }
0x9f: {  	s5 =	simm.s32 $_scs_section_size  }
0xa0: {  	s6 =	simm.s32 $_size__tile_overlayer_lowered;
	s7 =	simm.s32 $_tile_overlayer_lowered  }
0xa1: {  	s22 =	simm.s32 $0x1BFF;
	s21 =	sshll.u32 s7, $0x1;
	s4 =	sadd.s32 s5, s19  }
0xa2: {  	s8 =	simm.s32 $0x0;
	s20 =	sshll.u32 s6, $0x1;
	s6 =	sadd.s32 s21, s4  }
0xa3: {  	[timem:s8], [sflag:s22] =	dma.local [hbm:s6], s20  }
0xa4: {  	_ =	swait.ge [sflag:s22], s20  }
0xa5: {  	s5 =	ssub.s32 $0x0, s20;
	[sflag:s22] =	ssyncset.done $0x0  }
0xa6: {  	[sflag:s22] =	ssyncadd.s32 s5;
	_ =	sdelay $0x1  }
0xa7: {  	s23 =	simm.s32 $0x1B8B  }
0xa8: {  	_ =	swait.ge [sflag:s23], $0x1  }
0xa9: {  	[sflag:s23] =	ssyncset.done $0x0  }
0xaa: {  	s25 =	simm.s32 $0x1B8E;
	s24 =	sld [smem:$0x3FFE];
	[sflag:s23] =	ssyncadd.s32 $0xFFFFFFFF  }
0xab: {  	s26 =	simm.s32 $execute0_lowered;
	[smem:$0x3FD2] =	sst s25  }
0xac: {  	s6 =	sshll.u32 s26, $0x1;
	_ =	strace $0x80000049;
	[dreg:$0x1] =	wrdreg $0xFFFFFFFF  }
0xad: {  	s28 =	simm.s32 $_size_execute0_lowered;
	s4 =	sadd.s32 s4, s6;
	[dreg:$0x0] =	wrdreg $0x0  }
0xae: {  	s6 =	sshll.u32 s28, $0x1;
	[dreg:$0x2] =	wrdreg s4  }
0xaf: {  	[dreg:$0x3] =	wrdreg s6  }
0xb0: {  	[dreg:$0x4] =	wrdreg $0xC0  }
0xb1: {  	_ =	task [dreg:s8], $0x5FFFF  }
0xb2: {  	[dreg:$0x1] =	wrdreg $0xFFFFFFFF  }
0xb3: {  	[dreg:$0x0] =	wrdreg $0x60  }
0xb4: {  	[dreg:$0x2] =	wrdreg s17  }
0xb5: {  	[dreg:$0x3] =	wrdreg s16  }
0xb6: {  	[dreg:$0x4] =	wrdreg s24  }
0xb7: {  	[dreg:$0x5] =	wrdreg $0x0  }
0xb8: {  	[dreg:$0x6] =	wrdreg $0x9  }
0xb9: {  	_ =	task.clear_ibuf [dreg:s8], $0x7FFFF;
	_ =	strace $0x90000049  }
0xba: {  	s29 =	simm.s32 $0x9;
	_ =	strace $0x8000004B  }
0xbb: {  	_ =	swait.ge [sflag:s29], $0x1  }
0xbc: {  	[sflag:s29] =	ssyncadd.s32 $0xFFFFFFFF  }
0xbd: {  	_ =	strace $0x9000004B  }
0xbe: {  	_ =	sfence  }
0xbf: {  	s30 =	sld [smem:$0x0];
	_ =	sdelay $0x2  }
0xc0: {  	s31 =	sshll.u32 s1, $0xD;
	s1 =	sshrl.u32 s1, $0x2  }
0xc1: {  	s3 =	sand.u32 $0x4000, s31;
	s1 =	sadd.s32 s1, s30  }
0xc2: {  	s0 =	sor.u32 s3, s0;
	s1 =	sshll.u32 s1, $0x11  }
0xc3: {  	s0 =	sor.u32 s1, s0  }
0xc4: {  	s0 =	sadd.s32 $0x8F2B, s0  }
0xc5: {  	[sflag:s0] =	ssyncadd.remote.s32 $0x1  }
0xc6: {  	_ =	sfence.sel $0xFFFF  }
0xc7: {  	[dreg:$0x0] =	wrdreg $0xFFFFFFFF;
	(pc) =	sbr.abs _section_cstart, $3  }
0xc8: {  	[dreg:$0x1] =	wrdreg $0xFFFFFFFF  }
0xc9: {  	_ =	task.clear_ibuf [dreg:s8], $0x2FFFF;
	_ =	strace $0x9FFFFFFF  }
0xca: {  	(tm) =	ssettm $0x7FFFFFFF  }
0xcb: {  	_ =	shalt  }
tec
execute0_lowered:
.L_overlay_start_1:
0x0: {  	(tag) =	ssettag $0x1  }
0x1: {  	s1 =	rddreg [dreg:$0x0]  }
0x2: {  	s0 =	rddreg [dreg:$0x1]  }
0x3: {  	s2 =	rddreg [dreg:$0x2]  }
0x4: {  	s3 =	srdreg.scid;
	s11 =	stileid.u32;
	s12 =	simm.s32 $0x12  }
0x5: {  	s15 =	simm.s32 $0x3;
	s16 =	simm.s32 $0x7800;
	s17 =	simm.s32 $0x7C00  }
0x6: {  	s18 =	simm.s32 $0x80;
	s26 =	simm.s32 $0x7880;
	s28 =	simm.s32 $0x7D00  }
0x7: {  	s29 =	simm.s32 $0x7A00;
	s30 =	simm.s32 $0x7D80;
	s31 =	simm.s32 $0x7A80  }
0x8: {  	s5 =	sand.u32 $0x1, s3;
	s6 =	smul.u32 $0x90, s11;
	s4 =	sshll.u32 s11, $0x4  }
0x9: {  	s3 =	rddreg [dreg:$0x3];
	s8 =	sadd.s32 $0xBA00, s2;
	s9 =	smul.u32 $0x7800, s11  }
0xa: {  	s21 =	sshll.u32 s11, $0x6;
	p0 =	seq.s32 s5, $0x0;
	s7 =	sor.u32 $0x900, s4  }
0xb: {  	s4 =	simm.s32 $0x0;
	s19 =	ssub.s32 $0x2, s5;
	s5 =	smul.u32 $0x75300, s5  }
0xc: {  	s7 =	smov.u32 @p0 s6;
	[smem:$0x7FF] =	sst s4;
	s10 =	sshrl.u32 s19, $0x1  }
0xd: {  	s12 =	simm.s32 @!p0 $0x2;
	s20 =	sadd.s32 s9, s3;
	p0 =	seq.s32 s11, $0xF  }
0xe: {  	s11 =	simm.s32 $0x0;
	_ =	strace $0x8000004A;
	[dreg:$0x6] =	wrdreg s8  }
0xf: {  	s6 =	sshll.u32 s7, $0x4;
	s10 =	ssub.s32 s19, s10;
	[dreg:$0x7] =	wrdreg s12  }
0x10: {  	s9 =	sadd.s32 s9, s5;
	s5 =	sshrl.u32 s5, $0x3;
	s8 =	sor.u32 $0x1C03, s21  }
0x11: {  	[dreg:$0x8] =	wrdreg s20;
	s25 =	sshrl.u32 s20, $0x3;
	s19 =	simm.s32 $0x8000  }
0x12: {  	[dreg:$0x5] =	wrdreg s26;
	s20 =	simm.s32 $0x9800;
	s21 =	simm.s32 $0x1  }
0x13: {  	s26 =	simm.s32 $0x7980;
	s7 =	sadd.s32 s6, s2;
	s2 =	sadd.s32 $0xCA00, s2  }
0x14: {  	s9 =	sshrl.u32 s9, $0x3;
	s23 =	smax.u32 s10, $0x1;
	s6 =	sadd.s32 s6, s0  }
0x15: {  	[dreg:$0xd] =	wrdreg s25;
	s10 =	simm.s32 $0x7F00;
	s5 =	sadd.s32 s2, s5  }
0x16: {  	s2 =	sadd.s32 s2, s9;
	[dreg:$0xb] =	wrdreg s23;
	s24 =	sadd.s32 $0x1A00, s7  }
0x17: {  	s23 =	simm.s32 $0x2;
	s9 =	simm.s32 $0x7B80;
	s7 =	simm.s32 $0x7F80  }
0x18: {  	[dreg:$0x9] =	wrdreg s2;
	s22 =	sadd.s32 $0xE100, s5;
	s2 =	sadd.s32 $0x70800, s3  }
0x19: {  	[dreg:$0xc] =	wrdreg s24;
	s24 =	simm.s32 $0x7C80;
	s5 =	simm.s32 $0x7E80  }
0x1a: {  	[dreg:$0xa] =	wrdreg s22;
	s22 =	simm.s32 $0x7900;
	s0 =	sshrl.u32 @p0 s2, $0x3  }
0x1b: {  	s2 =	simm.s32 $0x7E00;
	[dreg:$0xe] =	wrdreg s0;
	s0 =	simm.s32 $0x7B00  }
.LBB2_1:
0x1c: {  	s12 =	rddreg [dreg:$0x6]  }
0x1d: {  	s13 =	rddreg [dreg:$0xd]  }
0x1e: {  	[spmem:s13], [sflag:s8] =	dma.local [hbm:s12], $0xF00  }
0x1f: {  	_ =	swait.ge [sflag:s15], $0xF00  }
0x20: {  	[sflag:s15] =	ssyncset.done $0x0  }
0x21: {  	[sflag:s15] =	ssyncadd.s32 $0xFFFFF100  }
0x22: {  	[bflag:$0x0] =	sbarrier.arrive $0xFFFF  }
0x23: {  	[tilespmem:s16], [sflag:$0x3] =	stream.linear.gather [hbm4b:s6+s4], $0x400, $0x38;
	[tilespmem:$0xB000] =	vst v63  }
0x24: {  	_ =	swait.ge [sflag:s15], $0x400  }
0x25: {  	[sflag:s15] =	ssyncset.done $0x0  }
0x26: {  	s13 =	rddreg [dreg:$0xc];
	[sflag:s15] =	ssyncadd.s32 $0xFFFFFC00  }
0x27: {  	[tilespmem:s17], [sflag:$0x3] =	stream.linear.gather [hbm4b:s13+s4], $0x400, $0x38;
	[tilespmem:$0xB000] =	vst v63  }
0x28: {  	_ =	swait.ge [sflag:s15], $0x400  }
0x29: {  	[sflag:s15] =	ssyncset.done $0x0  }
0x2a: {  	[sflag:s15] =	ssyncadd.s32 $0xFFFFFC00  }
0x2b: {  	[tilespmem:s19], [sflag:$0x1] =	stream.indirect.gather [hbm4b:s1+s18], $0x30, s16, s18, $0xb8;
	[tilespmem:$0xB000] =	vst v63  }
0x2c: {  	s14 =	rddreg [dreg:$0x5]  }
0x2d: {  	[tilespmem:s20], [sflag:$0x2] =	stream.indirect.gather [hbm4b:s1+s18], $0x30, s14, s18, $0xb8;
	[tilespmem:$0xB000] =	vst v63  }
0x2e: {  	_ =	swait.ge [sflag:s21], $0x1800  }
0x2f: {  	[sflag:s21] =	ssyncset.done $0x0  }
0x30: {  	[sflag:s21] =	ssyncadd.s32 $0xFFFFE800  }
0x31: {  	[spmem:s3] =	stream.indirect.scatter.add.f32 [tilespmem:s19], [sflag:$0x3], $0x30, s17, s18, $0xb8;
	[tilespmem:$0xB000] =	vst v63  }
0x32: {  	_ =	swait.ge [sflag:s15], $0x1800  }
0x33: {  	[sflag:s15] =	ssyncset.done $0x0  }
0x34: {  	[sflag:s15] =	ssyncadd.s32 $0xFFFFE800  }
0x35: {  	[tilespmem:s19], [sflag:$0x1] =	stream.indirect.gather [hbm4b:s1+s18], $0x30, s22, s18, $0xb8;
	[tilespmem:$0xB000] =	vst v63  }
0x36: {  	_ =	swait.ge [sflag:s23], $0x1800  }
0x37: {  	[sflag:s23] =	ssyncset.done $0x0  }
0x38: {  	[sflag:s23] =	ssyncadd.s32 $0xFFFFE800  }
0x39: {  	[spmem:s3] =	stream.indirect.scatter.add.f32 [tilespmem:s20], [sflag:$0x3], $0x30, s24, s18, $0xb8;
	[tilespmem:$0xB000] =	vst v63  }
0x3a: {  	_ =	swait.ge [sflag:s15], $0x1800  }
0x3b: {  	[sflag:s15] =	ssyncset.done $0x0  }
0x3c: {  	[sflag:s15] =	ssyncadd.s32 $0xFFFFE800  }
0x3d: {  	[tilespmem:s20], [sflag:$0x2] =	stream.indirect.gather [hbm4b:s1+s18], $0x30, s26, s18, $0xb8;
	[tilespmem:$0xB000] =	vst v63  }
0x3e: {  	_ =	swait.ge [sflag:s21], $0x1800  }
0x3f: {  	[sflag:s21] =	ssyncset.done $0x0  }
0x40: {  	[sflag:s21] =	ssyncadd.s32 $0xFFFFE800  }
0x41: {  	[spmem:s3] =	stream.indirect.scatter.add.f32 [tilespmem:s19], [sflag:$0x3], $0x30, s28, s18, $0xb8;
	[tilespmem:$0xB000] =	vst v63  }
0x42: {  	_ =	swait.ge [sflag:s15], $0x1800  }
0x43: {  	[sflag:s15] =	ssyncset.done $0x0  }
0x44: {  	[sflag:s15] =	ssyncadd.s32 $0xFFFFE800  }
0x45: {  	[tilespmem:s19], [sflag:$0x1] =	stream.indirect.gather [hbm4b:s1+s18], $0x30, s29, s18, $0xb8;
	[tilespmem:$0xB000] =	vst v63  }
0x46: {  	_ =	swait.ge [sflag:s23], $0x1800  }
0x47: {  	[sflag:s23] =	ssyncset.done $0x0  }
0x48: {  	[sflag:s23] =	ssyncadd.s32 $0xFFFFE800  }
0x49: {  	[spmem:s3] =	stream.indirect.scatter.add.f32 [tilespmem:s20], [sflag:$0x3], $0x30, s30, s18, $0xb8;
	[tilespmem:$0xB000] =	vst v63  }
0x4a: {  	_ =	swait.ge [sflag:s15], $0x1800  }
0x4b: {  	[sflag:s15] =	ssyncset.done $0x0  }
0x4c: {  	[sflag:s15] =	ssyncadd.s32 $0xFFFFE800  }
0x4d: {  	[tilespmem:s20], [sflag:$0x2] =	stream.indirect.gather [hbm4b:s1+s18], $0x30, s31, s18, $0xb8;
	[tilespmem:$0xB000] =	vst v63  }
0x4e: {  	_ =	swait.ge [sflag:s21], $0x1800  }
0x4f: {  	[sflag:s21] =	ssyncset.done $0x0  }
0x50: {  	[sflag:s21] =	ssyncadd.s32 $0xFFFFE800  }
0x51: {  	[spmem:s3] =	stream.indirect.scatter.add.f32 [tilespmem:s19], [sflag:$0x3], $0x30, s2, s18, $0xb8;
	[tilespmem:$0xB000] =	vst v63  }
0x52: {  	_ =	swait.ge [sflag:s15], $0x1800  }
0x53: {  	[sflag:s15] =	ssyncset.done $0x0  }
0x54: {  	[sflag:s15] =	ssyncadd.s32 $0xFFFFE800  }
0x55: {  	[tilespmem:s19], [sflag:$0x1] =	stream.indirect.gather [hbm4b:s1+s18], $0x30, s0, s18, $0xb8;
	[tilespmem:$0xB000] =	vst v63  }
0x56: {  	_ =	swait.ge [sflag:s23], $0x1800  }
0x57: {  	[sflag:s23] =	ssyncset.done $0x0  }
0x58: {  	[sflag:s23] =	ssyncadd.s32 $0xFFFFE800  }
0x59: {  	[spmem:s3] =	stream.indirect.scatter.add.f32 [tilespmem:s20], [sflag:$0x3], $0x30, s5, s18, $0xb8;
	[tilespmem:$0xB000] =	vst v63  }
0x5a: {  	_ =	swait.ge [sflag:s15], $0x1800  }
0x5b: {  	[sflag:s15] =	ssyncset.done $0x0  }
0x5c: {  	[sflag:s15] =	ssyncadd.s32 $0xFFFFE800  }
0x5d: {  	[tilespmem:s20], [sflag:$0x2] =	stream.indirect.gather [hbm4b:s1+s18], $0x30, s9, s18, $0xb8;
	[tilespmem:$0xB000] =	vst v63  }
0x5e: {  	_ =	swait.ge [sflag:s21], $0x1800  }
0x5f: {  	[sflag:s21] =	ssyncset.done $0x0  }
0x60: {  	[sflag:s21] =	ssyncadd.s32 $0xFFFFE800  }
0x61: {  	[spmem:s3] =	stream.indirect.scatter.add.f32 [tilespmem:s19], [sflag:$0x3], $0x30, s10, s18, $0xb8;
	[tilespmem:$0xB000] =	vst v63  }
0x62: {  	_ =	swait.ge [sflag:s15], $0x1800  }
0x63: {  	[sflag:s15] =	ssyncset.done $0x0  }
0x64: {  	[sflag:s15] =	ssyncadd.s32 $0xFFFFE800  }
0x65: {  	_ =	swait.ge [sflag:s23], $0x1800  }
0x66: {  	s25 =	rddreg [dreg:$0x7]  }
0x67: {  	p1 =	sne.s32 s25, $0x1  }
.Ltmp0:
0x68: {  	[sflag:s23] =	ssyncset.done $0x0;
	(pc) =	sbr.rel @!p1 .LBB2_3-.Ltmp0, $4  }
0x69: {  	[sflag:s23] =	ssyncadd.s32 $0xFFFFE800  }
0x6a: {  	[spmem:s3] =	stream.indirect.scatter.add.f32 [tilespmem:s20], [sflag:$0x3], $0x30, s7, s18, $0xb8;
	[tilespmem:$0xB000] =	vst v63  }
0x6b: {  	s12 =	smov.u32 s13;
	_ =	swait.ge [sflag:s15], $0x1800  }
0x6c: {  	s13 =	smov.u32 s6;
	s14 =	sadd.s32 $0xFFFFFFFF, s25;
	[sflag:s15] =	ssyncset.done $0x0  }
.LBB2_2:
0x6d: {  	[sflag:s15] =	ssyncadd.s32 $0xFFFFE800;
	s13 =	sadd.s32 $0x80, s13  }
0x6e: {  	[tilespmem:s16], [sflag:$0x3] =	stream.linear.gather [hbm4b:s13+s4], $0x400, $0x38;
	[tilespmem:$0xB000] =	vst v63  }
0x6f: {  	_ =	swait.ge [sflag:s15], $0x400  }
0x70: {  	[sflag:s15] =	ssyncset.done $0x0  }
0x71: {  	s12 =	sadd.s32 $0x80, s12;
	[sflag:s15] =	ssyncadd.s32 $0xFFFFFC00  }
0x72: {  	[tilespmem:s17], [sflag:$0x3] =	stream.linear.gather [hbm4b:s12+s4], $0x400, $0x38;
	[tilespmem:$0xB000] =	vst v63  }
0x73: {  	_ =	swait.ge [sflag:s15], $0x400  }
0x74: {  	[sflag:s15] =	ssyncset.done $0x0  }
0x75: {  	[sflag:s15] =	ssyncadd.s32 $0xFFFFFC00  }
0x76: {  	[tilespmem:s19], [sflag:$0x1] =	stream.indirect.gather [hbm4b:s1+s18], $0x30, s16, s18, $0xb8;
	[tilespmem:$0xB000] =	vst v63  }
0x77: {  	s25 =	rddreg [dreg:$0x5]  }
0x78: {  	[tilespmem:s20], [sflag:$0x2] =	stream.indirect.gather [hbm4b:s1+s18], $0x30, s25, s18, $0xb8;
	[tilespmem:$0xB000] =	vst v63  }
0x79: {  	_ =	swait.ge [sflag:s21], $0x1800  }
0x7a: {  	[sflag:s21] =	ssyncset.done $0x0  }
0x7b: {  	[sflag:s21] =	ssyncadd.s32 $0xFFFFE800  }
0x7c: {  	[spmem:s3] =	stream.indirect.scatter.add.f32 [tilespmem:s19], [sflag:$0x3], $0x30, s17, s18, $0xb8;
	[tilespmem:$0xB000] =	vst v63  }
0x7d: {  	_ =	swait.ge [sflag:s15], $0x1800  }
0x7e: {  	[sflag:s15] =	ssyncset.done $0x0  }
0x7f: {  	[sflag:s15] =	ssyncadd.s32 $0xFFFFE800  }
0x80: {  	[tilespmem:s19], [sflag:$0x1] =	stream.indirect.gather [hbm4b:s1+s18], $0x30, s22, s18, $0xb8;
	[tilespmem:$0xB000] =	vst v63  }
0x81: {  	_ =	swait.ge [sflag:s23], $0x1800  }
0x82: {  	[sflag:s23] =	ssyncset.done $0x0  }
0x83: {  	[sflag:s23] =	ssyncadd.s32 $0xFFFFE800  }
0x84: {  	[spmem:s3] =	stream.indirect.scatter.add.f32 [tilespmem:s20], [sflag:$0x3], $0x30, s24, s18, $0xb8;
	[tilespmem:$0xB000] =	vst v63  }
0x85: {  	_ =	swait.ge [sflag:s15], $0x1800  }
0x86: {  	[sflag:s15] =	ssyncset.done $0x0  }
0x87: {  	[sflag:s15] =	ssyncadd.s32 $0xFFFFE800  }
0x88: {  	[tilespmem:s20], [sflag:$0x2] =	stream.indirect.gather [hbm4b:s1+s18], $0x30, s26, s18, $0xb8;
	[tilespmem:$0xB000] =	vst v63  }
0x89: {  	_ =	swait.ge [sflag:s21], $0x1800  }
0x8a: {  	[sflag:s21] =	ssyncset.done $0x0  }
0x8b: {  	[sflag:s21] =	ssyncadd.s32 $0xFFFFE800  }
0x8c: {  	[spmem:s3] =	stream.indirect.scatter.add.f32 [tilespmem:s19], [sflag:$0x3], $0x30, s28, s18, $0xb8;
	[tilespmem:$0xB000] =	vst v63  }
0x8d: {  	_ =	swait.ge [sflag:s15], $0x1800  }
0x8e: {  	[sflag:s15] =	ssyncset.done $0x0  }
0x8f: {  	[sflag:s15] =	ssyncadd.s32 $0xFFFFE800  }
0x90: {  	[tilespmem:s19], [sflag:$0x1] =	stream.indirect.gather [hbm4b:s1+s18], $0x30, s29, s18, $0xb8;
	[tilespmem:$0xB000] =	vst v63  }
0x91: {  	_ =	swait.ge [sflag:s23], $0x1800  }
0x92: {  	[sflag:s23] =	ssyncset.done $0x0  }
0x93: {  	[sflag:s23] =	ssyncadd.s32 $0xFFFFE800  }
0x94: {  	[spmem:s3] =	stream.indirect.scatter.add.f32 [tilespmem:s20], [sflag:$0x3], $0x30, s30, s18, $0xb8;
	[tilespmem:$0xB000] =	vst v63  }
0x95: {  	_ =	swait.ge [sflag:s15], $0x1800  }
0x96: {  	[sflag:s15] =	ssyncset.done $0x0  }
0x97: {  	[sflag:s15] =	ssyncadd.s32 $0xFFFFE800  }
0x98: {  	[tilespmem:s20], [sflag:$0x2] =	stream.indirect.gather [hbm4b:s1+s18], $0x30, s31, s18, $0xb8;
	[tilespmem:$0xB000] =	vst v63  }
0x99: {  	_ =	swait.ge [sflag:s21], $0x1800  }
0x9a: {  	[sflag:s21] =	ssyncset.done $0x0  }
0x9b: {  	[sflag:s21] =	ssyncadd.s32 $0xFFFFE800  }
0x9c: {  	[spmem:s3] =	stream.indirect.scatter.add.f32 [tilespmem:s19], [sflag:$0x3], $0x30, s2, s18, $0xb8;
	[tilespmem:$0xB000] =	vst v63  }
0x9d: {  	_ =	swait.ge [sflag:s15], $0x1800  }
0x9e: {  	[sflag:s15] =	ssyncset.done $0x0  }
0x9f: {  	[sflag:s15] =	ssyncadd.s32 $0xFFFFE800  }
0xa0: {  	[tilespmem:s19], [sflag:$0x1] =	stream.indirect.gather [hbm4b:s1+s18], $0x30, s0, s18, $0xb8;
	[tilespmem:$0xB000] =	vst v63  }
0xa1: {  	_ =	swait.ge [sflag:s23], $0x1800  }
0xa2: {  	[sflag:s23] =	ssyncset.done $0x0  }
0xa3: {  	[sflag:s23] =	ssyncadd.s32 $0xFFFFE800  }
0xa4: {  	[spmem:s3] =	stream.indirect.scatter.add.f32 [tilespmem:s20], [sflag:$0x3], $0x30, s5, s18, $0xb8;
	[tilespmem:$0xB000] =	vst v63  }
0xa5: {  	_ =	swait.ge [sflag:s15], $0x1800  }
0xa6: {  	[sflag:s15] =	ssyncset.done $0x0  }
0xa7: {  	[sflag:s15] =	ssyncadd.s32 $0xFFFFE800  }
0xa8: {  	[tilespmem:s20], [sflag:$0x2] =	stream.indirect.gather [hbm4b:s1+s18], $0x30, s9, s18, $0xb8;
	[tilespmem:$0xB000] =	vst v63  }
0xa9: {  	_ =	swait.ge [sflag:s21], $0x1800  }
0xaa: {  	[sflag:s21] =	ssyncset.done $0x0  }
0xab: {  	[sflag:s21] =	ssyncadd.s32 $0xFFFFE800  }
0xac: {  	[spmem:s3] =	stream.indirect.scatter.add.f32 [tilespmem:s19], [sflag:$0x3], $0x30, s10, s18, $0xb8;
	[tilespmem:$0xB000] =	vst v63  }
0xad: {  	_ =	swait.ge [sflag:s15], $0x1800  }
0xae: {  	[sflag:s15] =	ssyncset.done $0x0  }
0xaf: {  	[sflag:s15] =	ssyncadd.s32 $0xFFFFE800  }
0xb0: {  	p1 =	sne.s32 s14, $0x1;
	_ =	swait.ge [sflag:s23], $0x1800  }
.Ltmp1:
0xb1: {  	[sflag:s23] =	ssyncset.done $0x0;
	(pc) =	sbr.rel @p1 .LBB2_2-.Ltmp1, $4  }
0xb2: {  	[sflag:s23] =	ssyncadd.s32 $0xFFFFE800  }
0xb3: {  	[spmem:s3] =	stream.indirect.scatter.add.f32 [tilespmem:s20], [sflag:$0x3], $0x30, s7, s18, $0xb8;
	[tilespmem:$0xB000] =	vst v63  }
0xb4: {  	_ =	swait.ge [sflag:s15], $0x1800  }
0xb5: {  	s14 =	sadd.s32 $0xFFFFFFFF, s14;
	[sflag:s15] =	ssyncset.done $0x0  }
.LBB2_3:
0xb6: {  	[sflag:s15] =	ssyncadd.s32 $0xFFFFE800  }
0xb7: {  	[bflag:$0x0] =	sbarrier.arrive $0xFFFF  }
0xb8: {  	s12 =	rddreg [dreg:$0xa]  }
0xb9: {  	s13 =	rddreg [dreg:$0xe]  }
0xba: {  	[hbm:s12], [sflag:s8] =	dma.local @p0 [spmem:s13], $0x960  }
0xbb: {  	s12 =	simm.s32 @p0 $0x3  }
0xbc: {  	_ =	swait.ge @p0 [sflag:s12], $0x960  }
0xbd: {  	[sflag:s12] =	ssyncset.done @p0 $0x0  }
0xbe: {  	[sflag:s12] =	ssyncadd.s32 @p0 $0xFFFFF6A0;
	s12 =	rddreg [dreg:$0x8]  }
0xbf: {  	s13 =	rddreg [dreg:$0x9];
	s12 =	sshrl.u32 @!p0 s12, $0x3  }
0xc0: {  	[hbm:s13], [sflag:s8] =	dma.local @!p0 [spmem:s12], $0xF00  }
0xc1: {  	s12 =	simm.s32 @!p0 $0x3  }
0xc2: {  	_ =	swait.ge @!p0 [sflag:s12], $0xF00  }
0xc3: {  	s11 =	sadd.s32 $0x1, s11;
	s25 =	rddreg [dreg:$0xb]  }
0xc4: {  	p1 =	sne.s32 s11, s25  }
.Ltmp2:
0xc5: {  	_ = 	snop;
	(pc) =	sbr.rel @p1 .LBB2_1-.Ltmp2, $3  }
0xc6: {  	_ =	sdelay $0x1  }
0xc7: {  	[sflag:s12] =	ssyncset.done @!p0 $0x0  }
0xc8: {  	[sflag:s12] =	ssyncadd.s32 @!p0 $0xFFFFF100  }
0xc9: {  	_ =	sfence.sel $0x180000  }
0xca: {  	[bflag:$0x0] =	sbarrier.arrive $0xFFFF  }
0xcb: {  	_ =	strace $0x9000004A  }
0xcc: {  	s0 =	stileid.u32;
	[bflag:$0x2] =	sbarrier.arrive $0xFFFF  }
0xcd: {  	p0 =	sne.s32 s0, $0x0;
	s0 =	rddreg [dreg:$0x4]  }
0xce: {  	s0 =	sadd.s32 @!p0 $0x100000, s0  }
0xcf: {  	[sflag:s0] =	ssyncadd.tile.s32 @!p0 $0x1;
	_ =	shalt  }
.Lfunc_end2:
_tile_overlayer_lowered:
.L_overlay_start_2:
0xd0: {  	(tag) =	ssettag $0x2  }
0xd1: {  	s0 =	rddreg [dreg:$0x0];
	s2 =	stileid.u32  }
0xd2: {  	s1 =	rddreg [dreg:$0x1];
	p0 =	sne.s32 s2, $0x0  }
0xd3: {  	s3 =	rddreg [dreg:$0x2];
	[bflag:$0x3] =	sbarrier.arrive $0xFFFF;
	s2 =	simm.s32 @!p0 $0x1C03  }
0xd4: {  	[timem:s3], [sflag:s2] =	dma.local @!p0 [hbm:s0], s1  }
0xd5: {  	s0 =	simm.s32 @!p0 $0x3  }
0xd6: {  	_ =	swait.ge @!p0 [sflag:s0], s1  }
0xd7: {  	s1 =	ssub.s32 @!p0 $0x0, s1;
	[sflag:s0] =	ssyncset.done @!p0 $0x0  }
0xd8: {  	[sflag:s0] =	ssyncadd.s32 @!p0 s1  }
0xd9: {  	[bflag:$0x3] =	sbarrier.arrive $0xFFFF  }
0xda: {  	_ =	shalt  }

// kernel: kernel.7.cloned.1.call-start
scs
__scs_entry_jumppad:
0x0: {  	(pc) =	sbr.rel $0x88, $3  }
0x1: {  	(tag) =	ssettag $0x0;
	lr =	simm.s32 $0x1  }
0x2: {  	[smem:$0x3F99] =	sst lr;
	_ =	strace $0xD0000000  }
0x3: {  	_ = 	snop  }
0x4: {  	_ = 	snop  }
0x5: {  	_ = 	snop  }
0x6: {  	_ = 	snop  }
0x7: {  	_ = 	snop  }
__scs_overlays_trampoline_lowered:
0x8: {  	[smem:$0x3FA8] =	sst s0  }
0x9: {  	[smem:$0x3FA9] =	sst s1  }
0xa: {  	[smem:$0x3FAA] =	sst s2  }
0xb: {  	[smem:$0x3FAB] =	sst s3  }
0xc: {  	[smem:$0x3FAC] =	sst s4  }
0xd: {  	[smem:$0x3FAD] =	sst s5  }
0xe: {  	[smem:$0x3FAE] =	sst s6  }
0xf: {  	[smem:$0x3FAF] =	sst s7  }
0x10: {  	[smem:$0x3FB0] =	sst s8  }
0x11: {  	[smem:$0x3FB1] =	sst s9;
	s0 =	simm.s32 @!p0 $0x0  }
0x12: {  	s1 =	sld [smem:$0x3F97];
	s0 =	simm.s32 @p0 $0x1  }
0x13: {  	[smem:$0x3FB2] =	sst s0;
	s0 =	simm.s32 @!p1 $0x0  }
0x14: {  	s2 =	sld [smem:$0x3F96];
	s0 =	simm.s32 @p1 $0x1  }
0x15: {  	[smem:$0x3FB3] =	sst s0;
	s0 =	simm.s32 @!p2 $0x0  }
0x16: {  	s3 =	sld [smem:$0x3FDB];
	s0 =	simm.s32 @p2 $0x1  }
0x17: {  	s4 =	simm.s32 $0x1BF5;
	[smem:$0x3FB5] =	sst s0  }
0x18: {  	s0 =	sld [smem:$0x3F98];
	_ =	swait.ge [sflag:s4], $0x0  }
0x19: {  	s7 =	sld [smem:$0x3F99]  }
0x1a: {  	s8 =	sadd.s32 $0xFFFFE003, lr  }
0x1b: {  	s9 =	sadd.s32 $0xFFFFFEF7, lr;
	s5 =	simm.s32 $0xFFFFFFFF;
	p2 =	slt.u32 s8, $0xFFFFF086  }
0x1c: {  	p1 =	slt.u32 s9, $0xF7A;
	s5 =	simm.s32 @!p2 $0x0  }
0x1d: {  	s5 =	simm.s32 @p1 $0x1;
	p0 =	seq.s32 s7, s2  }
0x1e: {  	s7 =	smul.u32 @!p0 $0xF7A, s2;
	p2 =	seq.s32 @!p0 s5, $0x0  }
0x1f: {  	s9 =	smul.u32 $0xF7A, s1;
	s8 =	simm.s32 @!p0 $0x1BF5;
	p2 =	por !p2, p0  }
0x20: {  	[sflag:s8] =	ssyncset.s32 @!p0 $0xFFFFF086;
	s6 =	sadd.s32 @!p0 s3, s7;
	s7 =	simm.s32 @!p0 $0x108  }
0x21: {  	s3 =	sadd.s32 s3, s9;
	s6 =	sadd.s32 @!p0 $0x88, s6;
	s7 =	simm.s32 @p2 $0x1082  }
0x22: {  	[simem:s7], [sflag:s8] =	dma.local @!p0 [hbm:s6], $0xF7A  }
0x23: {  	s9 =	sor.u32 $0xD0000000, s2;
	s6 =	simm.s32 $0x108;
	_ =	swait.ge @!p0 [sflag:s8], $0x0  }
0x24: {  	s3 =	sadd.s32 $0x88, s3;
	s6 =	simm.s32 @!p1 $0x1082;
	[sflag:s4] =	ssyncset.s32 $0xFFFFF086  }
0x25: {  	[simem:s6], [sflag:s4] =	dma.local [hbm:s3], $0xF7A  }
0x26: {  	[smem:$0x3F99] =	sst s1;
	(tag) =	ssettag s2;
	_ =	strace s9  }
0x27: {  	s1 =	sld [smem:$0x3FA9]  }
0x28: {  	s2 =	sld [smem:$0x3FAA]  }
0x29: {  	s4 =	sld [smem:$0x3FAC]  }
0x2a: {  	p0 =	seq.s32 s5, $0x0;
	s5 =	sld [smem:$0x3FAD]  }
0x2b: {  	s6 =	sld [smem:$0x3FAE]  }
0x2c: {  	s7 =	sld [smem:$0x3FAF]  }
0x2d: {  	s3 =	simm.s32 $0x108;
	s8 =	sld [smem:$0x3FB0]  }
0x2e: {  	s3 =	simm.s32 @!p0 $0x1082;
	s9 =	sld [smem:$0x3FB1]  }
0x2f: {  	lr =	sadd.s32 s0, s3;
	s0 =	sld [smem:$0x3FA8]  }
0x30: {  	s3 =	sld [smem:$0x3FAB]  }
0x31: {  	[smem:$0x3FB4] =	sst s10  }
0x32: {  	s10 =	sld [smem:$0x3FB2];
	_ =	sdelay $0x3  }
0x33: {  	p0 =	seq.s32 s10, $0x1;
	s10 =	sld [smem:$0x3FB4];
	_ =	sdelay $0x3  }
0x34: {  	[smem:$0x3FB4] =	sst s10  }
0x35: {  	s10 =	sld [smem:$0x3FB3];
	_ =	sdelay $0x3  }
0x36: {  	p1 =	seq.s32 s10, $0x1;
	s10 =	sld [smem:$0x3FB4];
	_ =	sdelay $0x3  }
0x37: {  	[smem:$0x3FB4] =	sst s10  }
0x38: {  	s10 =	sld [smem:$0x3FB5]  }
0x39: {  	_ = 	snop;
	(pc) =	sbr.ind lr, $3  }
0x3a: {  	_ = 	snop  }
0x3b: {  	_ = 	snop  }
0x3c: {  	p2 =	seq.s32 s10, $0x1;
	s10 =	sld [smem:$0x3FB4]  }
0x3d: {  	_ =	shalt  }
0x3e: {  	_ =	shalt  }
0x3f: {  	_ =	shalt  }
0x40: {  	_ =	shalt  }
0x41: {  	_ =	shalt  }
0x42: {  	_ =	shalt  }
0x43: {  	_ =	shalt  }
0x44: {  	_ =	shalt  }
0x45: {  	_ =	shalt  }
0x46: {  	_ =	shalt  }
0x47: {  	_ =	shalt  }
0x48: {  	_ =	shalt  }
0x49: {  	_ =	shalt  }
0x4a: {  	_ =	shalt  }
0x4b: {  	_ =	shalt  }
0x4c: {  	_ =	shalt  }
0x4d: {  	_ =	shalt  }
0x4e: {  	_ =	shalt  }
0x4f: {  	_ =	shalt  }
0x50: {  	_ =	shalt  }
0x51: {  	_ =	shalt  }
0x52: {  	_ =	shalt  }
0x53: {  	_ =	shalt  }
0x54: {  	_ =	shalt  }
0x55: {  	_ =	shalt  }
0x56: {  	_ =	shalt  }
0x57: {  	_ =	shalt  }
0x58: {  	_ =	shalt  }
0x59: {  	_ =	shalt  }
0x5a: {  	_ =	shalt  }
0x5b: {  	_ =	shalt  }
0x5c: {  	_ =	shalt  }
0x5d: {  	_ =	shalt  }
0x5e: {  	_ =	shalt  }
0x5f: {  	_ =	shalt  }
0x60: {  	_ =	shalt  }
0x61: {  	_ =	shalt  }
0x62: {  	_ =	shalt  }
0x63: {  	_ =	shalt  }
0x64: {  	_ =	shalt  }
0x65: {  	_ =	shalt  }
0x66: {  	_ =	shalt  }
0x67: {  	_ =	shalt  }
0x68: {  	_ =	shalt  }
0x69: {  	_ =	shalt  }
0x6a: {  	_ =	shalt  }
0x6b: {  	_ =	shalt  }
0x6c: {  	_ =	shalt  }
0x6d: {  	_ =	shalt  }
0x6e: {  	_ =	shalt  }
0x6f: {  	_ =	shalt  }
0x70: {  	_ =	shalt  }
0x71: {  	_ =	shalt  }
0x72: {  	_ =	shalt  }
0x73: {  	_ =	shalt  }
0x74: {  	_ =	shalt  }
0x75: {  	_ =	shalt  }
0x76: {  	_ =	shalt  }
0x77: {  	_ =	shalt  }
0x78: {  	_ =	shalt  }
0x79: {  	_ =	shalt  }
0x7a: {  	_ =	shalt  }
0x7b: {  	_ =	shalt  }
0x7c: {  	_ =	shalt  }
0x7d: {  	_ =	shalt  }
0x7e: {  	_ =	shalt  }
0x7f: {  	_ =	shalt  }
0x80: {  	_ =	shalt  }
0x81: {  	_ =	shalt  }
0x82: {  	_ =	shalt  }
0x83: {  	_ =	shalt  }
0x84: {  	_ =	shalt  }
0x85: {  	_ =	shalt  }
0x86: {  	_ =	shalt  }
0x87: {  	_ =	shalt  }
.Lfunc_end0:
.L_simem_size_0:
called_computation_lowered:
.L_overlay_start_0:
0x88: {  	s2 =	sld [smem:$0x3FD9]  }
0x89: {  	s3 =	sld [smem:$0x3FFE];
	_ =	sdelay $0x1  }
0x8a: {  	s1 =	srdreg.scid  }
0x8b: {  	s0 =	sand.u32 $0x1, s1  }
0x8c: {  	s14 =	sshll.u32 s0, $0xA;
	s2 =	sadd.s32 s3, s2  }
0x8d: {  	s2 =	sadd.s32 s2, s14  }
0x8e: {  	[smem:$0x3FC0] =	sst s2  }
0x8f: {  	_ = 	snop  }
0x90: {  	s2 =	sld [smem:$0x3FD0];
	_ =	sdelay $0x2  }
0x91: {  	s15 =	simm.s32 $0xA;
	s4 =	simm.s32 $0x10  }
0x92: {  	[smem:s4], [sflag:s15] =	dma.local [hbm:s2], $0x1  }
0x93: {  	_ =	swait.eq [sflag:s15], $0x1  }
0x94: {  	[sflag:s15] =	ssyncset.done $0x0  }
0x95: {  	s16 =	sld [smem:$0x10];
	[sflag:s15] =	ssyncadd.s32 $0xFFFFFFFF  }
0x96: {  	s17 =	sld [smem:$0x11];
	(tm) =	ssettm $0x1  }
0x97: {  	s18 =	sld [smem:$0x3FFB];
	_ =	sdelay $0x3  }
0x98: {  	_ =	strace s18  }
0x99: {  	s4 =	sld [smem:$0x3FFC];
	_ =	sdelay $0x3  }
0x9a: {  	_ =	strace s4  }
0x9b: {  	s4 =	sld [smem:$0x3FFD];
	_ =	sdelay $0x3  }
0x9c: {  	_ =	strace s4  }
0x9d: {  	_ =	strace $0x8FFFFFFF  }
0x9e: {  	s19 =	sld [smem:$0x3FDB];
	_ =	sdelay $0x1  }
0x9f: {  	s5 =	simm.s32 $_scs_section_size  }
0xa0: {  	s6 =	simm.s32 $_size__tile_overlayer_lowered;
	s7 =	simm.s32 $_tile_overlayer_lowered  }
0xa1: {  	s22 =	simm.s32 $0x1BFF;
	s21 =	sshll.u32 s7, $0x1;
	s4 =	sadd.s32 s5, s19  }
0xa2: {  	s8 =	simm.s32 $0x0;
	s20 =	sshll.u32 s6, $0x1;
	s6 =	sadd.s32 s21, s4  }
0xa3: {  	[timem:s8], [sflag:s22] =	dma.local [hbm:s6], s20  }
0xa4: {  	_ =	swait.ge [sflag:s22], s20  }
0xa5: {  	s5 =	ssub.s32 $0x0, s20;
	[sflag:s22] =	ssyncset.done $0x0  }
0xa6: {  	[sflag:s22] =	ssyncadd.s32 s5;
	_ =	sdelay $0x1  }
0xa7: {  	s23 =	simm.s32 $0x1B8B  }
0xa8: {  	_ =	swait.ge [sflag:s23], $0x1  }
0xa9: {  	[sflag:s23] =	ssyncset.done $0x0  }
0xaa: {  	s25 =	simm.s32 $0x1B8E;
	s24 =	sld [smem:$0x3FFE];
	[sflag:s23] =	ssyncadd.s32 $0xFFFFFFFF  }
0xab: {  	s26 =	simm.s32 $execute0_lowered;
	[smem:$0x3FD2] =	sst s25  }
0xac: {  	s6 =	sshll.u32 s26, $0x1;
	_ =	strace $0x80000046;
	[dreg:$0x1] =	wrdreg $0xFFFFFFFF  }
0xad: {  	s28 =	simm.s32 $_size_execute0_lowered;
	s4 =	sadd.s32 s4, s6;
	[dreg:$0x0] =	wrdreg $0x0  }
0xae: {  	s6 =	sshll.u32 s28, $0x1;
	[dreg:$0x2] =	wrdreg s4  }
0xaf: {  	[dreg:$0x3] =	wrdreg s6  }
0xb0: {  	[dreg:$0x4] =	wrdreg $0xC0  }
0xb1: {  	_ =	task [dreg:s8], $0x5FFFF  }
0xb2: {  	[dreg:$0x1] =	wrdreg $0xFFFFFFFF  }
0xb3: {  	[dreg:$0x0] =	wrdreg $0x60  }
0xb4: {  	[dreg:$0x2] =	wrdreg s24  }
0xb5: {  	[dreg:$0x3] =	wrdreg s16  }
0xb6: {  	[dreg:$0x4] =	wrdreg s17  }
0xb7: {  	[dreg:$0x5] =	wrdreg $0x0  }
0xb8: {  	[dreg:$0x6] =	wrdreg $0x1C8000  }
0xb9: {  	[dreg:$0x7] =	wrdreg $0x9  }
0xba: {  	_ =	task.clear_ibuf [dreg:s8], $0x8FFFF;
	_ =	strace $0x90000046  }
0xbb: {  	s29 =	simm.s32 $0x9;
	_ =	strace $0x80000048  }
0xbc: {  	_ =	swait.ge [sflag:s29], $0x1  }
0xbd: {  	[sflag:s29] =	ssyncadd.s32 $0xFFFFFFFF  }
0xbe: {  	_ =	strace $0x90000048  }
0xbf: {  	_ =	sfence  }
0xc0: {  	s30 =	sld [smem:$0x0];
	_ =	sdelay $0x2  }
0xc1: {  	s31 =	sshll.u32 s1, $0xD;
	s1 =	sshrl.u32 s1, $0x2  }
0xc2: {  	s3 =	sand.u32 $0x4000, s31;
	s1 =	sadd.s32 s1, s30  }
0xc3: {  	s0 =	sor.u32 s3, s0;
	s1 =	sshll.u32 s1, $0x11  }
0xc4: {  	s0 =	sor.u32 s1, s0  }
0xc5: {  	s0 =	sadd.s32 $0x8F2B, s0  }
0xc6: {  	[sflag:s0] =	ssyncadd.remote.s32 $0x1  }
0xc7: {  	_ =	sfence.sel $0xFFFF  }
0xc8: {  	[dreg:$0x0] =	wrdreg $0xFFFFFFFF;
	(pc) =	sbr.abs _section_cstart, $3  }
0xc9: {  	[dreg:$0x1] =	wrdreg $0xFFFFFFFF  }
0xca: {  	_ =	task.clear_ibuf [dreg:s8], $0x2FFFF;
	_ =	strace $0x9FFFFFFF  }
0xcb: {  	(tm) =	ssettm $0x7FFFFFFF  }
tec
execute0_lowered:
.L_overlay_start_1:
0x0: {  	(tag) =	ssettag $0x1  }
0x1: {  	s0 =	rddreg [dreg:$0x0]  }
0x2: {  	s2 =	rddreg [dreg:$0x1]  }
0x3: {  	s6 =	rddreg [dreg:$0x2]  }
0x4: {  	s1 =	rddreg [dreg:$0x3]  }
0x5: {  	s3 =	srdreg.scid;
	s16 =	stileid.u32;
	s14 =	simm.s32 $0x12  }
0x6: {  	s25 =	simm.s32 $0x14080;
	s26 =	simm.s32 $0x14100;
	s28 =	simm.s32 $0x14800  }
0x7: {  	s29 =	simm.s32 $0x18800;
	s30 =	simm.s32 $0x1;
	s31 =	simm.s32 $0x2  }
0x8: {  	s7 =	sand.u32 $0x1, s3;
	s5 =	smul.u32 $0x90, s16;
	s4 =	sshll.u32 s16, $0x4  }
0x9: {  	s3 =	rddreg [dreg:$0x4];
	s10 =	sadd.s32 $0x33200, s0;
	s11 =	smul.u32 $0x14000, s16  }
0xa: {  	s17 =	sadd.s32 $0x32C00, s0;
	s18 =	sadd.s32 $0x33000, s0;
	s20 =	smul.u32 $0x1400, s16  }
0xb: {  	s21 =	sshll.u32 s16, $0x6;
	p0 =	seq.s32 s7, $0x0;
	s8 =	sor.u32 $0x900, s4  }
0xc: {  	s4 =	simm.s32 $0x0;
	s19 =	ssub.s32 $0x2, s7;
	s13 =	smul.u32 $0x138800, s7  }
0xd: {  	s7 =	smul.u32 $0x13880, s7;
	s8 =	smov.u32 @p0 s5;
	[smem:$0x7FF] =	sst s4  }
0xe: {  	s5 =	sadd.s32 $0xBA00, s0;
	_ =	strace $0x80000047;
	[dreg:$0x8] =	wrdreg s10  }
0xf: {  	s12 =	sshrl.u32 s19, $0x1;
	s14 =	simm.s32 @!p0 $0x2;
	[dreg:$0x9] =	wrdreg s17  }
0x10: {  	p0 =	seq.s32 s16, $0xF;
	s16 =	simm.s32 $0x14680;
	[dreg:$0xa] =	wrdreg s18  }
0x11: {  	s8 =	sshll.u32 s8, $0x4;
	s10 =	ssub.s32 s19, s12;
	[dreg:$0xb] =	wrdreg s14  }
0x12: {  	s15 =	sadd.s32 s11, s13;
	s18 =	sadd.s32 s11, s1;
	s11 =	sor.u32 $0x1C03, s21  }
0x13: {  	s19 =	sadd.s32 s20, s3;
	s12 =	sadd.s32 s20, s7;
	s13 =	sshrl.u32 s13, $0x3  }
0x14: {  	s7 =	sshrl.u32 s7, $0x3;
	s20 =	simm.s32 $0x3;
	[dreg:$0x6] =	wrdreg s25  }
0x15: {  	s21 =	simm.s32 $0x1DC00;
	[dreg:$0x7] =	wrdreg s26;
	s26 =	simm.s32 $0x80  }
0x16: {  	s17 =	simm.s32 $0x14380;
	s25 =	simm.s32 $0x14780;
	s9 =	sadd.s32 s8, s0  }
0x17: {  	s0 =	sadd.s32 $0x35A00, s0;
	s22 =	sshrl.u32 s15, $0x3;
	s12 =	sshrl.u32 s12, $0x3  }
0x18: {  	s23 =	smax.u32 s10, $0x1;
	s2 =	sadd.s32 s8, s2;
	[dreg:$0xc] =	wrdreg s18  }
0x19: {  	s8 =	simm.s32 $0x14580;
	s15 =	simm.s32 $0x14300;
	[dreg:$0xd] =	wrdreg s19  }
0x1a: {  	s14 =	sadd.s32 s0, s22;
	s12 =	sadd.s32 s6, s12;
	s0 =	sadd.s32 s0, s13  }
0x1b: {  	s6 =	sadd.s32 s6, s7;
	[dreg:$0x12] =	wrdreg s23;
	s24 =	sadd.s32 $0x1A00, s9  }
0x1c: {  	[dreg:$0x14] =	wrdreg s2;
	s22 =	simm.s32 $0x14000;
	s23 =	simm.s32 $0x14400  }
0x1d: {  	s2 =	simm.s32 $0x14480;
	s7 =	simm.s32 $0x14200;
	[dreg:$0xe] =	wrdreg s14  }
0x1e: {  	s13 =	simm.s32 $0x14280;
	[dreg:$0xf] =	wrdreg s12;
	s0 =	sadd.s32 $0x25800, s0  }
0x1f: {  	s6 =	sadd.s32 $0x2580, s6;
	[dreg:$0x13] =	wrdreg s24;
	s14 =	simm.s32 $0x14600  }
0x20: {  	s24 =	simm.s32 $0x14700;
	[dreg:$0x10] =	wrdreg s0;
	s0 =	sadd.s32 $0x12C000, s1  }
0x21: {  	[dreg:$0x11] =	wrdreg s6;
	s6 =	sadd.s32 $0x12C00, s3;
	s0 =	sshrl.u32 @p0 s0, $0x3  }
0x22: {  	s12 =	simm.s32 $0x0;
	[dreg:$0x15] =	wrdreg s0;
	s0 =	sshrl.u32 @p0 s6, $0x3  }
0x23: {  	s6 =	simm.s32 $0x14500;
	[dreg:$0x16] =	wrdreg s0;
	s0 =	simm.s32 $0x14180  }
.LBB2_1:
0x24: {  	[dreg:$0x17] =	wrdreg s12  }
0x25: {  	s18 =	sshrl.u32 s18, $0x3;
	s9 =	rddreg [dreg:$0x8]  }
0x26: {  	[spmem:s18], [sflag:s11] =	dma.local [hbm:s9], $0x2800  }
0x27: {  	_ =	swait.ge [sflag:s20], $0x2800  }
0x28: {  	[sflag:s20] =	ssyncset.done $0x0  }
0x29: {  	s10 =	sshrl.u32 s19, $0x3;
	s18 =	rddreg [dreg:$0x9];
	[sflag:s20] =	ssyncadd.s32 $0xFFFFD800  }
0x2a: {  	[spmem:s10], [sflag:s11] =	dma.local [hbm:s18], $0x280  }
0x2b: {  	_ =	swait.ge [sflag:s20], $0x280  }
0x2c: {  	[sflag:s20] =	ssyncset.done $0x0  }
0x2d: {  	s19 =	rddreg [dreg:$0xa];
	[sflag:s20] =	ssyncadd.s32 $0xFFFFFD80  }
0x2e: {  	[tilespmem:s21], [sflag:$0x3] =	stream.linear.gather [hbm4b:s19+s4], $0x400, $0x38;
	[tilespmem:$0x1E000] =	vst v63  }
0x2f: {  	_ =	swait.ge [sflag:s20], $0x400  }
0x30: {  	[sflag:s20] =	ssyncset.done $0x0  }
0x31: {  	[sflag:s20] =	ssyncadd.s32 $0xFFFFFC00  }
0x32: {  	[bflag:$0x0] =	sbarrier.arrive $0xFFFF  }
0x33: {  	s19 =	rddreg [dreg:$0x14]  }
0x34: {  	[tilespmem:s22], [sflag:$0x3] =	stream.linear.gather [hbm4b:s19+s4], $0x400, $0x38;
	[tilespmem:$0x1E000] =	vst v63  }
0x35: {  	_ =	swait.ge [sflag:s20], $0x400  }
0x36: {  	[sflag:s20] =	ssyncset.done $0x0  }
0x37: {  	s18 =	rddreg [dreg:$0x13];
	[sflag:s20] =	ssyncadd.s32 $0xFFFFFC00  }
0x38: {  	[tilespmem:s23], [sflag:$0x3] =	stream.linear.gather [hbm4b:s18+s4], $0x400, $0x38;
	[tilespmem:$0x1E000] =	vst v63  }
0x39: {  	_ =	swait.ge [sflag:s20], $0x400  }
0x3a: {  	[sflag:s20] =	ssyncset.done $0x0  }
0x3b: {  	[sflag:s20] =	ssyncadd.s32 $0xFFFFFC00  }
0x3c: {  	[tilespmem:s28], [sflag:$0x1] =	stream.indirect.gather [hbm4b:s5+s26], $0x80, s22, s26, $0xb8;
	[tilespmem:$0x1E000] =	vst v63  }
0x3d: {  	s9 =	rddreg [dreg:$0x6]  }
0x3e: {  	[tilespmem:s29], [sflag:$0x2] =	stream.indirect.gather [hbm4b:s5+s26], $0x80, s9, s26, $0xb8;
	[tilespmem:$0x1E000] =	vst v63  }
0x3f: {  	_ =	swait.ge [sflag:s30], $0x4000  }
0x40: {  	[sflag:s30] =	ssyncset.done $0x0  }
0x41: {  	[sflag:s30] =	ssyncadd.s32 $0xFFFFC000  }
0x42: {  	[spmem:s1] =	stream.indirect.scatter.add.f32 [tilespmem:s28], [sflag:$0x3], $0x80, s23, s26, $0xb8;
	[tilespmem:$0x1E000] =	vst v63  }
0x43: {  	_ =	swait.ge [sflag:s20], $0x4000  }
0x44: {  	[sflag:s20] =	ssyncset.done $0x0  }
0x45: {  	[sflag:s20] =	ssyncadd.s32 $0xFFFFC000  }
0x46: {  	[spmem:s3] =	stream.indirect.scatter.add.f32 [tilespmem:s21], [sflag:$0x3], $0x8, s23, s26, $0xb8;
	[tilespmem:$0x1E000] =	vst v63  }
0x47: {  	_ =	swait.ge [sflag:s20], $0x400  }
0x48: {  	[sflag:s20] =	ssyncset.done $0x0  }
0x49: {  	s10 =	rddreg [dreg:$0x7];
	[sflag:s20] =	ssyncadd.s32 $0xFFFFFC00  }
0x4a: {  	[tilespmem:s28], [sflag:$0x1] =	stream.indirect.gather [hbm4b:s5+s26], $0x80, s10, s26, $0xb8;
	[tilespmem:$0x1E000] =	vst v63  }
0x4b: {  	_ =	swait.ge [sflag:s31], $0x4000  }
0x4c: {  	[sflag:s31] =	ssyncset.done $0x0  }
0x4d: {  	[sflag:s31] =	ssyncadd.s32 $0xFFFFC000  }
0x4e: {  	[spmem:s1] =	stream.indirect.scatter.add.f32 [tilespmem:s29], [sflag:$0x3], $0x80, s2, s26, $0xb8;
	[tilespmem:$0x1E000] =	vst v63  }
0x4f: {  	_ =	swait.ge [sflag:s20], $0x4000  }
0x50: {  	[sflag:s20] =	ssyncset.done $0x0  }
0x51: {  	[sflag:s20] =	ssyncadd.s32 $0xFFFFC000  }
0x52: {  	[spmem:s3] =	stream.indirect.scatter.add.f32 [tilespmem:s21], [sflag:$0x3], $0x8, s2, s26, $0xb8;
	[tilespmem:$0x1E000] =	vst v63  }
0x53: {  	_ =	swait.ge [sflag:s20], $0x400  }
0x54: {  	[sflag:s20] =	ssyncset.done $0x0  }
0x55: {  	[sflag:s20] =	ssyncadd.s32 $0xFFFFFC00  }
0x56: {  	[tilespmem:s29], [sflag:$0x2] =	stream.indirect.gather [hbm4b:s5+s26], $0x80, s0, s26, $0xb8;
	[tilespmem:$0x1E000] =	vst v63  }
0x57: {  	_ =	swait.ge [sflag:s30], $0x4000  }
0x58: {  	[sflag:s30] =	ssyncset.done $0x0  }
0x59: {  	[sflag:s30] =	ssyncadd.s32 $0xFFFFC000  }
0x5a: {  	[spmem:s1] =	stream.indirect.scatter.add.f32 [tilespmem:s28], [sflag:$0x3], $0x80, s6, s26, $0xb8;
	[tilespmem:$0x1E000] =	vst v63  }
0x5b: {  	_ =	swait.ge [sflag:s20], $0x4000  }
0x5c: {  	[sflag:s20] =	ssyncset.done $0x0  }
0x5d: {  	[sflag:s20] =	ssyncadd.s32 $0xFFFFC000  }
0x5e: {  	[spmem:s3] =	stream.indirect.scatter.add.f32 [tilespmem:s21], [sflag:$0x3], $0x8, s6, s26, $0xb8;
	[tilespmem:$0x1E000] =	vst v63  }
0x5f: {  	_ =	swait.ge [sflag:s20], $0x400  }
0x60: {  	[sflag:s20] =	ssyncset.done $0x0  }
0x61: {  	[sflag:s20] =	ssyncadd.s32 $0xFFFFFC00  }
0x62: {  	[tilespmem:s28], [sflag:$0x1] =	stream.indirect.gather [hbm4b:s5+s26], $0x80, s7, s26, $0xb8;
	[tilespmem:$0x1E000] =	vst v63  }
0x63: {  	_ =	swait.ge [sflag:s31], $0x4000  }
0x64: {  	[sflag:s31] =	ssyncset.done $0x0  }
0x65: {  	[sflag:s31] =	ssyncadd.s32 $0xFFFFC000  }
0x66: {  	[spmem:s1] =	stream.indirect.scatter.add.f32 [tilespmem:s29], [sflag:$0x3], $0x80, s8, s26, $0xb8;
	[tilespmem:$0x1E000] =	vst v63  }
0x67: {  	_ =	swait.ge [sflag:s20], $0x4000  }
0x68: {  	[sflag:s20] =	ssyncset.done $0x0  }
0x69: {  	[sflag:s20] =	ssyncadd.s32 $0xFFFFC000  }
0x6a: {  	[spmem:s3] =	stream.indirect.scatter.add.f32 [tilespmem:s21], [sflag:$0x3], $0x8, s8, s26, $0xb8;
	[tilespmem:$0x1E000] =	vst v63  }
0x6b: {  	_ =	swait.ge [sflag:s20], $0x400  }
0x6c: {  	[sflag:s20] =	ssyncset.done $0x0  }
0x6d: {  	[sflag:s20] =	ssyncadd.s32 $0xFFFFFC00  }
0x6e: {  	[tilespmem:s29], [sflag:$0x2] =	stream.indirect.gather [hbm4b:s5+s26], $0x80, s13, s26, $0xb8;
	[tilespmem:$0x1E000] =	vst v63  }
0x6f: {  	_ =	swait.ge [sflag:s30], $0x4000  }
0x70: {  	[sflag:s30] =	ssyncset.done $0x0  }
0x71: {  	[sflag:s30] =	ssyncadd.s32 $0xFFFFC000  }
0x72: {  	[spmem:s1] =	stream.indirect.scatter.add.f32 [tilespmem:s28], [sflag:$0x3], $0x80, s14, s26, $0xb8;
	[tilespmem:$0x1E000] =	vst v63  }
0x73: {  	_ =	swait.ge [sflag:s20], $0x4000  }
0x74: {  	[sflag:s20] =	ssyncset.done $0x0  }
0x75: {  	[sflag:s20] =	ssyncadd.s32 $0xFFFFC000  }
0x76: {  	[spmem:s3] =	stream.indirect.scatter.add.f32 [tilespmem:s21], [sflag:$0x3], $0x8, s14, s26, $0xb8;
	[tilespmem:$0x1E000] =	vst v63  }
0x77: {  	_ =	swait.ge [sflag:s20], $0x400  }
0x78: {  	[sflag:s20] =	ssyncset.done $0x0  }
0x79: {  	[sflag:s20] =	ssyncadd.s32 $0xFFFFFC00  }
0x7a: {  	[tilespmem:s28], [sflag:$0x1] =	stream.indirect.gather [hbm4b:s5+s26], $0x80, s15, s26, $0xb8;
	[tilespmem:$0x1E000] =	vst v63  }
0x7b: {  	_ =	swait.ge [sflag:s31], $0x4000  }
0x7c: {  	[sflag:s31] =	ssyncset.done $0x0  }
0x7d: {  	[sflag:s31] =	ssyncadd.s32 $0xFFFFC000  }
0x7e: {  	[spmem:s1] =	stream.indirect.scatter.add.f32 [tilespmem:s29], [sflag:$0x3], $0x80, s16, s26, $0xb8;
	[tilespmem:$0x1E000] =	vst v63  }
0x7f: {  	_ =	swait.ge [sflag:s20], $0x4000  }
0x80: {  	[sflag:s20] =	ssyncset.done $0x0  }
0x81: {  	[sflag:s20] =	ssyncadd.s32 $0xFFFFC000  }
0x82: {  	[spmem:s3] =	stream.indirect.scatter.add.f32 [tilespmem:s21], [sflag:$0x3], $0x8, s16, s26, $0xb8;
	[tilespmem:$0x1E000] =	vst v63  }
0x83: {  	_ =	swait.ge [sflag:s20], $0x400  }
0x84: {  	[sflag:s20] =	ssyncset.done $0x0  }
0x85: {  	[sflag:s20] =	ssyncadd.s32 $0xFFFFFC00  }
0x86: {  	[tilespmem:s29], [sflag:$0x2] =	stream.indirect.gather [hbm4b:s5+s26], $0x80, s17, s26, $0xb8;
	[tilespmem:$0x1E000] =	vst v63  }
0x87: {  	_ =	swait.ge [sflag:s30], $0x4000  }
0x88: {  	[sflag:s30] =	ssyncset.done $0x0  }
0x89: {  	[sflag:s30] =	ssyncadd.s32 $0xFFFFC000  }
0x8a: {  	[spmem:s1] =	stream.indirect.scatter.add.f32 [tilespmem:s28], [sflag:$0x3], $0x80, s24, s26, $0xb8;
	[tilespmem:$0x1E000] =	vst v63  }
0x8b: {  	_ =	swait.ge [sflag:s20], $0x4000  }
0x8c: {  	[sflag:s20] =	ssyncset.done $0x0  }
0x8d: {  	[sflag:s20] =	ssyncadd.s32 $0xFFFFC000  }
0x8e: {  	[spmem:s3] =	stream.indirect.scatter.add.f32 [tilespmem:s21], [sflag:$0x3], $0x8, s24, s26, $0xb8;
	[tilespmem:$0x1E000] =	vst v63  }
0x8f: {  	_ =	swait.ge [sflag:s20], $0x400  }
0x90: {  	[sflag:s20] =	ssyncset.done $0x0  }
0x91: {  	[sflag:s20] =	ssyncadd.s32 $0xFFFFFC00  }
0x92: {  	_ =	swait.ge [sflag:s31], $0x4000  }
0x93: {  	[sflag:s31] =	ssyncset.done $0x0  }
0x94: {  	[sflag:s31] =	ssyncadd.s32 $0xFFFFC000  }
0x95: {  	[spmem:s1] =	stream.indirect.scatter.add.f32 [tilespmem:s29], [sflag:$0x3], $0x80, s25, s26, $0xb8;
	[tilespmem:$0x1E000] =	vst v63  }
0x96: {  	_ =	swait.ge [sflag:s20], $0x4000  }
0x97: {  	s12 =	rddreg [dreg:$0xb]  }
0x98: {  	p1 =	sne.s32 s12, $0x1  }
.Ltmp0:
0x99: {  	[sflag:s20] =	ssyncset.done $0x0;
	(pc) =	sbr.rel @!p1 .LBB2_3-.Ltmp0, $4  }
0x9a: {  	[sflag:s20] =	ssyncadd.s32 $0xFFFFC000  }
0x9b: {  	[spmem:s3] =	stream.indirect.scatter.add.f32 [tilespmem:s21], [sflag:$0x3], $0x8, s25, s26, $0xb8;
	[tilespmem:$0x1E000] =	vst v63  }
0x9c: {  	_ =	swait.ge [sflag:s20], $0x400  }
0x9d: {  	s12 =	sadd.s32 $0xFFFFFFFF, s12;
	[sflag:s20] =	ssyncset.done $0x0  }
.LBB2_2:
0x9e: {  	[sflag:s20] =	ssyncadd.s32 $0xFFFFFC00;
	s19 =	sadd.s32 $0x80, s19  }
0x9f: {  	[tilespmem:s22], [sflag:$0x3] =	stream.linear.gather [hbm4b:s19+s4], $0x400, $0x38;
	[tilespmem:$0x1E000] =	vst v63  }
0xa0: {  	_ =	swait.ge [sflag:s20], $0x400  }
0xa1: {  	[sflag:s20] =	ssyncset.done $0x0  }
0xa2: {  	s18 =	sadd.s32 $0x80, s18;
	[sflag:s20] =	ssyncadd.s32 $0xFFFFFC00  }
0xa3: {  	[tilespmem:s23], [sflag:$0x3] =	stream.linear.gather [hbm4b:s18+s4], $0x400, $0x38;
	[tilespmem:$0x1E000] =	vst v63  }
0xa4: {  	_ =	swait.ge [sflag:s20], $0x400  }
0xa5: {  	[sflag:s20] =	ssyncset.done $0x0  }
0xa6: {  	[sflag:s20] =	ssyncadd.s32 $0xFFFFFC00  }
0xa7: {  	[tilespmem:s28], [sflag:$0x1] =	stream.indirect.gather [hbm4b:s5+s26], $0x80, s22, s26, $0xb8;
	[tilespmem:$0x1E000] =	vst v63  }
0xa8: {  	s9 =	rddreg [dreg:$0x6]  }
0xa9: {  	[tilespmem:s29], [sflag:$0x2] =	stream.indirect.gather [hbm4b:s5+s26], $0x80, s9, s26, $0xb8;
	[tilespmem:$0x1E000] =	vst v63  }
0xaa: {  	_ =	swait.ge [sflag:s30], $0x4000  }
0xab: {  	[sflag:s30] =	ssyncset.done $0x0  }
0xac: {  	[sflag:s30] =	ssyncadd.s32 $0xFFFFC000  }
0xad: {  	[spmem:s1] =	stream.indirect.scatter.add.f32 [tilespmem:s28], [sflag:$0x3], $0x80, s23, s26, $0xb8;
	[tilespmem:$0x1E000] =	vst v63  }
0xae: {  	_ =	swait.ge [sflag:s20], $0x4000  }
0xaf: {  	[sflag:s20] =	ssyncset.done $0x0  }
0xb0: {  	[sflag:s20] =	ssyncadd.s32 $0xFFFFC000  }
0xb1: {  	[spmem:s3] =	stream.indirect.scatter.add.f32 [tilespmem:s21], [sflag:$0x3], $0x8, s23, s26, $0xb8;
	[tilespmem:$0x1E000] =	vst v63  }
0xb2: {  	_ =	swait.ge [sflag:s20], $0x400  }
0xb3: {  	[sflag:s20] =	ssyncset.done $0x0  }
0xb4: {  	s10 =	rddreg [dreg:$0x7];
	[sflag:s20] =	ssyncadd.s32 $0xFFFFFC00  }
0xb5: {  	[tilespmem:s28], [sflag:$0x1] =	stream.indirect.gather [hbm4b:s5+s26], $0x80, s10, s26, $0xb8;
	[tilespmem:$0x1E000] =	vst v63  }
0xb6: {  	_ =	swait.ge [sflag:s31], $0x4000  }
0xb7: {  	[sflag:s31] =	ssyncset.done $0x0  }
0xb8: {  	[sflag:s31] =	ssyncadd.s32 $0xFFFFC000  }
0xb9: {  	[spmem:s1] =	stream.indirect.scatter.add.f32 [tilespmem:s29], [sflag:$0x3], $0x80, s2, s26, $0xb8;
	[tilespmem:$0x1E000] =	vst v63  }
0xba: {  	_ =	swait.ge [sflag:s20], $0x4000  }
0xbb: {  	[sflag:s20] =	ssyncset.done $0x0  }
0xbc: {  	[sflag:s20] =	ssyncadd.s32 $0xFFFFC000  }
0xbd: {  	[spmem:s3] =	stream.indirect.scatter.add.f32 [tilespmem:s21], [sflag:$0x3], $0x8, s2, s26, $0xb8;
	[tilespmem:$0x1E000] =	vst v63  }
0xbe: {  	_ =	swait.ge [sflag:s20], $0x400  }
0xbf: {  	[sflag:s20] =	ssyncset.done $0x0  }
0xc0: {  	[sflag:s20] =	ssyncadd.s32 $0xFFFFFC00  }
0xc1: {  	[tilespmem:s29], [sflag:$0x2] =	stream.indirect.gather [hbm4b:s5+s26], $0x80, s0, s26, $0xb8;
	[tilespmem:$0x1E000] =	vst v63  }
0xc2: {  	_ =	swait.ge [sflag:s30], $0x4000  }
0xc3: {  	[sflag:s30] =	ssyncset.done $0x0  }
0xc4: {  	[sflag:s30] =	ssyncadd.s32 $0xFFFFC000  }
0xc5: {  	[spmem:s1] =	stream.indirect.scatter.add.f32 [tilespmem:s28], [sflag:$0x3], $0x80, s6, s26, $0xb8;
	[tilespmem:$0x1E000] =	vst v63  }
0xc6: {  	_ =	swait.ge [sflag:s20], $0x4000  }
0xc7: {  	[sflag:s20] =	ssyncset.done $0x0  }
0xc8: {  	[sflag:s20] =	ssyncadd.s32 $0xFFFFC000  }
0xc9: {  	[spmem:s3] =	stream.indirect.scatter.add.f32 [tilespmem:s21], [sflag:$0x3], $0x8, s6, s26, $0xb8;
	[tilespmem:$0x1E000] =	vst v63  }
0xca: {  	_ =	swait.ge [sflag:s20], $0x400  }
0xcb: {  	[sflag:s20] =	ssyncset.done $0x0  }
0xcc: {  	[sflag:s20] =	ssyncadd.s32 $0xFFFFFC00  }
0xcd: {  	[tilespmem:s28], [sflag:$0x1] =	stream.indirect.gather [hbm4b:s5+s26], $0x80, s7, s26, $0xb8;
	[tilespmem:$0x1E000] =	vst v63  }
0xce: {  	_ =	swait.ge [sflag:s31], $0x4000  }
0xcf: {  	[sflag:s31] =	ssyncset.done $0x0  }
0xd0: {  	[sflag:s31] =	ssyncadd.s32 $0xFFFFC000  }
0xd1: {  	[spmem:s1] =	stream.indirect.scatter.add.f32 [tilespmem:s29], [sflag:$0x3], $0x80, s8, s26, $0xb8;
	[tilespmem:$0x1E000] =	vst v63  }
0xd2: {  	_ =	swait.ge [sflag:s20], $0x4000  }
0xd3: {  	[sflag:s20] =	ssyncset.done $0x0  }
0xd4: {  	[sflag:s20] =	ssyncadd.s32 $0xFFFFC000  }
0xd5: {  	[spmem:s3] =	stream.indirect.scatter.add.f32 [tilespmem:s21], [sflag:$0x3], $0x8, s8, s26, $0xb8;
	[tilespmem:$0x1E000] =	vst v63  }
0xd6: {  	_ =	swait.ge [sflag:s20], $0x400  }
0xd7: {  	[sflag:s20] =	ssyncset.done $0x0  }
0xd8: {  	[sflag:s20] =	ssyncadd.s32 $0xFFFFFC00  }
0xd9: {  	[tilespmem:s29], [sflag:$0x2] =	stream.indirect.gather [hbm4b:s5+s26], $0x80, s13, s26, $0xb8;
	[tilespmem:$0x1E000] =	vst v63  }
0xda: {  	_ =	swait.ge [sflag:s30], $0x4000  }
0xdb: {  	[sflag:s30] =	ssyncset.done $0x0  }
0xdc: {  	[sflag:s30] =	ssyncadd.s32 $0xFFFFC000  }
0xdd: {  	[spmem:s1] =	stream.indirect.scatter.add.f32 [tilespmem:s28], [sflag:$0x3], $0x80, s14, s26, $0xb8;
	[tilespmem:$0x1E000] =	vst v63  }
0xde: {  	_ =	swait.ge [sflag:s20], $0x4000  }
0xdf: {  	[sflag:s20] =	ssyncset.done $0x0  }
0xe0: {  	[sflag:s20] =	ssyncadd.s32 $0xFFFFC000  }
0xe1: {  	[spmem:s3] =	stream.indirect.scatter.add.f32 [tilespmem:s21], [sflag:$0x3], $0x8, s14, s26, $0xb8;
	[tilespmem:$0x1E000] =	vst v63  }
0xe2: {  	_ =	swait.ge [sflag:s20], $0x400  }
0xe3: {  	[sflag:s20] =	ssyncset.done $0x0  }
0xe4: {  	[sflag:s20] =	ssyncadd.s32 $0xFFFFFC00  }
0xe5: {  	[tilespmem:s28], [sflag:$0x1] =	stream.indirect.gather [hbm4b:s5+s26], $0x80, s15, s26, $0xb8;
	[tilespmem:$0x1E000] =	vst v63  }
0xe6: {  	_ =	swait.ge [sflag:s31], $0x4000  }
0xe7: {  	[sflag:s31] =	ssyncset.done $0x0  }
0xe8: {  	[sflag:s31] =	ssyncadd.s32 $0xFFFFC000  }
0xe9: {  	[spmem:s1] =	stream.indirect.scatter.add.f32 [tilespmem:s29], [sflag:$0x3], $0x80, s16, s26, $0xb8;
	[tilespmem:$0x1E000] =	vst v63  }
0xea: {  	_ =	swait.ge [sflag:s20], $0x4000  }
0xeb: {  	[sflag:s20] =	ssyncset.done $0x0  }
0xec: {  	[sflag:s20] =	ssyncadd.s32 $0xFFFFC000  }
0xed: {  	[spmem:s3] =	stream.indirect.scatter.add.f32 [tilespmem:s21], [sflag:$0x3], $0x8, s16, s26, $0xb8;
	[tilespmem:$0x1E000] =	vst v63  }
0xee: {  	_ =	swait.ge [sflag:s20], $0x400  }
0xef: {  	[sflag:s20] =	ssyncset.done $0x0  }
0xf0: {  	[sflag:s20] =	ssyncadd.s32 $0xFFFFFC00  }
0xf1: {  	[tilespmem:s29], [sflag:$0x2] =	stream.indirect.gather [hbm4b:s5+s26], $0x80, s17, s26, $0xb8;
	[tilespmem:$0x1E000] =	vst v63  }
0xf2: {  	_ =	swait.ge [sflag:s30], $0x4000  }
0xf3: {  	[sflag:s30] =	ssyncset.done $0x0  }
0xf4: {  	[sflag:s30] =	ssyncadd.s32 $0xFFFFC000  }
0xf5: {  	[spmem:s1] =	stream.indirect.scatter.add.f32 [tilespmem:s28], [sflag:$0x3], $0x80, s24, s26, $0xb8;
	[tilespmem:$0x1E000] =	vst v63  }
0xf6: {  	_ =	swait.ge [sflag:s20], $0x4000  }
0xf7: {  	[sflag:s20] =	ssyncset.done $0x0  }
0xf8: {  	[sflag:s20] =	ssyncadd.s32 $0xFFFFC000  }
0xf9: {  	[spmem:s3] =	stream.indirect.scatter.add.f32 [tilespmem:s21], [sflag:$0x3], $0x8, s24, s26, $0xb8;
	[tilespmem:$0x1E000] =	vst v63  }
0xfa: {  	_ =	swait.ge [sflag:s20], $0x400  }
0xfb: {  	[sflag:s20] =	ssyncset.done $0x0  }
0xfc: {  	[sflag:s20] =	ssyncadd.s32 $0xFFFFFC00  }
0xfd: {  	_ =	swait.ge [sflag:s31], $0x4000  }
0xfe: {  	[sflag:s31] =	ssyncset.done $0x0  }
0xff: {  	[sflag:s31] =	ssyncadd.s32 $0xFFFFC000  }
0x100: {  	[spmem:s1] =	stream.indirect.scatter.add.f32 [tilespmem:s29], [sflag:$0x3], $0x80, s25, s26, $0xb8;
	[tilespmem:$0x1E000] =	vst v63  }
0x101: {  	p1 =	sne.s32 s12, $0x1;
	_ =	swait.ge [sflag:s20], $0x4000  }
.Ltmp1:
0x102: {  	[sflag:s20] =	ssyncset.done $0x0;
	(pc) =	sbr.rel @p1 .LBB2_2-.Ltmp1, $4  }
0x103: {  	[sflag:s20] =	ssyncadd.s32 $0xFFFFC000  }
0x104: {  	[spmem:s3] =	stream.indirect.scatter.add.f32 [tilespmem:s21], [sflag:$0x3], $0x8, s25, s26, $0xb8;
	[tilespmem:$0x1E000] =	vst v63  }
0x105: {  	_ =	swait.ge [sflag:s20], $0x400  }
0x106: {  	s12 =	sadd.s32 $0xFFFFFFFF, s12;
	[sflag:s20] =	ssyncset.done $0x0  }
.LBB2_3:
0x107: {  	[sflag:s20] =	ssyncadd.s32 $0xFFFFFC00  }
0x108: {  	[bflag:$0x0] =	sbarrier.arrive $0xFFFF  }
0x109: {  	s9 =	rddreg [dreg:$0x10]  }
0x10a: {  	s10 =	rddreg [dreg:$0x15]  }
0x10b: {  	[hbm:s9], [sflag:s11] =	dma.local @p0 [spmem:s10], $0x1900  }
0x10c: {  	s9 =	simm.s32 @p0 $0x3  }
0x10d: {  	_ =	swait.ge @p0 [sflag:s9], $0x1900  }
0x10e: {  	[sflag:s9] =	ssyncset.done @p0 $0x0;
	s10 =	rddreg [dreg:$0x11]  }
0x10f: {  	s12 =	rddreg [dreg:$0x16];
	[sflag:s9] =	ssyncadd.s32 @p0 $0xFFFFE700  }
0x110: {  	[hbm:s10], [sflag:s11] =	dma.local @p0 [spmem:s12], $0x190  }
0x111: {  	_ =	swait.ge @p0 [sflag:s9], $0x190  }
0x112: {  	[sflag:s9] =	ssyncset.done @p0 $0x0;
	s18 =	rddreg [dreg:$0xc]  }
0x113: {  	s12 =	rddreg [dreg:$0xe];
	[sflag:s9] =	ssyncadd.s32 @p0 $0xFFFFFE70;
	s9 =	sshrl.u32 @!p0 s18, $0x3  }
0x114: {  	[hbm:s12], [sflag:s11] =	dma.local @!p0 [spmem:s9], $0x2800  }
0x115: {  	s9 =	simm.s32 @!p0 $0x3  }
0x116: {  	_ =	swait.ge @!p0 [sflag:s9], $0x2800  }
0x117: {  	s10 =	smov.u32 s11;
	[sflag:s9] =	ssyncset.done @!p0 $0x0;
	s19 =	rddreg [dreg:$0xd]  }
0x118: {  	s11 =	rddreg [dreg:$0xf];
	[sflag:s9] =	ssyncadd.s32 @!p0 $0xFFFFD800;
	s12 =	sshrl.u32 @!p0 s19, $0x3  }
0x119: {  	[hbm:s11], [sflag:s10] =	dma.local @!p0 [spmem:s12], $0x280  }
0x11a: {  	_ =	swait.ge @!p0 [sflag:s9], $0x280  }
0x11b: {  	s11 =	smov.u32 s10;
	s10 =	rddreg [dreg:$0x17]  }
0x11c: {  	s12 =	sadd.s32 $0x1, s10;
	s10 =	rddreg [dreg:$0x12]  }
0x11d: {  	p1 =	sne.s32 s12, s10  }
.Ltmp2:
0x11e: {  	_ = 	snop;
	(pc) =	sbr.rel @p1 .LBB2_1-.Ltmp2, $3  }
0x11f: {  	_ =	sdelay $0x1  }
0x120: {  	[sflag:s9] =	ssyncset.done @!p0 $0x0  }
0x121: {  	[sflag:s9] =	ssyncadd.s32 @!p0 $0xFFFFFD80  }
0x122: {  	_ =	sfence.sel $0x180000  }
0x123: {  	[bflag:$0x0] =	sbarrier.arrive $0xFFFF  }
0x124: {  	_ =	strace $0x90000047  }
0x125: {  	s0 =	stileid.u32;
	[bflag:$0x2] =	sbarrier.arrive $0xFFFF  }
0x126: {  	p0 =	sne.s32 s0, $0x0;
	s0 =	rddreg [dreg:$0x5]  }
0x127: {  	s0 =	sadd.s32 @!p0 $0x100000, s0  }
0x128: {  	[sflag:s0] =	ssyncadd.tile.s32 @!p0 $0x1;
	_ =	shalt  }
.Lfunc_end2:
_tile_overlayer_lowered:
.L_overlay_start_2:
0x129: {  	(tag) =	ssettag $0x2  }
0x12a: {  	s0 =	rddreg [dreg:$0x0];
	s2 =	stileid.u32  }
0x12b: {  	s1 =	rddreg [dreg:$0x1];
	p0 =	sne.s32 s2, $0x0  }
0x12c: {  	s3 =	rddreg [dreg:$0x2];
	[bflag:$0x3] =	sbarrier.arrive $0xFFFF;
	s2 =	simm.s32 @!p0 $0x1C03  }
0x12d: {  	[timem:s3], [sflag:s2] =	dma.local @!p0 [hbm:s0], s1  }
0x12e: {  	s0 =	simm.s32 @!p0 $0x3  }
0x12f: {  	_ =	swait.ge @!p0 [sflag:s0], s1  }
0x130: {  	s1 =	ssub.s32 @!p0 $0x0, s1;
	[sflag:s0] =	ssyncset.done @!p0 $0x0  }
0x131: {  	[sflag:s0] =	ssyncadd.s32 @!p0 s1  }
0x132: {  	[bflag:$0x3] =	sbarrier.arrive $0xFFFF  }
0x133: {  	_ =	shalt  }

</sc_bundles>
